<compile_context>
chip_gen: v7x
topology: tpu7x:2x2x1
jax: 0.10.2.dev20260603
libtpu: 0.0.44.dev20260713+nightly
codegen_flags: <defaults>
</compile_context>

<pallas_src>
import functools

import jax
import jax.numpy as jnp
from jax import lax
from jax.experimental import pallas as pl
from jax.experimental.pallas import tpu as pltpu
from jax.experimental.pallas import tpu_sc as plsc

DIM = 64
BATCH = 16384
GRP = 8
N_GRP = 125000

_NC = 2
_NS = 16
_NW = _NC * _NS
_B_PER_W = BATCH // _NW
_VECS = _B_PER_W // 16

_mesh = plsc.VectorSubcoreMesh(core_axis_name="c", subcore_axis_name="s")


@functools.partial(
    pl.kernel,
    mesh=_mesh,
    out_type=jax.ShapeDtypeStruct((BATCH, DIM), jnp.float32),
    scratch_types=[
        pltpu.VMEM((_B_PER_W,), jnp.int32),
        pltpu.VMEM((_B_PER_W, DIM), jnp.float32),
        pltpu.SemaphoreType.DMA((4,)),
        pltpu.SemaphoreType.DMA,
    ],
    compiler_params=pltpu.CompilerParams(needs_layout_passes=False),
)
def _gather_rows(idx_hbm, tab_hbm, out_hbm, idx_v, sel_v, sems, osem):
    wid = lax.axis_index("s") * _NC + lax.axis_index("c")
    base = wid * _B_PER_W
    _QW = _B_PER_W // 4

    def make_issue(q):
        def issue_body(g, _):
            vec = idx_v[pl.ds(g * 16, 16)]
            gv = lax.shift_right_logical(vec, 3)
            sv = jnp.bitwise_and(vec, 7)
            for i in range(16):
                gi = lax.squeeze(lax.slice(gv, (i,), (i + 1,)), (0,))
                si = lax.squeeze(lax.slice(sv, (i,), (i + 1,)), (0,))
                pltpu.async_copy(
                    tab_hbm.at[gi, si], sel_v.at[g * 16 + i], sems.at[q]
                )
            return ()

        return issue_body

    pltpu.sync_copy(idx_hbm.at[pl.ds(base, _B_PER_W)], idx_v)
    for q in range(4):
        lax.fori_loop(
            q * (_QW // 16), (q + 1) * (_QW // 16), make_issue(q), (),
            unroll=False,
        )
    for q in range(4):
        pltpu.make_async_copy(
            out_hbm.at[pl.ds(0, _QW), :],
            sel_v.at[pl.ds(q * _QW, _QW), :],
            sems.at[q],
        ).wait()
        pltpu.async_copy(
            sel_v.at[pl.ds(q * _QW, _QW), :],
            out_hbm.at[pl.ds(base + q * _QW, _QW), :],
            osem,
        )
    for q in range(4):
        pltpu.make_async_copy(
            out_hbm.at[pl.ds(0, _QW), :],
            sel_v.at[pl.ds(0, _QW), :],
            osem,
        ).wait()


def kernel(ind, z):
    if ind.ndim == 0:
        ind = ind.reshape((1,))
    z3 = z.reshape(N_GRP, GRP, DIM)
    out = _gather_rows(ind, z3)
    return out.reshape(ind.shape[0], 1, DIM)

# --- scband reference (transcript-rebuilt; emitter-appended) ---
"""Pipeline reference for scband-latent-code-44092134261123 (READ-ONLY COPY).

The authoritative reference and input builder live on the scoring server;
editing this copy changes nothing except your own understanding.
"""

import jax, jax.numpy as jnp
import numpy as np

N_IDEN = 1000000
DIM = 64
BATCH = 16384


def setup_inputs(seed: int = 0) -> dict:
    key = jax.random.key(seed)
    k1, k2 = jax.random.split(key)
    ind = jax.random.randint(k1, (BATCH,), 0, N_IDEN, dtype=jnp.int32)
    # learned parameter: latent code table, initialized randn * std + mean
    z = jax.random.normal(k2, (N_IDEN, DIM), dtype=jnp.float32) * 1.0 + 0.0
    return {"ind": ind, "z": z}


def reference(ind, z):
    # normalize=False, so the exposed z is the raw parameter table
    if ind.ndim == 0:
        ind = ind.reshape((1,))
    # z[ind[:, None]] -> gather rows with an extra singleton axis: [B, 1, DIM]
    out = z[ind[:, None]]
    return out

if __name__ == "__main__":
    import jax
    _d = setup_inputs()
    print(jax.jit(kernel)(*tuple(_d.values())))

</pallas_src>

<mosaic_0001>
#map = affine_map<(d0, d1) -> (0)>
#map1 = affine_map<(d0, d1) -> (0, 0, 0)>
#map2 = affine_map<(d0, d1) -> (0, 0)>
module attributes {stable_mosaic.version = 14 : i64} {
  func.func @_gather_rows(%arg0: i32, %arg1: i32, %arg2: memref<16384xi32, #tpu.memory_space<hbm>>, %arg3: memref<125000x8x64xf32, #tpu.memory_space<hbm>>, %arg4: memref<16384x64xf32, #tpu.memory_space<hbm>>, %arg5: memref<512xi32, #tpu.memory_space<vmem>>, %arg6: memref<512x64xf32, #tpu.memory_space<vmem>>, %arg7: memref<4x!tpu.dma_semaphore, #tpu.memory_space<semaphore_mem>>, %arg8: memref<!tpu.dma_semaphore, #tpu.memory_space<semaphore_mem>>) attributes {dimension_semantics = [#tpu.dimension_semantics<core_parallel>, #tpu.dimension_semantics<subcore_parallel>], iteration_bounds = array<i64: 2, 16>, scalar_prefetch = 0 : i64, scratch_operands = 4 : i64, tpu.core_type = #tpu.core_type<sc_vector_subcore>, window_params = [{transform_indices = #map}, {transform_indices = #map1}, {transform_indices = #map2}]} {
    %mul3A = arith.constant 2 : i32
    %mul3A_0 = arith.muli %arg1, %mul3A : i32
    %add3A = arith.addi %mul3A_0, %arg0 : i32
    %mul3A_1 = arith.constant 512 : i32
    %mul3A_2 = arith.muli %add3A, %mul3A_1 : i32
    "tpu.region"() ({
      %run_scoped3A = tpu.sem_alloc : memref<!tpu.dma_semaphore, #tpu.memory_space<semaphore_mem>>
      %dma_start3A_176 = tpu.memref_slice %arg2[%mul3A_2] : memref<16384xi32, #tpu.memory_space<hbm>> -> memref<512xi32, #tpu.memory_space<hbm>>
      %dma_start3A_177 = tpu.memref_slice %arg2[%mul3A_2] : memref<16384xi32, #tpu.memory_space<hbm>> -> memref<512xi32, #tpu.memory_space<hbm>>
      tpu.enqueue_dma source(%dma_start3A_177 : memref<512xi32, #tpu.memory_space<hbm>>) target(%arg5 : memref<512xi32, #tpu.memory_space<vmem>>) target_semaphore(%run_scoped3A : memref<!tpu.dma_semaphore, #tpu.memory_space<semaphore_mem>>)
      %dma_wait3A_178 = tpu.memref_slice %arg2[%mul3A_2] : memref<16384xi32, #tpu.memory_space<hbm>> -> memref<512xi32, #tpu.memory_space<hbm>>
      %dma_wait3A_179 = tpu.memref_slice %arg2[%mul3A_2] : memref<16384xi32, #tpu.memory_space<hbm>> -> memref<512xi32, #tpu.memory_space<hbm>>
      tpu.wait_dma2 semaphore(%run_scoped3A : memref<!tpu.dma_semaphore, #tpu.memory_space<semaphore_mem>>) src(%dma_wait3A_179 : memref<512xi32, #tpu.memory_space<hbm>>) dst(%arg5 : memref<512xi32, #tpu.memory_space<vmem>>)
      tpu.yield
    }) : () -> ()
    %scan3A = arith.constant 0 : i32
    %scan3A_3 = arith.constant 8 : i32
    %scan3A_4 = arith.addi %scan3A, %scan3A_3 : i32
    %scan3A_5 = arith.constant 1 : i32
    scf.for %scan3A_176 = %scan3A to %scan3A_4 step %scan3A_5  : i32 {
      %mul3A_177 = arith.constant 16 : i32
      %mul3A_178 = arith.muli %scan3A_176, %mul3A_177 : i32
      %get3A = arith.index_cast %mul3A_178 : i32 to index
      %get3A_179 = tpu.vector_load %arg5[%get3A] {strides = array<i32>} : memref<512xi32, #tpu.memory_space<vmem>>, vector<16xi32>,
      %shift_right_logical3A = arith.constant 3 : i32
      %shift_right_logical3A_180 = vector.broadcast %shift_right_logical3A : i32 to vector<16xi32>
      %shift_right_logical3A_181 = arith.shrui %get3A_179, %shift_right_logical3A_180 : vector<16xi32>
      %and3A = arith.constant 7 : i32
      %and3A_182 = vector.broadcast %and3A : i32 to vector<16xi32>
      %and3A_183 = arith.andi %get3A_179, %and3A_182 : vector<16xi32>
      %slice3A = vector.extract_strided_slice %shift_right_logical3A_181 {offsets = [0], sizes = [1], strides = [1]} : vector<16xi32> to vector<1xi32>
      %squeeze3A = vector.extract %slice3A[0] : i32 from vector<1xi32>
      %slice3A_184 = vector.extract_strided_slice %and3A_183 {offsets = [0], sizes = [1], strides = [1]} : vector<16xi32> to vector<1xi32>
      %squeeze3A_185 = vector.extract %slice3A_184[0] : i32 from vector<1xi32>
      %mul3A_186 = arith.constant 16 : i32
      %mul3A_187 = arith.muli %scan3A_176, %mul3A_186 : i32
      %add3A_188 = arith.constant 0 : i32
      %add3A_189 = arith.addi %mul3A_187, %add3A_188 : i32
      %dma_start3A_190 = arith.constant 0 : i32
      %dma_start3A_191 = arith.constant 0 : i32
      %dma_start3A_192 = tpu.memref_slice %arg6[%add3A_189, %dma_start3A_191] : memref<512x64xf32, #tpu.memory_space<vmem>> -> memref<1x64xf32, #tpu.memory_space<vmem>>
      %dma_start3A_193 = tpu.memref_squeeze %dma_start3A_192 : memref<1x64xf32, #tpu.memory_space<vmem>> -> memref<64xf32, #tpu.memory_space<vmem>>
      %dma_start3A_194 = arith.constant 0 : i32
      %dma_start3A_195 = tpu.memref_slice %arg3[%squeeze3A, %squeeze3A_185, %dma_start3A_194] : memref<125000x8x64xf32, #tpu.memory_space<hbm>> -> memref<1x1x64xf32, #tpu.memory_space<hbm>>
      %dma_start3A_196 = tpu.memref_squeeze %dma_start3A_195 : memref<1x1x64xf32, #tpu.memory_space<hbm>> -> memref<64xf32, #tpu.memory_space<hbm>>
      %dma_start3A_197 = tpu.memref_slice %arg7[%dma_start3A_190] : memref<4x!tpu.dma_semaphore, #tpu.memory_space<semaphore_mem>> -> memref<1x!tpu.dma_semaphore, #tpu.memory_space<semaphore_mem>>
      %dma_start3A_198 = tpu.memref_squeeze %dma_start3A_197 : memref<1x!tpu.dma_semaphore, #tpu.memory_space<semaphore_mem>> -> memref<!tpu.dma_semaphore, #tpu.memory_space<semaphore_mem>>
      %dma_start3A_199 = arith.constant 0 : i32
      %dma_start3A_200 = tpu.memref_slice %arg6[%add3A_189, %dma_start3A_199] : memref<512x64xf32, #tpu.memory_space<vmem>> -> memref<1x64xf32, #tpu.memory_space<vmem>>
      %dma_start3A_201 = tpu.memref_squeeze %dma_start3A_200 : memref<1x64xf32, #tpu.memory_space<vmem>> -> memref<64xf32, #tpu.memory_space<vmem>>
      %dma_start3A_202 = arith.constant 0 : i32
      %dma_start3A_203 = tpu.memref_slice %arg3[%squeeze3A, %squeeze3A_185, %dma_start3A_202] : memref<125000x8x64xf32, #tpu.memory_space<hbm>> -> memref<1x1x64xf32, #tpu.memory_space<hbm>>
      %dma_start3A_204 = tpu.memref_squeeze %dma_start3A_203 : memref<1x1x64xf32, #tpu.memory_space<hbm>> -> memref<64xf32, #tpu.memory_space<hbm>>
      tpu.enqueue_dma source(%dma_start3A_204 : memref<64xf32, #tpu.memory_space<hbm>>) target(%dma_start3A_201 : memref<64xf32, #tpu.memory_space<vmem>>) target_semaphore(%dma_start3A_198 : memref<!tpu.dma_semaphore, #tpu.memory_space<semaphore_mem>>)
      %slice3A_205 = vector.extract_strided_slice %shift_right_logical3A_181 {offsets = [1], sizes = [1], strides = [1]} : vector<16xi32> to vector<1xi32>
      %squeeze3A_206 = vector.extract %slice3A_205[0] : i32 from vector<1xi32>
      %slice3A_207 = vector.extract_strided_slice %and3A_183 {offsets = [1], sizes = [1], strides = [1]} : vector<16xi32> to vector<1xi32>
      %squeeze3A_208 = vector.extract %slice3A_207[0] : i32 from vector<1xi32>
      %mul3A_209 = arith.constant 16 : i32
      %mul3A_210 = arith.muli %scan3A_176, %mul3A_209 : i32
      %add3A_211 = arith.constant 1 : i32
      %add3A_212 = arith.addi %mul3A_210, %add3A_211 : i32
      %dma_start3A_213 = arith.constant 0 : i32
      %dma_start3A_214 = arith.constant 0 : i32
      %dma_start3A_215 = tpu.memref_slice %arg6[%add3A_212, %dma_start3A_214] : memref<512x64xf32, #tpu.memory_space<vmem>> -> memref<1x64xf32, #tpu.memory_space<vmem>>
      %dma_start3A_216 = tpu.memref_squeeze %dma_start3A_215 : memref<1x64xf32, #tpu.memory_space<vmem>> -> memref<64xf32, #tpu.memory_space<vmem>>
      %dma_start3A_217 = arith.constant 0 : i32
      %dma_start3A_218 = tpu.memref_slice %arg3[%squeeze3A_206, %squeeze3A_208, %dma_start3A_217] : memref<125000x8x64xf32, #tpu.memory_space<hbm>> -> memref<1x1x64xf32, #tpu.memory_space<hbm>>
      %dma_start3A_219 = tpu.memref_squeeze %dma_start3A_218 : memref<1x1x64xf32, #tpu.memory_space<hbm>> -> memref<64xf32, #tpu.memory_space<hbm>>
      %dma_start3A_220 = tpu.memref_slice %arg7[%dma_start3A_213] : memref<4x!tpu.dma_semaphore, #tpu.memory_space<semaphore_mem>> -> memref<1x!tpu.dma_semaphore, #tpu.memory_space<semaphore_mem>>
      %dma_start3A_221 = tpu.memref_squeeze %dma_start3A_220 : memref<1x!tpu.dma_semaphore, #tpu.memory_space<semaphore_mem>> -> memref<!tpu.dma_semaphore, #tpu.memory_space<semaphore_mem>>
      %dma_start3A_222 = arith.constant 0 : i32
      %dma_start3A_223 = tpu.memref_slice %arg6[%add3A_212, %dma_start3A_222] : memref<512x64xf32, #tpu.memory_space<vmem>> -> memref<1x64xf32, #tpu.memory_space<vmem>>
      %dma_start3A_224 = tpu.memref_squeeze %dma_start3A_223 : memref<1x64xf32, #tpu.memory_space<vmem>> -> memref<64xf32, #tpu.memory_space<vmem>>
      %dma_start3A_225 = arith.constant 0 : i32
      %dma_start3A_226 = tpu.memref_slice %arg3[%squeeze3A_206, %squeeze3A_208, %dma_start3A_225] : memref<125000x8x64xf32, #tpu.memory_space<hbm>> -> memref<1x1x64xf32, #tpu.memory_space<hbm>>
      %dma_start3A_227 = tpu.memref_squeeze %dma_start3A_226 : memref<1x1x64xf32, #tpu.memory_space<hbm>> -> memref<64xf32, #tpu.memory_space<hbm>>
      tpu.enqueue_dma source(%dma_start3A_227 : memref<64xf32, #tpu.memory_space<hbm>>) target(%dma_start3A_224 : memref<64xf32, #tpu.memory_space<vmem>>) target_semaphore(%dma_start3A_221 : memref<!tpu.dma_semaphore, #tpu.memory_space<semaphore_mem>>)
      %slice3A_228 = vector.extract_strided_slice %shift_right_logical3A_181 {offsets = [2], sizes = [1], strides = [1]} : vector<16xi32> to vector<1xi32>
      %squeeze3A_229 = vector.extract %slice3A_228[0] : i32 from vector<1xi32>
      %slice3A_230 = vector.extract_strided_slice %and3A_183 {offsets = [2], sizes = [1], strides = [1]} : vector<16xi32> to vector<1xi32>
      %squeeze3A_231 = vector.extract %slice3A_230[0] : i32 from vector<1xi32>
      %mul3A_232 = arith.constant 16 : i32
      %mul3A_233 = arith.muli %scan3A_176, %mul3A_232 : i32
      %add3A_234 = arith.constant 2 : i32
      %add3A_235 = arith.addi %mul3A_233, %add3A_234 : i32
      %dma_start3A_236 = arith.constant 0 : i32
      %dma_start3A_237 = arith.constant 0 : i32
      %dma_start3A_238 = tpu.memref_slice %arg6[%add3A_235, %dma_start3A_237] : memref<512x64xf32, #tpu.memory_space<vmem>> -> memref<1x64xf32, #tpu.memory_space<vmem>>
      %dma_start3A_239 = tpu.memref_squeeze %dma_start3A_238 : memref<1x64xf32, #tpu.memory_space<vmem>> -> memref<64xf32, #tpu.memory_space<vmem>>
      %dma_start3A_240 = arith.constant 0 : i32
      %dma_start3A_241 = tpu.memref_slice %arg3[%squeeze3A_229, %squeeze3A_231, %dma_start3A_240] : memref<125000x8x64xf32, #tpu.memory_space<hbm>> -> memref<1x1x64xf32, #tpu.memory_space<hbm>>
      %dma_start3A_242 = tpu.memref_squeeze %dma_start3A_241 : memref<1x1x64xf32, #tpu.memory_space<hbm>> -> memref<64xf32, #tpu.memory_space<hbm>>
      %dma_start3A_243 = tpu.memref_slice %arg7[%dma_start3A_236] : memref<4x!tpu.dma_semaphore, #tpu.memory_space<semaphore_mem>> -> memref<1x!tpu.dma_semaphore, #tpu.memory_space<semaphore_mem>>
      %dma_start3A_244 = tpu.memref_squeeze %dma_start3A_243 : memref<1x!tpu.dma_semaphore, #tpu.memory_space<semaphore_mem>> -> memref<!tpu.dma_semaphore, #tpu.memory_space<semaphore_mem>>
      %dma_start3A_245 = arith.constant 0 : i32
      %dma_start3A_246 = tpu.memref_slice %arg6[%add3A_235, %dma_start3A_245] : memref<512x64xf32, #tpu.memory_space<vmem>> -> memref<1x64xf32, #tpu.memory_space<vmem>>
      %dma_start3A_247 = tpu.memref_squeeze %dma_start3A_246 : memref<1x64xf32, #tpu.memory_space<vmem>> -> memref<64xf32, #tpu.memory_space<vmem>>
      %dma_start3A_248 = arith.constant 0 : i32
      %dma_start3A_249 = tpu.memref_slice %arg3[%squeeze3A_229, %squeeze3A_231, %dma_start3A_248] : memref<125000x8x64xf32, #tpu.memory_space<hbm>> -> memref<1x1x64xf32, #tpu.memory_space<hbm>>
      %dma_start3A_250 = tpu.memref_squeeze %dma_start3A_249 : memref<1x1x64xf32, #tpu.memory_space<hbm>> -> memref<64xf32, #tpu.memory_space<hbm>>
      tpu.enqueue_dma source(%dma_start3A_250 : memref<64xf32, #tpu.memory_space<hbm>>) target(%dma_start3A_247 : memref<64xf32, #tpu.memory_space<vmem>>) target_semaphore(%dma_start3A_244 : memref<!tpu.dma_semaphore, #tpu.memory_space<semaphore_mem>>)
      %slice3A_251 = vector.extract_strided_slice %shift_right_logical3A_181 {offsets = [3], sizes = [1], strides = [1]} : vector<16xi32> to vector<1xi32>
      %squeeze3A_252 = vector.extract %slice3A_251[0] : i32 from vector<1xi32>
      %slice3A_253 = vector.extract_strided_slice %and3A_183 {offsets = [3], sizes = [1], strides = [1]} : vector<16xi32> to vector<1xi32>
      %squeeze3A_254 = vector.extract %slice3A_253[0] : i32 from vector<1xi32>
      %mul3A_255 = arith.constant 16 : i32
      %mul3A_256 = arith.muli %scan3A_176, %mul3A_255 : i32
      %add3A_257 = arith.constant 3 : i32
      %add3A_258 = arith.addi %mul3A_256, %add3A_257 : i32
      %dma_start3A_259 = arith.constant 0 : i32
      %dma_start3A_260 = arith.constant 0 : i32
      %dma_start3A_261 = tpu.memref_slice %arg6[%add3A_258, %dma_start3A_260] : memref<512x64xf32, #tpu.memory_space<vmem>> -> memref<1x64xf32, #tpu.memory_space<vmem>>
      %dma_start3A_262 = tpu.memref_squeeze %dma_start3A_261 : memref<1x64xf32, #tpu.memory_space<vmem>> -> memref<64xf32, #tpu.memory_space<vmem>>
      %dma_start3A_263 = arith.constant 0 : i32
      %dma_start3A_264 = tpu.memref_slice %arg3[%squeeze3A_252, %squeeze3A_254, %dma_start3A_263] : memref<125000x8x64xf32, #tpu.memory_space<hbm>> -> memref<1x1x64xf32, #tpu.memory_space<hbm>>
      %dma_start3A_265 = tpu.memref_squeeze %dma_start3A_264 : memref<1x1x64xf32, #tpu.memory_space<hbm>> -> memref<64xf32, #tpu.memory_space<hbm>>
      %dma_start3A_266 = tpu.memref_slice %arg7[%dma_start3A_259] : memref<4x!tpu.dma_semaphore, #tpu.memory_space<semaphore_mem>> -> memref<1x!tpu.dma_semaphore, #tpu.memory_space<semaphore_mem>>
      %dma_start3A_267 = tpu.memref_squeeze %dma_start3A_266 : memref<1x!tpu.dma_semaphore, #tpu.memory_space<semaphore_mem>> -> memref<!tpu.dma_semaphore, #tpu.memory_space<semaphore_mem>>
      %dma_start3A_268 = arith.constant 0 : i32
      %dma_start3A_269 = tpu.memref_slice %arg6[%add3A_258, %dma_start3A_268] : memref<512x64xf32, #tpu.memory_space<vmem>> -> memref<1x64xf32, #tpu.memory_space<vmem>>
      %dma_start3A_270 = tpu.memref_squeeze %dma_start3A_269 : memref<1x64xf32, #tpu.memory_space<vmem>> -> memref<64xf32, #tpu.memory_space<vmem>>
      %dma_start3A_271 = arith.constant 0 : i32
      %dma_start3A_272 = tpu.memref_slice %arg3[%squeeze3A_252, %squeeze3A_254, %dma_start3A_271] : memref<125000x8x64xf32, #tpu.memory_space<hbm>> -> memref<1x1x64xf32, #tpu.memory_space<hbm>>
      %dma_start3A_273 = tpu.memref_squeeze %dma_start3A_272 : memref<1x1x64xf32, #tpu.memory_space<hbm>> -> memref<64xf32, #tpu.memory_space<hbm>>
      tpu.enqueue_dma source(%dma_start3A_273 : memref<64xf32, #tpu.memory_space<hbm>>) target(%dma_start3A_270 : memref<64xf32, #tpu.memory_space<vmem>>) target_semaphore(%dma_start3A_267 : memref<!tpu.dma_semaphore, #tpu.memory_space<semaphore_mem>>)
      %slice3A_274 = vector.extract_strided_slice %shift_right_logical3A_181 {offsets = [4], sizes = [1], strides = [1]} : vector<16xi32> to vector<1xi32>
      %squeeze3A_275 = vector.extract %slice3A_274[0] : i32 from vector<1xi32>
      %slice3A_276 = vector.extract_strided_slice %and3A_183 {offsets = [4], sizes = [1], strides = [1]} : vector<16xi32> to vector<1xi32>
      %squeeze3A_277 = vector.extract %slice3A_276[0] : i32 from vector<1xi32>
      %mul3A_278 = arith.constant 16 : i32
      %mul3A_279 = arith.muli %scan3A_176, %mul3A_278 : i32
      %add3A_280 = arith.constant 4 : i32
      %add3A_281 = arith.addi %mul3A_279, %add3A_280 : i32
      %dma_start3A_282 = arith.constant 0 : i32
      %dma_start3A_283 = arith.constant 0 : i32
      %dma_start3A_284 = tpu.memref_slice %arg6[%add3A_281, %dma_start3A_283] : memref<512x64xf32, #tpu.memory_space<vmem>> -> memref<1x64xf32, #tpu.memory_space<vmem>>
      %dma_start3A_285 = tpu.memref_squeeze %dma_start3A_284 : memref<1x64xf32, #tpu.memory_space<vmem>> -> memref<64xf32, #tpu.memory_space<vmem>>
      %dma_start3A_286 = arith.constant 0 : i32
      %dma_start3A_287 = tpu.memref_slice %arg3[%squeeze3A_275, %squeeze3A_277, %dma_start3A_286] : memref<125000x8x64xf32, #tpu.memory_space<hbm>> -> memref<1x1x64xf32, #tpu.memory_space<hbm>>
      %dma_start3A_288 = tpu.memref_squeeze %dma_start3A_287 : memref<1x1x64xf32, #tpu.memory_space<hbm>> -> memref<64xf32, #tpu.memory_space<hbm>>
      %dma_start3A_289 = tpu.memref_slice %arg7[%dma_start3A_282] : memref<4x!tpu.dma_semaphore, #tpu.memory_space<semaphore_mem>> -> memref<1x!tpu.dma_semaphore, #tpu.memory_space<semaphore_mem>>
      %dma_start3A_290 = tpu.memref_squeeze %dma_start3A_289 : memref<1x!tpu.dma_semaphore, #tpu.memory_space<semaphore_mem>> -> memref<!tpu.dma_semaphore, #tpu.memory_space<semaphore_mem>>
      %dma_start3A_291 = arith.constant 0 : i32
      %dma_start3A_292 = tpu.memref_slice %arg6[%add3A_281, %dma_start3A_291] : memref<512x64xf32, #tpu.memory_space<vmem>> -> memref<1x64xf32, #tpu.memory_space<vmem>>
      %dma_start3A_293 = tpu.memref_squeeze %dma_start3A_292 : memref<1x64xf32, #tpu.memory_space<vmem>> -> memref<64xf32, #tpu.memory_space<vmem>>
      %dma_start3A_294 = arith.constant 0 : i32
      %dma_start3A_295 = tpu.memref_slice %arg3[%squeeze3A_275, %squeeze3A_277, %dma_start3A_294] : memref<125000x8x64xf32, #tpu.memory_space<hbm>> -> memref<1x1x64xf32, #tpu.memory_space<hbm>>
      %dma_start3A_296 = tpu.memref_squeeze %dma_start3A_295 : memref<1x1x64xf32, #tpu.memory_space<hbm>> -> memref<64xf32, #tpu.memory_space<hbm>>
      tpu.enqueue_dma source(%dma_start3A_296 : memref<64xf32, #tpu.memory_space<hbm>>) target(%dma_start3A_293 : memref<64xf32, #tpu.memory_space<vmem>>) target_semaphore(%dma_start3A_290 : memref<!tpu.dma_semaphore, #tpu.memory_space<semaphore_mem>>)
      %slice3A_297 = vector.extract_strided_slice %shift_right_logical3A_181 {offsets = [5], sizes = [1], strides = [1]} : vector<16xi32> to vector<1xi32>
      %squeeze3A_298 = vector.extract %slice3A_297[0] : i32 from vector<1xi32>
      %slice3A_299 = vector.extract_strided_slice %and3A_183 {offsets = [5], sizes = [1], strides = [1]} : vector<16xi32> to vector<1xi32>
      %squeeze3A_300 = vector.extract %slice3A_299[0] : i32 from vector<1xi32>
      %mul3A_301 = arith.constant 16 : i32
      %mul3A_302 = arith.muli %scan3A_176, %mul3A_301 : i32
      %add3A_303 = arith.constant 5 : i32
      %add3A_304 = arith.addi %mul3A_302, %add3A_303 : i32
      %dma_start3A_305 = arith.constant 0 : i32
      %dma_start3A_306 = arith.constant 0 : i32
      %dma_start3A_307 = tpu.memref_slice %arg6[%add3A_304, %dma_start3A_306] : memref<512x64xf32, #tpu.memory_space<vmem>> -> memref<1x64xf32, #tpu.memory_space<vmem>>
      %dma_start3A_308 = tpu.memref_squeeze %dma_start3A_307 : memref<1x64xf32, #tpu.memory_space<vmem>> -> memref<64xf32, #tpu.memory_space<vmem>>
      %dma_start3A_309 = arith.constant 0 : i32
      %dma_start3A_310 = tpu.memref_slice %arg3[%squeeze3A_298, %squeeze3A_300, %dma_start3A_309] : memref<125000x8x64xf32, #tpu.memory_space<hbm>> -> memref<1x1x64xf32, #tpu.memory_space<hbm>>
      %dma_start3A_311 = tpu.memref_squeeze %dma_start3A_310 : memref<1x1x64xf32, #tpu.memory_space<hbm>> -> memref<64xf32, #tpu.memory_space<hbm>>
      %dma_start3A_312 = tpu.memref_slice %arg7[%dma_start3A_305] : memref<4x!tpu.dma_semaphore, #tpu.memory_space<semaphore_mem>> -> memref<1x!tpu.dma_semaphore, #tpu.memory_space<semaphore_mem>>
      %dma_start3A_313 = tpu.memref_squeeze %dma_start3A_312 : memref<1x!tpu.dma_semaphore, #tpu.memory_space<semaphore_mem>> -> memref<!tpu.dma_semaphore, #tpu.memory_space<semaphore_mem>>
      %dma_start3A_314 = arith.constant 0 : i32
      %dma_start3A_315 = tpu.memref_slice %arg6[%add3A_304, %dma_start3A_314] : memref<512x64xf32, #tpu.memory_space<vmem>> -> memref<1x64xf32, #tpu.memory_space<vmem>>
      %dma_start3A_316 = tpu.memref_squeeze %dma_start3A_315 : memref<1x64xf32, #tpu.memory_space<vmem>> -> memref<64xf32, #tpu.memory_space<vmem>>
      %dma_start3A_317 = arith.constant 0 : i32
      %dma_start3A_318 = tpu.memref_slice %arg3[%squeeze3A_298, %squeeze3A_300, %dma_start3A_317] : memref<125000x8x64xf32, #tpu.memory_space<hbm>> -> memref<1x1x64xf32, #tpu.memory_space<hbm>>
      %dma_start3A_319 = tpu.memref_squeeze %dma_start3A_318 : memref<1x1x64xf32, #tpu.memory_space<hbm>> -> memref<64xf32, #tpu.memory_space<hbm>>
      tpu.enqueue_dma source(%dma_start3A_319 : memref<64xf32, #tpu.memory_space<hbm>>) target(%dma_start3A_316 : memref<64xf32, #tpu.memory_space<vmem>>) target_semaphore(%dma_start3A_313 : memref<!tpu.dma_semaphore, #tpu.memory_space<semaphore_mem>>)
      %slice3A_320 = vector.extract_strided_slice %shift_right_logical3A_181 {offsets = [6], sizes = [1], strides = [1]} : vector<16xi32> to vector<1xi32>
      %squeeze3A_321 = vector.extract %slice3A_320[0] : i32 from vector<1xi32>
      %slice3A_322 = vector.extract_strided_slice %and3A_183 {offsets = [6], sizes = [1], strides = [1]} : vector<16xi32> to vector<1xi32>
      %squeeze3A_323 = vector.extract %slice3A_322[0] : i32 from vector<1xi32>
      %mul3A_324 = arith.constant 16 : i32
      %mul3A_325 = arith.muli %scan3A_176, %mul3A_324 : i32
      %add3A_326 = arith.constant 6 : i32
      %add3A_327 = arith.addi %mul3A_325, %add3A_326 : i32
      %dma_start3A_328 = arith.constant 0 : i32
      %dma_start3A_329 = arith.constant 0 : i32
      %dma_start3A_330 = tpu.memref_slice %arg6[%add3A_327, %dma_start3A_329] : memref<512x64xf32, #tpu.memory_space<vmem>> -> memref<1x64xf32, #tpu.memory_space<vmem>>
      %dma_start3A_331 = tpu.memref_squeeze %dma_start3A_330 : memref<1x64xf32, #tpu.memory_space<vmem>> -> memref<64xf32, #tpu.memory_space<vmem>>
      %dma_start3A_332 = arith.constant 0 : i32
      %dma_start3A_333 = tpu.memref_slice %arg3[%squeeze3A_321, %squeeze3A_323, %dma_start3A_332] : memref<125000x8x64xf32, #tpu.memory_space<hbm>> -> memref<1x1x64xf32, #tpu.memory_space<hbm>>
      %dma_start3A_334 = tpu.memref_squeeze %dma_start3A_333 : memref<1x1x64xf32, #tpu.memory_space<hbm>> -> memref<64xf32, #tpu.memory_space<hbm>>
      %dma_start3A_335 = tpu.memref_slice %arg7[%dma_start3A_328] : memref<4x!tpu.dma_semaphore, #tpu.memory_space<semaphore_mem>> -> memref<1x!tpu.dma_semaphore, #tpu.memory_space<semaphore_mem>>
      %dma_start3A_336 = tpu.memref_squeeze %dma_start3A_335 : memref<1x!tpu.dma_semaphore, #tpu.memory_space<semaphore_mem>> -> memref<!tpu.dma_semaphore, #tpu.memory_space<semaphore_mem>>
      %dma_start3A_337 = arith.constant 0 : i32
      %dma_start3A_338 = tpu.memref_slice %arg6[%add3A_327, %dma_start3A_337] : memref<512x64xf32, #tpu.memory_space<vmem>> -> memref<1x64xf32, #tpu.memory_space<vmem>>
      %dma_start3A_339 = tpu.memref_squeeze %dma_start3A_338 : memref<1x64xf32, #tpu.memory_space<vmem>> -> memref<64xf32, #tpu.memory_space<vmem>>
      %dma_start3A_340 = arith.constant 0 : i32
      %dma_start3A_341 = tpu.memref_slice %arg3[%squeeze3A_321, %squeeze3A_323, %dma_start3A_340] : memref<125000x8x64xf32, #tpu.memory_space<hbm>> -> memref<1x1x64xf32, #tpu.memory_space<hbm>>
      %dma_start3A_342 = tpu.memref_squeeze %dma_start3A_341 : memref<1x1x64xf32, #tpu.memory_space<hbm>> -> memref<64xf32, #tpu.memory_space<hbm>>
      tpu.enqueue_dma source(%dma_start3A_342 : memref<64xf32, #tpu.memory_space<hbm>>) target(%dma_start3A_339 : memref<64xf32, #tpu.memory_space<vmem>>) target_semaphore(%dma_start3A_336 : memref<!tpu.dma_semaphore, #tpu.memory_space<semaphore_mem>>)
      %slice3A_343 = vector.extract_strided_slice %shift_right_logical3A_181 {offsets = [7], sizes = [1], strides = [1]} : vector<16xi32> to vector<1xi32>
      %squeeze3A_344 = vector.extract %slice3A_343[0] : i32 from vector<1xi32>
      %slice3A_345 = vector.extract_strided_slice %and3A_183 {offsets = [7], sizes = [1], strides = [1]} : vector<16xi32> to vector<1xi32>
      %squeeze3A_346 = vector.extract %slice3A_345[0] : i32 from vector<1xi32>
      %mul3A_347 = arith.constant 16 : i32
      %mul3A_348 = arith.muli %scan3A_176, %mul3A_347 : i32
      %add3A_349 = arith.constant 7 : i32
      %add3A_350 = arith.addi %mul3A_348, %add3A_349 : i32
      %dma_start3A_351 = arith.constant 0 : i32
      %dma_start3A_352 = arith.constant 0 : i32
      %dma_start3A_353 = tpu.memref_slice %arg6[%add3A_350, %dma_start3A_352] : memref<512x64xf32, #tpu.memory_space<vmem>> -> memref<1x64xf32, #tpu.memory_space<vmem>>
      %dma_start3A_354 = tpu.memref_squeeze %dma_start3A_353 : memref<1x64xf32, #tpu.memory_space<vmem>> -> memref<64xf32, #tpu.memory_space<vmem>>
      %dma_start3A_355 = arith.constant 0 : i32
      %dma_start3A_356 = tpu.memref_slice %arg3[%squeeze3A_344, %squeeze3A_346, %dma_start3A_355] : memref<125000x8x64xf32, #tpu.memory_space<hbm>> -> memref<1x1x64xf32, #tpu.memory_space<hbm>>
      %dma_start3A_357 = tpu.memref_squeeze %dma_start3A_356 : memref<1x1x64xf32, #tpu.memory_space<hbm>> -> memref<64xf32, #tpu.memory_space<hbm>>
      %dma_start3A_358 = tpu.memref_slice %arg7[%dma_start3A_351] : memref<4x!tpu.dma_semaphore, #tpu.memory_space<semaphore_mem>> -> memref<1x!tpu.dma_semaphore, #tpu.memory_space<semaphore_mem>>
      %dma_start3A_359 = tpu.memref_squeeze %dma_start3A_358 : memref<1x!tpu.dma_semaphore, #tpu.memory_space<semaphore_mem>> -> memref<!tpu.dma_semaphore, #tpu.memory_space<semaphore_mem>>
      %dma_start3A_360 = arith.constant 0 : i32
      %dma_start3A_361 = tpu.memref_slice %arg6[%add3A_350, %dma_start3A_360] : memref<512x64xf32, #tpu.memory_space<vmem>> -> memref<1x64xf32, #tpu.memory_space<vmem>>
      %dma_start3A_362 = tpu.memref_squeeze %dma_start3A_361 : memref<1x64xf32, #tpu.memory_space<vmem>> -> memref<64xf32, #tpu.memory_space<vmem>>
      %dma_start3A_363 = arith.constant 0 : i32
      %dma_start3A_364 = tpu.memref_slice %arg3[%squeeze3A_344, %squeeze3A_346, %dma_start3A_363] : memref<125000x8x64xf32, #tpu.memory_space<hbm>> -> memref<1x1x64xf32, #tpu.memory_space<hbm>>
      %dma_start3A_365 = tpu.memref_squeeze %dma_start3A_364 : memref<1x1x64xf32, #tpu.memory_space<hbm>> -> memref<64xf32, #tpu.memory_space<hbm>>
      tpu.enqueue_dma source(%dma_start3A_365 : memref<64xf32, #tpu.memory_space<hbm>>) target(%dma_start3A_362 : memref<64xf32, #tpu.memory_space<vmem>>) target_semaphore(%dma_start3A_359 : memref<!tpu.dma_semaphore, #tpu.memory_space<semaphore_mem>>)
      %slice3A_366 = vector.extract_strided_slice %shift_right_logical3A_181 {offsets = [8], sizes = [1], strides = [1]} : vector<16xi32> to vector<1xi32>
      %squeeze3A_367 = vector.extract %slice3A_366[0] : i32 from vector<1xi32>
      %slice3A_368 = vector.extract_strided_slice %and3A_183 {offsets = [8], sizes = [1], strides = [1]} : vector<16xi32> to vector<1xi32>
      %squeeze3A_369 = vector.extract %slice3A_368[0] : i32 from vector<1xi32>
      %mul3A_370 = arith.constant 16 : i32
      %mul3A_371 = arith.muli %scan3A_176, %mul3A_370 : i32
      %add3A_372 = arith.constant 8 : i32
      %add3A_373 = arith.addi %mul3A_371, %add3A_372 : i32
      %dma_start3A_374 = arith.constant 0 : i32
      %dma_start3A_375 = arith.constant 0 : i32
      %dma_start3A_376 = tpu.memref_slice %arg6[%add3A_373, %dma_start3A_375] : memref<512x64xf32, #tpu.memory_space<vmem>> -> memref<1x64xf32, #tpu.memory_space<vmem>>
      %dma_start3A_377 = tpu.memref_squeeze %dma_start3A_376 : memref<1x64xf32, #tpu.memory_space<vmem>> -> memref<64xf32, #tpu.memory_space<vmem>>
      %dma_start3A_378 = arith.constant 0 : i32
      %dma_start3A_379 = tpu.memref_slice %arg3[%squeeze3A_367, %squeeze3A_369, %dma_start3A_378] : memref<125000x8x64xf32, #tpu.memory_space<hbm>> -> memref<1x1x64xf32, #tpu.memory_space<hbm>>
      %dma_start3A_380 = tpu.memref_squeeze %dma_start3A_379 : memref<1x1x64xf32, #tpu.memory_space<hbm>> -> memref<64xf32, #tpu.memory_space<hbm>>
      %dma_start3A_381 = tpu.memref_slice %arg7[%dma_start3A_374] : memref<4x!tpu.dma_semaphore, #tpu.memory_space<semaphore_mem>> -> memref<1x!tpu.dma_semaphore, #tpu.memory_space<semaphore_mem>>
      %dma_start3A_382 = tpu.memref_squeeze %dma_start3A_381 : memref<1x!tpu.dma_semaphore, #tpu.memory_space<semaphore_mem>> -> memref<!tpu.dma_semaphore, #tpu.memory_space<semaphore_mem>>
      %dma_start3A_383 = arith.constant 0 : i32
      %dma_start3A_384 = tpu.memref_slice %arg6[%add3A_373, %dma_start3A_383] : memref<512x64xf32, #tpu.memory_space<vmem>> -> memref<1x64xf32, #tpu.memory_space<vmem>>
      %dma_start3A_385 = tpu.memref_squeeze %dma_start3A_384 : memref<1x64xf32, #tpu.memory_space<vmem>> -> memref<64xf32, #tpu.memory_space<vmem>>
      %dma_start3A_386 = arith.constant 0 : i32
      %dma_start3A_387 = tpu.memref_slice %arg3[%squeeze3A_367, %squeeze3A_369, %dma_start3A_386] : memref<125000x8x64xf32, #tpu.memory_space<hbm>> -> memref<1x1x64xf32, #tpu.memory_space<hbm>>
      %dma_start3A_388 = tpu.memref_squeeze %dma_start3A_387 : memref<1x1x64xf32, #tpu.memory_space<hbm>> -> memref<64xf32, #tpu.memory_space<hbm>>
      tpu.enqueue_dma source(%dma_start3A_388 : memref<64xf32, #tpu.memory_space<hbm>>) target(%dma_start3A_385 : memref<64xf32, #tpu.memory_space<vmem>>) target_semaphore(%dma_start3A_382 : memref<!tpu.dma_semaphore, #tpu.memory_space<semaphore_mem>>)
      %slice3A_389 = vector.extract_strided_slice %shift_right_logical3A_181 {offsets = [9], sizes = [1], strides = [1]} : vector<16xi32> to vector<1xi32>
      %squeeze3A_390 = vector.extract %slice3A_389[0] : i32 from vector<1xi32>
      %slice3A_391 = vector.extract_strided_slice %and3A_183 {offsets = [9], sizes = [1], strides = [1]} : vector<16xi32> to vector<1xi32>
      %squeeze3A_392 = vector.extract %slice3A_391[0] : i32 from vector<1xi32>
      %mul3A_393 = arith.constant 16 : i32
      %mul3A_394 = arith.muli %scan3A_176, %mul3A_393 : i32
      %add3A_395 = arith.constant 9 : i32
      %add3A_396 = arith.addi %mul3A_394, %add3A_395 : i32
      %dma_start3A_397 = arith.constant 0 : i32
      %dma_start3A_398 = arith.constant 0 : i32
      %dma_start3A_399 = tpu.memref_slice %arg6[%add3A_396, %dma_start3A_398] : memref<512x64xf32, #tpu.memory_space<vmem>> -> memref<1x64xf32, #tpu.memory_space<vmem>>
      %dma_start3A_400 = tpu.memref_squeeze %dma_start3A_399 : memref<1x64xf32, #tpu.memory_space<vmem>> -> memref<64xf32, #tpu.memory_space<vmem>>
      %dma_start3A_401 = arith.constant 0 : i32
      %dma_start3A_402 = tpu.memref_slice %arg3[%squeeze3A_390, %squeeze3A_392, %dma_start3A_401] : memref<125000x8x64xf32, #tpu.memory_space<hbm>> -> memref<1x1x64xf32, #tpu.memory_space<hbm>>
      %dma_start3A_403 = tpu.memref_squeeze %dma_start3A_402 : memref<1x1x64xf32, #tpu.memory_space<hbm>> -> memref<64xf32, #tpu.memory_space<hbm>>
      %dma_start3A_404 = tpu.memref_slice %arg7[%dma_start3A_397] : memref<4x!tpu.dma_semaphore, #tpu.memory_space<semaphore_mem>> -> memref<1x!tpu.dma_semaphore, #tpu.memory_space<semaphore_mem>>
      %dma_start3A_405 = tpu.memref_squeeze %dma_start3A_404 : memref<1x!tpu.dma_semaphore, #tpu.memory_space<semaphore_mem>> -> memref<!tpu.dma_semaphore, #tpu.memory_space<semaphore_mem>>
      %dma_start3A_406 = arith.constant 0 : i32
      %dma_start3A_407 = tpu.memref_slice %arg6[%add3A_396, %dma_start3A_406] : memref<512x64xf32, #tpu.memory_space<vmem>> -> memref<1x64xf32, #tpu.memory_space<vmem>>
      %dma_start3A_408 = tpu.memref_squeeze %dma_start3A_407 : memref<1x64xf32, #tpu.memory_space<vmem>> -> memref<64xf32, #tpu.memory_space<vmem>>
      %dma_start3A_409 = arith.constant 0 : i32
      %dma_start3A_410 = tpu.memref_slice %arg3[%squeeze3A_390, %squeeze3A_392, %dma_start3A_409] : memref<125000x8x64xf32, #tpu.memory_space<hbm>> -> memref<1x1x64xf32, #tpu.memory_space<hbm>>
      %dma_start3A_411 = tpu.memref_squeeze %dma_start3A_410 : memref<1x1x64xf32, #tpu.memory_space<hbm>> -> memref<64xf32, #tpu.memory_space<hbm>>
      tpu.enqueue_dma source(%dma_start3A_411 : memref<64xf32, #tpu.memory_space<hbm>>) target(%dma_start3A_408 : memref<64xf32, #tpu.memory_space<vmem>>) target_semaphore(%dma_start3A_405 : memref<!tpu.dma_semaphore, #tpu.memory_space<semaphore_mem>>)
      %slice3A_412 = vector.extract_strided_slice %shift_right_logical3A_181 {offsets = [10], sizes = [1], strides = [1]} : vector<16xi32> to vector<1xi32>
      %squeeze3A_413 = vector.extract %slice3A_412[0] : i32 from vector<1xi32>
      %slice3A_414 = vector.extract_strided_slice %and3A_183 {offsets = [10], sizes = [1], strides = [1]} : vector<16xi32> to vector<1xi32>
      %squeeze3A_415 = vector.extract %slice3A_414[0] : i32 from vector<1xi32>
      %mul3A_416 = arith.constant 16 : i32
      %mul3A_417 = arith.muli %scan3A_176, %mul3A_416 : i32
      %add3A_418 = arith.constant 10 : i32
      %add3A_419 = arith.addi %mul3A_417, %add3A_418 : i32
      %dma_start3A_420 = arith.constant 0 : i32
      %dma_start3A_421 = arith.constant 0 : i32
      %dma_start3A_422 = tpu.memref_slice %arg6[%add3A_419, %dma_start3A_421] : memref<512x64xf32, #tpu.memory_space<vmem>> -> memref<1x64xf32, #tpu.memory_space<vmem>>
      %dma_start3A_423 = tpu.memref_squeeze %dma_start3A_422 : memref<1x64xf32, #tpu.memory_space<vmem>> -> memref<64xf32, #tpu.memory_space<vmem>>
      %dma_start3A_424 = arith.constant 0 : i32
      %dma_start3A_425 = tpu.memref_slice %arg3[%squeeze3A_413, %squeeze3A_415, %dma_start3A_424] : memref<125000x8x64xf32, #tpu.memory_space<hbm>> -> memref<1x1x64xf32, #tpu.memory_space<hbm>>
      %dma_start3A_426 = tpu.memref_squeeze %dma_start3A_425 : memref<1x1x64xf32, #tpu.memory_space<hbm>> -> memref<64xf32, #tpu.memory_space<hbm>>
      %dma_start3A_427 = tpu.memref_slice %arg7[%dma_start3A_420] : memref<4x!tpu.dma_semaphore, #tpu.memory_space<semaphore_mem>> -> memref<1x!tpu.dma_semaphore, #tpu.memory_space<semaphore_mem>>
      %dma_start3A_428 = tpu.memref_squeeze %dma_start3A_427 : memref<1x!tpu.dma_semaphore, #tpu.memory_space<semaphore_mem>> -> memref<!tpu.dma_semaphore, #tpu.memory_space<semaphore_mem>>
      %dma_start3A_429 = arith.constant 0 : i32
      %dma_start3A_430 = tpu.memref_slice %arg6[%add3A_419, %dma_start3A_429] : memref<512x64xf32, #tpu.memory_space<vmem>> -> memref<1x64xf32, #tpu.memory_space<vmem>>
      %dma_start3A_431 = tpu.memref_squeeze %dma_start3A_430 : memref<1x64xf32, #tpu.memory_space<vmem>> -> memref<64xf32, #tpu.memory_space<vmem>>
      %dma_start3A_432 = arith.constant 0 : i32
      %dma_start3A_433 = tpu.memref_slice %arg3[%squeeze3A_413, %squeeze3A_415, %dma_start3A_432] : memref<125000x8x64xf32, #tpu.memory_space<hbm>> -> memref<1x1x64xf32, #tpu.memory_space<hbm>>
      %dma_start3A_434 = tpu.memref_squeeze %dma_start3A_433 : memref<1x1x64xf32, #tpu.memory_space<hbm>> -> memref<64xf32, #tpu.memory_space<hbm>>
      tpu.enqueue_dma source(%dma_start3A_434 : memref<64xf32, #tpu.memory_space<hbm>>) target(%dma_start3A_431 : memref<64xf32, #tpu.memory_space<vmem>>) target_semaphore(%dma_start3A_428 : memref<!tpu.dma_semaphore, #tpu.memory_space<semaphore_mem>>)
      %slice3A_435 = vector.extract_strided_slice %shift_right_logical3A_181 {offsets = [11], sizes = [1], strides = [1]} : vector<16xi32> to vector<1xi32>
      %squeeze3A_436 = vector.extract %slice3A_435[0] : i32 from vector<1xi32>
      %slice3A_437 = vector.extract_strided_slice %and3A_183 {offsets = [11], sizes = [1], strides = [1]} : vector<16xi32> to vector<1xi32>
      %squeeze3A_438 = vector.extract %slice3A_437[0] : i32 from vector<1xi32>
      %mul3A_439 = arith.constant 16 : i32
      %mul3A_440 = arith.muli %scan3A_176, %mul3A_439 : i32
      %add3A_441 = arith.constant 11 : i32
      %add3A_442 = arith.addi %mul3A_440, %add3A_441 : i32
      %dma_start3A_443 = arith.constant 0 : i32
      %dma_start3A_444 = arith.constant 0 : i32
      %dma_start3A_445 = tpu.memref_slice %arg6[%add3A_442, %dma_start3A_444] : memref<512x64xf32, #tpu.memory_space<vmem>> -> memref<1x64xf32, #tpu.memory_space<vmem>>
      %dma_start3A_446 = tpu.memref_squeeze %dma_start3A_445 : memref<1x64xf32, #tpu.memory_space<vmem>> -> memref<64xf32, #tpu.memory_space<vmem>>
      %dma_start3A_447 = arith.constant 0 : i32
      %dma_start3A_448 = tpu.memref_slice %arg3[%squeeze3A_436, %squeeze3A_438, %dma_start3A_447] : memref<125000x8x64xf32, #tpu.memory_space<hbm>> -> memref<1x1x64xf32, #tpu.memory_space<hbm>>
      %dma_start3A_449 = tpu.memref_squeeze %dma_start3A_448 : memref<1x1x64xf32, #tpu.memory_space<hbm>> -> memref<64xf32, #tpu.memory_space<hbm>>
      %dma_start3A_450 = tpu.memref_slice %arg7[%dma_start3A_443] : memref<4x!tpu.dma_semaphore, #tpu.memory_space<semaphore_mem>> -> memref<1x!tpu.dma_semaphore, #tpu.memory_space<semaphore_mem>>
      %dma_start3A_451 = tpu.memref_squeeze %dma_start3A_450 : memref<1x!tpu.dma_semaphore, #tpu.memory_space<semaphore_mem>> -> memref<!tpu.dma_semaphore, #tpu.memory_space<semaphore_mem>>
      %dma_start3A_452 = arith.constant 0 : i32
      %dma_start3A_453 = tpu.memref_slice %arg6[%add3A_442, %dma_start3A_452] : memref<512x64xf32, #tpu.memory_space<vmem>> -> memref<1x64xf32, #tpu.memory_space<vmem>>
      %dma_start3A_454 = tpu.memref_squeeze %dma_start3A_453 : memref<1x64xf32, #tpu.memory_space<vmem>> -> memref<64xf32, #tpu.memory_space<vmem>>
      %dma_start3A_455 = arith.constant 0 : i32
      %dma_start3A_456 = tpu.memref_slice %arg3[%squeeze3A_436, %squeeze3A_438, %dma_start3A_455] : memref<125000x8x64xf32, #tpu.memory_space<hbm>> -> memref<1x1x64xf32, #tpu.memory_space<hbm>>
      %dma_start3A_457 = tpu.memref_squeeze %dma_start3A_456 : memref<1x1x64xf32, #tpu.memory_space<hbm>> -> memref<64xf32, #tpu.memory_space<hbm>>
      tpu.enqueue_dma source(%dma_start3A_457 : memref<64xf32, #tpu.memory_space<hbm>>) target(%dma_start3A_454 : memref<64xf32, #tpu.memory_space<vmem>>) target_semaphore(%dma_start3A_451 : memref<!tpu.dma_semaphore, #tpu.memory_space<semaphore_mem>>)
      %slice3A_458 = vector.extract_strided_slice %shift_right_logical3A_181 {offsets = [12], sizes = [1], strides = [1]} : vector<16xi32> to vector<1xi32>
      %squeeze3A_459 = vector.extract %slice3A_458[0] : i32 from vector<1xi32>
      %slice3A_460 = vector.extract_strided_slice %and3A_183 {offsets = [12], sizes = [1], strides = [1]} : vector<16xi32> to vector<1xi32>
      %squeeze3A_461 = vector.extract %slice3A_460[0] : i32 from vector<1xi32>
      %mul3A_462 = arith.constant 16 : i32
      %mul3A_463 = arith.muli %scan3A_176, %mul3A_462 : i32
      %add3A_464 = arith.constant 12 : i32
      %add3A_465 = arith.addi %mul3A_463, %add3A_464 : i32
      %dma_start3A_466 = arith.constant 0 : i32
      %dma_start3A_467 = arith.constant 0 : i32
      %dma_start3A_468 = tpu.memref_slice %arg6[%add3A_465, %dma_start3A_467] : memref<512x64xf32, #tpu.memory_space<vmem>> -> memref<1x64xf32, #tpu.memory_space<vmem>>
      %dma_start3A_469 = tpu.memref_squeeze %dma_start3A_468 : memref<1x64xf32, #tpu.memory_space<vmem>> -> memref<64xf32, #tpu.memory_space<vmem>>
      %dma_start3A_470 = arith.constant 0 : i32
      %dma_start3A_471 = tpu.memref_slice %arg3[%squeeze3A_459, %squeeze3A_461, %dma_start3A_470] : memref<125000x8x64xf32, #tpu.memory_space<hbm>> -> memref<1x1x64xf32, #tpu.memory_space<hbm>>
      %dma_start3A_472 = tpu.memref_squeeze %dma_start3A_471 : memref<1x1x64xf32, #tpu.memory_space<hbm>> -> memref<64xf32, #tpu.memory_space<hbm>>
      %dma_start3A_473 = tpu.memref_slice %arg7[%dma_start3A_466] : memref<4x!tpu.dma_semaphore, #tpu.memory_space<semaphore_mem>> -> memref<1x!tpu.dma_semaphore, #tpu.memory_space<semaphore_mem>>
      %dma_start3A_474 = tpu.memref_squeeze %dma_start3A_473 : memref<1x!tpu.dma_semaphore, #tpu.memory_space<semaphore_mem>> -> memref<!tpu.dma_semaphore, #tpu.memory_space<semaphore_mem>>
      %dma_start3A_475 = arith.constant 0 : i32
      %dma_start3A_476 = tpu.memref_slice %arg6[%add3A_465, %dma_start3A_475] : memref<512x64xf32, #tpu.memory_space<vmem>> -> memref<1x64xf32, #tpu.memory_space<vmem>>
      %dma_start3A_477 = tpu.memref_squeeze %dma_start3A_476 : memref<1x64xf32, #tpu.memory_space<vmem>> -> memref<64xf32, #tpu.memory_space<vmem>>
      %dma_start3A_478 = arith.constant 0 : i32
      %dma_start3A_479 = tpu.memref_slice %arg3[%squeeze3A_459, %squeeze3A_461, %dma_start3A_478] : memref<125000x8x64xf32, #tpu.memory_space<hbm>> -> memref<1x1x64xf32, #tpu.memory_space<hbm>>
      %dma_start3A_480 = tpu.memref_squeeze %dma_start3A_479 : memref<1x1x64xf32, #tpu.memory_space<hbm>> -> memref<64xf32, #tpu.memory_space<hbm>>
      tpu.enqueue_dma source(%dma_start3A_480 : memref<64xf32, #tpu.memory_space<hbm>>) target(%dma_start3A_477 : memref<64xf32, #tpu.memory_space<vmem>>) target_semaphore(%dma_start3A_474 : memref<!tpu.dma_semaphore, #tpu.memory_space<semaphore_mem>>)
      %slice3A_481 = vector.extract_strided_slice %shift_right_logical3A_181 {offsets = [13], sizes = [1], strides = [1]} : vector<16xi32> to vector<1xi32>
      %squeeze3A_482 = vector.extract %slice3A_481[0] : i32 from vector<1xi32>
      %slice3A_483 = vector.extract_strided_slice %and3A_183 {offsets = [13], sizes = [1], strides = [1]} : vector<16xi32> to vector<1xi32>
      %squeeze3A_484 = vector.extract %slice3A_483[0] : i32 from vector<1xi32>
      %mul3A_485 = arith.constant 16 : i32
      %mul3A_486 = arith.muli %scan3A_176, %mul3A_485 : i32
      %add3A_487 = arith.constant 13 : i32
      %add3A_488 = arith.addi %mul3A_486, %add3A_487 : i32
      %dma_start3A_489 = arith.constant 0 : i32
      %dma_start3A_490 = arith.constant 0 : i32
      %dma_start3A_491 = tpu.memref_slice %arg6[%add3A_488, %dma_start3A_490] : memref<512x64xf32, #tpu.memory_space<vmem>> -> memref<1x64xf32, #tpu.memory_space<vmem>>
      %dma_start3A_492 = tpu.memref_squeeze %dma_start3A_491 : memref<1x64xf32, #tpu.memory_space<vmem>> -> memref<64xf32, #tpu.memory_space<vmem>>
      %dma_start3A_493 = arith.constant 0 : i32
      %dma_start3A_494 = tpu.memref_slice %arg3[%squeeze3A_482, %squeeze3A_484, %dma_start3A_493] : memref<125000x8x64xf32, #tpu.memory_space<hbm>> -> memref<1x1x64xf32, #tpu.memory_space<hbm>>
      %dma_start3A_495 = tpu.memref_squeeze %dma_start3A_494 : memref<1x1x64xf32, #tpu.memory_space<hbm>> -> memref<64xf32, #tpu.memory_space<hbm>>
      %dma_start3A_496 = tpu.memref_slice %arg7[%dma_start3A_489] : memref<4x!tpu.dma_semaphore, #tpu.memory_space<semaphore_mem>> -> memref<1x!tpu.dma_semaphore, #tpu.memory_space<semaphore_mem>>
      %dma_start3A_497 = tpu.memref_squeeze %dma_start3A_496 : memref<1x!tpu.dma_semaphore, #tpu.memory_space<semaphore_mem>> -> memref<!tpu.dma_semaphore, #tpu.memory_space<semaphore_mem>>
      %dma_start3A_498 = arith.constant 0 : i32
      %dma_start3A_499 = tpu.memref_slice %arg6[%add3A_488, %dma_start3A_498] : memref<512x64xf32, #tpu.memory_space<vmem>> -> memref<1x64xf32, #tpu.memory_space<vmem>>
      %dma_start3A_500 = tpu.memref_squeeze %dma_start3A_499 : memref<1x64xf32, #tpu.memory_space<vmem>> -> memref<64xf32, #tpu.memory_space<vmem>>
      %dma_start3A_501 = arith.constant 0 : i32
      %dma_start3A_502 = tpu.memref_slice %arg3[%squeeze3A_482, %squeeze3A_484, %dma_start3A_501] : memref<125000x8x64xf32, #tpu.memory_space<hbm>> -> memref<1x1x64xf32, #tpu.memory_space<hbm>>
      %dma_start3A_503 = tpu.memref_squeeze %dma_start3A_502 : memref<1x1x64xf32, #tpu.memory_space<hbm>> -> memref<64xf32, #tpu.memory_space<hbm>>
      tpu.enqueue_dma source(%dma_start3A_503 : memref<64xf32, #tpu.memory_space<hbm>>) target(%dma_start3A_500 : memref<64xf32, #tpu.memory_space<vmem>>) target_semaphore(%dma_start3A_497 : memref<!tpu.dma_semaphore, #tpu.memory_space<semaphore_mem>>)
      %slice3A_504 = vector.extract_strided_slice %shift_right_logical3A_181 {offsets = [14], sizes = [1], strides = [1]} : vector<16xi32> to vector<1xi32>
      %squeeze3A_505 = vector.extract %slice3A_504[0] : i32 from vector<1xi32>
      %slice3A_506 = vector.extract_strided_slice %and3A_183 {offsets = [14], sizes = [1], strides = [1]} : vector<16xi32> to vector<1xi32>
      %squeeze3A_507 = vector.extract %slice3A_506[0] : i32 from vector<1xi32>
      %mul3A_508 = arith.constant 16 : i32
      %mul3A_509 = arith.muli %scan3A_176, %mul3A_508 : i32
      %add3A_510 = arith.constant 14 : i32
      %add3A_511 = arith.addi %mul3A_509, %add3A_510 : i32
      %dma_start3A_512 = arith.constant 0 : i32
      %dma_start3A_513 = arith.constant 0 : i32
      %dma_start3A_514 = tpu.memref_slice %arg6[%add3A_511, %dma_start3A_513] : memref<512x64xf32, #tpu.memory_space<vmem>> -> memref<1x64xf32, #tpu.memory_space<vmem>>
      %dma_start3A_515 = tpu.memref_squeeze %dma_start3A_514 : memref<1x64xf32, #tpu.memory_space<vmem>> -> memref<64xf32, #tpu.memory_space<vmem>>
      %dma_start3A_516 = arith.constant 0 : i32
      %dma_start3A_517 = tpu.memref_slice %arg3[%squeeze3A_505, %squeeze3A_507, %dma_start3A_516] : memref<125000x8x64xf32, #tpu.memory_space<hbm>> -> memref<1x1x64xf32, #tpu.memory_space<hbm>>
      %dma_start3A_518 = tpu.memref_squeeze %dma_start3A_517 : memref<1x1x64xf32, #tpu.memory_space<hbm>> -> memref<64xf32, #tpu.memory_space<hbm>>
      %dma_start3A_519 = tpu.memref_slice %arg7[%dma_start3A_512] : memref<4x!tpu.dma_semaphore, #tpu.memory_space<semaphore_mem>> -> memref<1x!tpu.dma_semaphore, #tpu.memory_space<semaphore_mem>>
      %dma_start3A_520 = tpu.memref_squeeze %dma_start3A_519 : memref<1x!tpu.dma_semaphore, #tpu.memory_space<semaphore_mem>> -> memref<!tpu.dma_semaphore, #tpu.memory_space<semaphore_mem>>
      %dma_start3A_521 = arith.constant 0 : i32
      %dma_start3A_522 = tpu.memref_slice %arg6[%add3A_511, %dma_start3A_521] : memref<512x64xf32, #tpu.memory_space<vmem>> -> memref<1x64xf32, #tpu.memory_space<vmem>>
      %dma_start3A_523 = tpu.memref_squeeze %dma_start3A_522 : memref<1x64xf32, #tpu.memory_space<vmem>> -> memref<64xf32, #tpu.memory_space<vmem>>
      %dma_start3A_524 = arith.constant 0 : i32
      %dma_start3A_525 = tpu.memref_slice %arg3[%squeeze3A_505, %squeeze3A_507, %dma_start3A_524] : memref<125000x8x64xf32, #tpu.memory_space<hbm>> -> memref<1x1x64xf32, #tpu.memory_space<hbm>>
      %dma_start3A_526 = tpu.memref_squeeze %dma_start3A_525 : memref<1x1x64xf32, #tpu.memory_space<hbm>> -> memref<64xf32, #tpu.memory_space<hbm>>
      tpu.enqueue_dma source(%dma_start3A_526 : memref<64xf32, #tpu.memory_space<hbm>>) target(%dma_start3A_523 : memref<64xf32, #tpu.memory_space<vmem>>) target_semaphore(%dma_start3A_520 : memref<!tpu.dma_semaphore, #tpu.memory_space<semaphore_mem>>)
      %slice3A_527 = vector.extract_strided_slice %shift_right_logical3A_181 {offsets = [15], sizes = [1], strides = [1]} : vector<16xi32> to vector<1xi32>
      %squeeze3A_528 = vector.extract %slice3A_527[0] : i32 from vector<1xi32>
      %slice3A_529 = vector.extract_strided_slice %and3A_183 {offsets = [15], sizes = [1], strides = [1]} : vector<16xi32> to vector<1xi32>
      %squeeze3A_530 = vector.extract %slice3A_529[0] : i32 from vector<1xi32>
      %mul3A_531 = arith.constant 16 : i32
      %mul3A_532 = arith.muli %scan3A_176, %mul3A_531 : i32
      %add3A_533 = arith.constant 15 : i32
      %add3A_534 = arith.addi %mul3A_532, %add3A_533 : i32
      %dma_start3A_535 = arith.constant 0 : i32
      %dma_start3A_536 = arith.constant 0 : i32
      %dma_start3A_537 = tpu.memref_slice %arg6[%add3A_534, %dma_start3A_536] : memref<512x64xf32, #tpu.memory_space<vmem>> -> memref<1x64xf32, #tpu.memory_space<vmem>>
      %dma_start3A_538 = tpu.memref_squeeze %dma_start3A_537 : memref<1x64xf32, #tpu.memory_space<vmem>> -> memref<64xf32, #tpu.memory_space<vmem>>
      %dma_start3A_539 = arith.constant 0 : i32
      %dma_start3A_540 = tpu.memref_slice %arg3[%squeeze3A_528, %squeeze3A_530, %dma_start3A_539] : memref<125000x8x64xf32, #tpu.memory_space<hbm>> -> memref<1x1x64xf32, #tpu.memory_space<hbm>>
      %dma_start3A_541 = tpu.memref_squeeze %dma_start3A_540 : memref<1x1x64xf32, #tpu.memory_space<hbm>> -> memref<64xf32, #tpu.memory_space<hbm>>
      %dma_start3A_542 = tpu.memref_slice %arg7[%dma_start3A_535] : memref<4x!tpu.dma_semaphore, #tpu.memory_space<semaphore_mem>> -> memref<1x!tpu.dma_semaphore, #tpu.memory_space<semaphore_mem>>
      %dma_start3A_543 = tpu.memref_squeeze %dma_start3A_542 : memref<1x!tpu.dma_semaphore, #tpu.memory_space<semaphore_mem>> -> memref<!tpu.dma_semaphore, #tpu.memory_space<semaphore_mem>>
      %dma_start3A_544 = arith.constant 0 : i32
      %dma_start3A_545 = tpu.memref_slice %arg6[%add3A_534, %dma_start3A_544] : memref<512x64xf32, #tpu.memory_space<vmem>> -> memref<1x64xf32, #tpu.memory_space<vmem>>
      %dma_start3A_546 = tpu.memref_squeeze %dma_start3A_545 : memref<1x64xf32, #tpu.memory_space<vmem>> -> memref<64xf32, #tpu.memory_space<vmem>>
      %dma_start3A_547 = arith.constant 0 : i32
      %dma_start3A_548 = tpu.memref_slice %arg3[%squeeze3A_528, %squeeze3A_530, %dma_start3A_547] : memref<125000x8x64xf32, #tpu.memory_space<hbm>> -> memref<1x1x64xf32, #tpu.memory_space<hbm>>
      %dma_start3A_549 = tpu.memref_squeeze %dma_start3A_548 : memref<1x1x64xf32, #tpu.memory_space<hbm>> -> memref<64xf32, #tpu.memory_space<hbm>>
      tpu.enqueue_dma source(%dma_start3A_549 : memref<64xf32, #tpu.memory_space<hbm>>) target(%dma_start3A_546 : memref<64xf32, #tpu.memory_space<vmem>>) target_semaphore(%dma_start3A_543 : memref<!tpu.dma_semaphore, #tpu.memory_space<semaphore_mem>>)
    }
    %scan3A_6 = arith.constant 8 : i32
    %scan3A_7 = arith.constant 8 : i32
    %scan3A_8 = arith.constant 8 : i32
    %scan3A_9 = arith.addi %scan3A_7, %scan3A_8 : i32
    %scan3A_10 = arith.constant 1 : i32
    scf.for %scan3A_176 = %scan3A_7 to %scan3A_9 step %scan3A_10  : i32 {
      %mul3A_177 = arith.constant 16 : i32
      %mul3A_178 = arith.muli %scan3A_176, %mul3A_177 : i32
      %get3A = arith.index_cast %mul3A_178 : i32 to index
      %get3A_179 = tpu.vector_load %arg5[%get3A] {strides = array<i32>} : memref<512xi32, #tpu.memory_space<vmem>>, vector<16xi32>,
      %shift_right_logical3A = arith.constant 3 : i32
      %shift_right_logical3A_180 = vector.broadcast %shift_right_logical3A : i32 to vector<16xi32>
      %shift_right_logical3A_181 = arith.shrui %get3A_179, %shift_right_logical3A_180 : vector<16xi32>
      %and3A = arith.constant 7 : i32
      %and3A_182 = vector.broadcast %and3A : i32 to vector<16xi32>
      %and3A_183 = arith.andi %get3A_179, %and3A_182 : vector<16xi32>
      %slice3A = vector.extract_strided_slice %shift_right_logical3A_181 {offsets = [0], sizes = [1], strides = [1]} : vector<16xi32> to vector<1xi32>
      %squeeze3A = vector.extract %slice3A[0] : i32 from vector<1xi32>
      %slice3A_184 = vector.extract_strided_slice %and3A_183 {offsets = [0], sizes = [1], strides = [1]} : vector<16xi32> to vector<1xi32>
      %squeeze3A_185 = vector.extract %slice3A_184[0] : i32 from vector<1xi32>
      %mul3A_186 = arith.constant 16 : i32
      %mul3A_187 = arith.muli %scan3A_176, %mul3A_186 : i32
      %add3A_188 = arith.constant 0 : i32
      %add3A_189 = arith.addi %mul3A_187, %add3A_188 : i32
      %dma_start3A_190 = arith.constant 1 : i32
      %dma_start3A_191 = arith.constant 0 : i32
      %dma_start3A_192 = tpu.memref_slice %arg6[%add3A_189, %dma_start3A_191] : memref<512x64xf32, #tpu.memory_space<vmem>> -> memref<1x64xf32, #tpu.memory_space<vmem>>
      %dma_start3A_193 = tpu.memref_squeeze %dma_start3A_192 : memref<1x64xf32, #tpu.memory_space<vmem>> -> memref<64xf32, #tpu.memory_space<vmem>>
      %dma_start3A_194 = arith.constant 0 : i32
      %dma_start3A_195 = tpu.memref_slice %arg3[%squeeze3A, %squeeze3A_185, %dma_start3A_194] : memref<125000x8x64xf32, #tpu.memory_space<hbm>> -> memref<1x1x64xf32, #tpu.memory_space<hbm>>
      %dma_start3A_196 = tpu.memref_squeeze %dma_start3A_195 : memref<1x1x64xf32, #tpu.memory_space<hbm>> -> memref<64xf32, #tpu.memory_space<hbm>>
      %dma_start3A_197 = tpu.memref_slice %arg7[%dma_start3A_190] : memref<4x!tpu.dma_semaphore, #tpu.memory_space<semaphore_mem>> -> memref<1x!tpu.dma_semaphore, #tpu.memory_space<semaphore_mem>>
      %dma_start3A_198 = tpu.memref_squeeze %dma_start3A_197 : memref<1x!tpu.dma_semaphore, #tpu.memory_space<semaphore_mem>> -> memref<!tpu.dma_semaphore, #tpu.memory_space<semaphore_mem>>
      %dma_start3A_199 = arith.constant 0 : i32
      %dma_start3A_200 = tpu.memref_slice %arg6[%add3A_189, %dma_start3A_199] : memref<512x64xf32, #tpu.memory_space<vmem>> -> memref<1x64xf32, #tpu.memory_space<vmem>>
      %dma_start3A_201 = tpu.memref_squeeze %dma_start3A_200 : memref<1x64xf32, #tpu.memory_space<vmem>> -> memref<64xf32, #tpu.memory_space<vmem>>
      %dma_start3A_202 = arith.constant 0 : i32
      %dma_start3A_203 = tpu.memref_slice %arg3[%squeeze3A, %squeeze3A_185, %dma_start3A_202] : memref<125000x8x64xf32, #tpu.memory_space<hbm>> -> memref<1x1x64xf32, #tpu.memory_space<hbm>>
      %dma_start3A_204 = tpu.memref_squeeze %dma_start3A_203 : memref<1x1x64xf32, #tpu.memory_space<hbm>> -> memref<64xf32, #tpu.memory_space<hbm>>
      tpu.enqueue_dma source(%dma_start3A_204 : memref<64xf32, #tpu.memory_space<hbm>>) target(%dma_start3A_201 : memref<64xf32, #tpu.memory_space<vmem>>) target_semaphore(%dma_start3A_198 : memref<!tpu.dma_semaphore, #tpu.memory_space<semaphore_mem>>)
      %slice3A_205 = vector.extract_strided_slice %shift_right_logical3A_181 {offsets = [1], sizes = [1], strides = [1]} : vector<16xi32> to vector<1xi32>
      %squeeze3A_206 = vector.extract %slice3A_205[0] : i32 from vector<1xi32>
      %slice3A_207 = vector.extract_strided_slice %and3A_183 {offsets = [1], sizes = [1], strides = [1]} : vector<16xi32> to vector<1xi32>
      %squeeze3A_208 = vector.extract %slice3A_207[0] : i32 from vector<1xi32>
      %mul3A_209 = arith.constant 16 : i32
      %mul3A_210 = arith.muli %scan3A_176, %mul3A_209 : i32
      %add3A_211 = arith.constant 1 : i32
      %add3A_212 = arith.addi %mul3A_210, %add3A_211 : i32
      %dma_start3A_213 = arith.constant 1 : i32
      %dma_start3A_214 = arith.constant 0 : i32
      %dma_start3A_215 = tpu.memref_slice %arg6[%add3A_212, %dma_start3A_214] : memref<512x64xf32, #tpu.memory_space<vmem>> -> memref<1x64xf32, #tpu.memory_space<vmem>>
      %dma_start3A_216 = tpu.memref_squeeze %dma_start3A_215 : memref<1x64xf32, #tpu.memory_space<vmem>> -> memref<64xf32, #tpu.memory_space<vmem>>
      %dma_start3A_217 = arith.constant 0 : i32
      %dma_start3A_218 = tpu.memref_slice %arg3[%squeeze3A_206, %squeeze3A_208, %dma_start3A_217] : memref<125000x8x64xf32, #tpu.memory_space<hbm>> -> memref<1x1x64xf32, #tpu.memory_space<hbm>>
      %dma_start3A_219 = tpu.memref_squeeze %dma_start3A_218 : memref<1x1x64xf32, #tpu.memory_space<hbm>> -> memref<64xf32, #tpu.memory_space<hbm>>
      %dma_start3A_220 = tpu.memref_slice %arg7[%dma_start3A_213] : memref<4x!tpu.dma_semaphore, #tpu.memory_space<semaphore_mem>> -> memref<1x!tpu.dma_semaphore, #tpu.memory_space<semaphore_mem>>
      %dma_start3A_221 = tpu.memref_squeeze %dma_start3A_220 : memref<1x!tpu.dma_semaphore, #tpu.memory_space<semaphore_mem>> -> memref<!tpu.dma_semaphore, #tpu.memory_space<semaphore_mem>>
      %dma_start3A_222 = arith.constant 0 : i32
      %dma_start3A_223 = tpu.memref_slice %arg6[%add3A_212, %dma_start3A_222] : memref<512x64xf32, #tpu.memory_space<vmem>> -> memref<1x64xf32, #tpu.memory_space<vmem>>
      %dma_start3A_224 = tpu.memref_squeeze %dma_start3A_223 : memref<1x64xf32, #tpu.memory_space<vmem>> -> memref<64xf32, #tpu.memory_space<vmem>>
      %dma_start3A_225 = arith.constant 0 : i32
      %dma_start3A_226 = tpu.memref_slice %arg3[%squeeze3A_206, %squeeze3A_208, %dma_start3A_225] : memref<125000x8x64xf32, #tpu.memory_space<hbm>> -> memref<1x1x64xf32, #tpu.memory_space<hbm>>
      %dma_start3A_227 = tpu.memref_squeeze %dma_start3A_226 : memref<1x1x64xf32, #tpu.memory_space<hbm>> -> memref<64xf32, #tpu.memory_space<hbm>>
      tpu.enqueue_dma source(%dma_start3A_227 : memref<64xf32, #tpu.memory_space<hbm>>) target(%dma_start3A_224 : memref<64xf32, #tpu.memory_space<vmem>>) target_semaphore(%dma_start3A_221 : memref<!tpu.dma_semaphore, #tpu.memory_space<semaphore_mem>>)
      %slice3A_228 = vector.extract_strided_slice %shift_right_logical3A_181 {offsets = [2], sizes = [1], strides = [1]} : vector<16xi32> to vector<1xi32>
      %squeeze3A_229 = vector.extract %slice3A_228[0] : i32 from vector<1xi32>
      %slice3A_230 = vector.extract_strided_slice %and3A_183 {offsets = [2], sizes = [1], strides = [1]} : vector<16xi32> to vector<1xi32>
      %squeeze3A_231 = vector.extract %slice3A_230[0] : i32 from vector<1xi32>
      %mul3A_232 = arith.constant 16 : i32
      %mul3A_233 = arith.muli %scan3A_176, %mul3A_232 : i32
      %add3A_234 = arith.constant 2 : i32
      %add3A_235 = arith.addi %mul3A_233, %add3A_234 : i32
      %dma_start3A_236 = arith.constant 1 : i32
      %dma_start3A_237 = arith.constant 0 : i32
      %dma_start3A_238 = tpu.memref_slice %arg6[%add3A_235, %dma_start3A_237] : memref<512x64xf32, #tpu.memory_space<vmem>> -> memref<1x64xf32, #tpu.memory_space<vmem>>
      %dma_start3A_239 = tpu.memref_squeeze %dma_start3A_238 : memref<1x64xf32, #tpu.memory_space<vmem>> -> memref<64xf32, #tpu.memory_space<vmem>>
      %dma_start3A_240 = arith.constant 0 : i32
      %dma_start3A_241 = tpu.memref_slice %arg3[%squeeze3A_229, %squeeze3A_231, %dma_start3A_240] : memref<125000x8x64xf32, #tpu.memory_space<hbm>> -> memref<1x1x64xf32, #tpu.memory_space<hbm>>
      %dma_start3A_242 = tpu.memref_squeeze %dma_start3A_241 : memref<1x1x64xf32, #tpu.memory_space<hbm>> -> memref<64xf32, #tpu.memory_space<hbm>>
      %dma_start3A_243 = tpu.memref_slice %arg7[%dma_start3A_236] : memref<4x!tpu.dma_semaphore, #tpu.memory_space<semaphore_mem>> -> memref<1x!tpu.dma_semaphore, #tpu.memory_space<semaphore_mem>>
      %dma_start3A_244 = tpu.memref_squeeze %dma_start3A_243 : memref<1x!tpu.dma_semaphore, #tpu.memory_space<semaphore_mem>> -> memref<!tpu.dma_semaphore, #tpu.memory_space<semaphore_mem>>
      %dma_start3A_245 = arith.constant 0 : i32
      %dma_start3A_246 = tpu.memref_slice %arg6[%add3A_235, %dma_start3A_245] : memref<512x64xf32, #tpu.memory_space<vmem>> -> memref<1x64xf32, #tpu.memory_space<vmem>>
      %dma_start3A_247 = tpu.memref_squeeze %dma_start3A_246 : memref<1x64xf32, #tpu.memory_space<vmem>> -> memref<64xf32, #tpu.memory_space<vmem>>
      %dma_start3A_248 = arith.constant 0 : i32
      %dma_start3A_249 = tpu.memref_slice %arg3[%squeeze3A_229, %squeeze3A_231, %dma_start3A_248] : memref<125000x8x64xf32, #tpu.memory_space<hbm>> -> memref<1x1x64xf32, #tpu.memory_space<hbm>>
      %dma_start3A_250 = tpu.memref_squeeze %dma_start3A_249 : memref<1x1x64xf32, #tpu.memory_space<hbm>> -> memref<64xf32, #tpu.memory_space<hbm>>
      tpu.enqueue_dma source(%dma_start3A_250 : memref<64xf32, #tpu.memory_space<hbm>>) target(%dma_start3A_247 : memref<64xf32, #tpu.memory_space<vmem>>) target_semaphore(%dma_start3A_244 : memref<!tpu.dma_semaphore, #tpu.memory_space<semaphore_mem>>)
      %slice3A_251 = vector.extract_strided_slice %shift_right_logical3A_181 {offsets = [3], sizes = [1], strides = [1]} : vector<16xi32> to vector<1xi32>
      %squeeze3A_252 = vector.extract %slice3A_251[0] : i32 from vector<1xi32>
      %slice3A_253 = vector.extract_strided_slice %and3A_183 {offsets = [3], sizes = [1], strides = [1]} : vector<16xi32> to vector<1xi32>
      %squeeze3A_254 = vector.extract %slice3A_253[0] : i32 from vector<1xi32>
      %mul3A_255 = arith.constant 16 : i32
      %mul3A_256 = arith.muli %scan3A_176, %mul3A_255 : i32
      %add3A_257 = arith.constant 3 : i32
      %add3A_258 = arith.addi %mul3A_256, %add3A_257 : i32
      %dma_start3A_259 = arith.constant 1 : i32
      %dma_start3A_260 = arith.constant 0 : i32
      %dma_start3A_261 = tpu.memref_slice %arg6[%add3A_258, %dma_start3A_260] : memref<512x64xf32, #tpu.memory_space<vmem>> -> memref<1x64xf32, #tpu.memory_space<vmem>>
      %dma_start3A_262 = tpu.memref_squeeze %dma_start3A_261 : memref<1x64xf32, #tpu.memory_space<vmem>> -> memref<64xf32, #tpu.memory_space<vmem>>
      %dma_start3A_263 = arith.constant 0 : i32
      %dma_start3A_264 = tpu.memref_slice %arg3[%squeeze3A_252, %squeeze3A_254, %dma_start3A_263] : memref<125000x8x64xf32, #tpu.memory_space<hbm>> -> memref<1x1x64xf32, #tpu.memory_space<hbm>>
      %dma_start3A_265 = tpu.memref_squeeze %dma_start3A_264 : memref<1x1x64xf32, #tpu.memory_space<hbm>> -> memref<64xf32, #tpu.memory_space<hbm>>
      %dma_start3A_266 = tpu.memref_slice %arg7[%dma_start3A_259] : memref<4x!tpu.dma_semaphore, #tpu.memory_space<semaphore_mem>> -> memref<1x!tpu.dma_semaphore, #tpu.memory_space<semaphore_mem>>
      %dma_start3A_267 = tpu.memref_squeeze %dma_start3A_266 : memref<1x!tpu.dma_semaphore, #tpu.memory_space<semaphore_mem>> -> memref<!tpu.dma_semaphore, #tpu.memory_space<semaphore_mem>>
      %dma_start3A_268 = arith.constant 0 : i32
      %dma_start3A_269 = tpu.memref_slice %arg6[%add3A_258, %dma_start3A_268] : memref<512x64xf32, #tpu.memory_space<vmem>> -> memref<1x64xf32, #tpu.memory_space<vmem>>
      %dma_start3A_270 = tpu.memref_squeeze %dma_start3A_269 : memref<1x64xf32, #tpu.memory_space<vmem>> -> memref<64xf32, #tpu.memory_space<vmem>>
      %dma_start3A_271 = arith.constant 0 : i32
      %dma_start3A_272 = tpu.memref_slice %arg3[%squeeze3A_252, %squeeze3A_254, %dma_start3A_271] : memref<125000x8x64xf32, #tpu.memory_space<hbm>> -> memref<1x1x64xf32, #tpu.memory_space<hbm>>
      %dma_start3A_273 = tpu.memref_squeeze %dma_start3A_272 : memref<1x1x64xf32, #tpu.memory_space<hbm>> -> memref<64xf32, #tpu.memory_space<hbm>>
      tpu.enqueue_dma source(%dma_start3A_273 : memref<64xf32, #tpu.memory_space<hbm>>) target(%dma_start3A_270 : memref<64xf32, #tpu.memory_space<vmem>>) target_semaphore(%dma_start3A_267 : memref<!tpu.dma_semaphore, #tpu.memory_space<semaphore_mem>>)
      %slice3A_274 = vector.extract_strided_slice %shift_right_logical3A_181 {offsets = [4], sizes = [1], strides = [1]} : vector<16xi32> to vector<1xi32>
      %squeeze3A_275 = vector.extract %slice3A_274[0] : i32 from vector<1xi32>
      %slice3A_276 = vector.extract_strided_slice %and3A_183 {offsets = [4], sizes = [1], strides = [1]} : vector<16xi32> to vector<1xi32>
      %squeeze3A_277 = vector.extract %slice3A_276[0] : i32 from vector<1xi32>
      %mul3A_278 = arith.constant 16 : i32
      %mul3A_279 = arith.muli %scan3A_176, %mul3A_278 : i32
      %add3A_280 = arith.constant 4 : i32
      %add3A_281 = arith.addi %mul3A_279, %add3A_280 : i32
      %dma_start3A_282 = arith.constant 1 : i32
      %dma_start3A_283 = arith.constant 0 : i32
      %dma_start3A_284 = tpu.memref_slice %arg6[%add3A_281, %dma_start3A_283] : memref<512x64xf32, #tpu.memory_space<vmem>> -> memref<1x64xf32, #tpu.memory_space<vmem>>
      %dma_start3A_285 = tpu.memref_squeeze %dma_start3A_284 : memref<1x64xf32, #tpu.memory_space<vmem>> -> memref<64xf32, #tpu.memory_space<vmem>>
      %dma_start3A_286 = arith.constant 0 : i32
      %dma_start3A_287 = tpu.memref_slice %arg3[%squeeze3A_275, %squeeze3A_277, %dma_start3A_286] : memref<125000x8x64xf32, #tpu.memory_space<hbm>> -> memref<1x1x64xf32, #tpu.memory_space<hbm>>
      %dma_start3A_288 = tpu.memref_squeeze %dma_start3A_287 : memref<1x1x64xf32, #tpu.memory_space<hbm>> -> memref<64xf32, #tpu.memory_space<hbm>>
      %dma_start3A_289 = tpu.memref_slice %arg7[%dma_start3A_282] : memref<4x!tpu.dma_semaphore, #tpu.memory_space<semaphore_mem>> -> memref<1x!tpu.dma_semaphore, #tpu.memory_space<semaphore_mem>>
      %dma_start3A_290 = tpu.memref_squeeze %dma_start3A_289 : memref<1x!tpu.dma_semaphore, #tpu.memory_space<semaphore_mem>> -> memref<!tpu.dma_semaphore, #tpu.memory_space<semaphore_mem>>
      %dma_start3A_291 = arith.constant 0 : i32
      %dma_start3A_292 = tpu.memref_slice %arg6[%add3A_281, %dma_start3A_291] : memref<512x64xf32, #tpu.memory_space<vmem>> -> memref<1x64xf32, #tpu.memory_space<vmem>>
      %dma_start3A_293 = tpu.memref_squeeze %dma_start3A_292 : memref<1x64xf32, #tpu.memory_space<vmem>> -> memref<64xf32, #tpu.memory_space<vmem>>
      %dma_start3A_294 = arith.constant 0 : i32
      %dma_start3A_295 = tpu.memref_slice %arg3[%squeeze3A_275, %squeeze3A_277, %dma_start3A_294] : memref<125000x8x64xf32, #tpu.memory_space<hbm>> -> memref<1x1x64xf32, #tpu.memory_space<hbm>>
      %dma_start3A_296 = tpu.memref_squeeze %dma_start3A_295 : memref<1x1x64xf32, #tpu.memory_space<hbm>> -> memref<64xf32, #tpu.memory_space<hbm>>
      tpu.enqueue_dma source(%dma_start3A_296 : memref<64xf32, #tpu.memory_space<hbm>>) target(%dma_start3A_293 : memref<64xf32, #tpu.memory_space<vmem>>) target_semaphore(%dma_start3A_290 : memref<!tpu.dma_semaphore, #tpu.memory_space<semaphore_mem>>)
      %slice3A_297 = vector.extract_strided_slice %shift_right_logical3A_181 {offsets = [5], sizes = [1], strides = [1]} : vector<16xi32> to vector<1xi32>
      %squeeze3A_298 = vector.extract %slice3A_297[0] : i32 from vector<1xi32>
      %slice3A_299 = vector.extract_strided_slice %and3A_183 {offsets = [5], sizes = [1], strides = [1]} : vector<16xi32> to vector<1xi32>
      %squeeze3A_300 = vector.extract %slice3A_299[0] : i32 from vector<1xi32>
      %mul3A_301 = arith.constant 16 : i32
      %mul3A_302 = arith.muli %scan3A_176, %mul3A_301 : i32
      %add3A_303 = arith.constant 5 : i32
      %add3A_304 = arith.addi %mul3A_302, %add3A_303 : i32
      %dma_start3A_305 = arith.constant 1 : i32
      %dma_start3A_306 = arith.constant 0 : i32
      %dma_start3A_307 = tpu.memref_slice %arg6[%add3A_304, %dma_start3A_306] : memref<512x64xf32, #tpu.memory_space<vmem>> -> memref<1x64xf32, #tpu.memory_space<vmem>>
      %dma_start3A_308 = tpu.memref_squeeze %dma_start3A_307 : memref<1x64xf32, #tpu.memory_space<vmem>> -> memref<64xf32, #tpu.memory_space<vmem>>
      %dma_start3A_309 = arith.constant 0 : i32
      %dma_start3A_310 = tpu.memref_slice %arg3[%squeeze3A_298, %squeeze3A_300, %dma_start3A_309] : memref<125000x8x64xf32, #tpu.memory_space<hbm>> -> memref<1x1x64xf32, #tpu.memory_space<hbm>>
      %dma_start3A_311 = tpu.memref_squeeze %dma_start3A_310 : memref<1x1x64xf32, #tpu.memory_space<hbm>> -> memref<64xf32, #tpu.memory_space<hbm>>
      %dma_start3A_312 = tpu.memref_slice %arg7[%dma_start3A_305] : memref<4x!tpu.dma_semaphore, #tpu.memory_space<semaphore_mem>> -> memref<1x!tpu.dma_semaphore, #tpu.memory_space<semaphore_mem>>
      %dma_start3A_313 = tpu.memref_squeeze %dma_start3A_312 : memref<1x!tpu.dma_semaphore, #tpu.memory_space<semaphore_mem>> -> memref<!tpu.dma_semaphore, #tpu.memory_space<semaphore_mem>>
      %dma_start3A_314 = arith.constant 0 : i32
      %dma_start3A_315 = tpu.memref_slice %arg6[%add3A_304, %dma_start3A_314] : memref<512x64xf32, #tpu.memory_space<vmem>> -> memref<1x64xf32, #tpu.memory_space<vmem>>
      %dma_start3A_316 = tpu.memref_squeeze %dma_start3A_315 : memref<1x64xf32, #tpu.memory_space<vmem>> -> memref<64xf32, #tpu.memory_space<vmem>>
      %dma_start3A_317 = arith.constant 0 : i32
      %dma_start3A_318 = tpu.memref_slice %arg3[%squeeze3A_298, %squeeze3A_300, %dma_start3A_317] : memref<125000x8x64xf32, #tpu.memory_space<hbm>> -> memref<1x1x64xf32, #tpu.memory_space<hbm>>
      %dma_start3A_319 = tpu.memref_squeeze %dma_start3A_318 : memref<1x1x64xf32, #tpu.memory_space<hbm>> -> memref<64xf32, #tpu.memory_space<hbm>>
      tpu.enqueue_dma source(%dma_start3A_319 : memref<64xf32, #tpu.memory_space<hbm>>) target(%dma_start3A_316 : memref<64xf32, #tpu.memory_space<vmem>>) target_semaphore(%dma_start3A_313 : memref<!tpu.dma_semaphore, #tpu.memory_space<semaphore_mem>>)
      %slice3A_320 = vector.extract_strided_slice %shift_right_logical3A_181 {offsets = [6], sizes = [1], strides = [1]} : vector<16xi32> to vector<1xi32>
      %squeeze3A_321 = vector.extract %slice3A_320[0] : i32 from vector<1xi32>
      %slice3A_322 = vector.extract_strided_slice %and3A_183 {offsets = [6], sizes = [1], strides = [1]} : vector<16xi32> to vector<1xi32>
      %squeeze3A_323 = vector.extract %slice3A_322[0] : i32 from vector<1xi32>
      %mul3A_324 = arith.constant 16 : i32
      %mul3A_325 = arith.muli %scan3A_176, %mul3A_324 : i32
      %add3A_326 = arith.constant 6 : i32
      %add3A_327 = arith.addi %mul3A_325, %add3A_326 : i32
      %dma_start3A_328 = arith.constant 1 : i32
      %dma_start3A_329 = arith.constant 0 : i32
      %dma_start3A_330 = tpu.memref_slice %arg6[%add3A_327, %dma_start3A_329] : memref<512x64xf32, #tpu.memory_space<vmem>> -> memref<1x64xf32, #tpu.memory_space<vmem>>
      %dma_start3A_331 = tpu.memref_squeeze %dma_start3A_330 : memref<1x64xf32, #tpu.memory_space<vmem>> -> memref<64xf32, #tpu.memory_space<vmem>>
      %dma_start3A_332 = arith.constant 0 : i32
      %dma_start3A_333 = tpu.memref_slice %arg3[%squeeze3A_321, %squeeze3A_323, %dma_start3A_332] : memref<125000x8x64xf32, #tpu.memory_space<hbm>> -> memref<1x1x64xf32, #tpu.memory_space<hbm>>
      %dma_start3A_334 = tpu.memref_squeeze %dma_start3A_333 : memref<1x1x64xf32, #tpu.memory_space<hbm>> -> memref<64xf32, #tpu.memory_space<hbm>>
      %dma_start3A_335 = tpu.memref_slice %arg7[%dma_start3A_328] : memref<4x!tpu.dma_semaphore, #tpu.memory_space<semaphore_mem>> -> memref<1x!tpu.dma_semaphore, #tpu.memory_space<semaphore_mem>>
      %dma_start3A_336 = tpu.memref_squeeze %dma_start3A_335 : memref<1x!tpu.dma_semaphore, #tpu.memory_space<semaphore_mem>> -> memref<!tpu.dma_semaphore, #tpu.memory_space<semaphore_mem>>
      %dma_start3A_337 = arith.constant 0 : i32
      %dma_start3A_338 = tpu.memref_slice %arg6[%add3A_327, %dma_start3A_337] : memref<512x64xf32, #tpu.memory_space<vmem>> -> memref<1x64xf32, #tpu.memory_space<vmem>>
      %dma_start3A_339 = tpu.memref_squeeze %dma_start3A_338 : memref<1x64xf32, #tpu.memory_space<vmem>> -> memref<64xf32, #tpu.memory_space<vmem>>
      %dma_start3A_340 = arith.constant 0 : i32
      %dma_start3A_341 = tpu.memref_slice %arg3[%squeeze3A_321, %squeeze3A_323, %dma_start3A_340] : memref<125000x8x64xf32, #tpu.memory_space<hbm>> -> memref<1x1x64xf32, #tpu.memory_space<hbm>>
      %dma_start3A_342 = tpu.memref_squeeze %dma_start3A_341 : memref<1x1x64xf32, #tpu.memory_space<hbm>> -> memref<64xf32, #tpu.memory_space<hbm>>
      tpu.enqueue_dma source(%dma_start3A_342 : memref<64xf32, #tpu.memory_space<hbm>>) target(%dma_start3A_339 : memref<64xf32, #tpu.memory_space<vmem>>) target_semaphore(%dma_start3A_336 : memref<!tpu.dma_semaphore, #tpu.memory_space<semaphore_mem>>)
      %slice3A_343 = vector.extract_strided_slice %shift_right_logical3A_181 {offsets = [7], sizes = [1], strides = [1]} : vector<16xi32> to vector<1xi32>
      %squeeze3A_344 = vector.extract %slice3A_343[0] : i32 from vector<1xi32>
      %slice3A_345 = vector.extract_strided_slice %and3A_183 {offsets = [7], sizes = [1], strides = [1]} : vector<16xi32> to vector<1xi32>
      %squeeze3A_346 = vector.extract %slice3A_345[0] : i32 from vector<1xi32>
      %mul3A_347 = arith.constant 16 : i32
      %mul3A_348 = arith.muli %scan3A_176, %mul3A_347 : i32
      %add3A_349 = arith.constant 7 : i32
      %add3A_350 = arith.addi %mul3A_348, %add3A_349 : i32
      %dma_start3A_351 = arith.constant 1 : i32
      %dma_start3A_352 = arith.constant 0 : i32
      %dma_start3A_353 = tpu.memref_slice %arg6[%add3A_350, %dma_start3A_352] : memref<512x64xf32, #tpu.memory_space<vmem>> -> memref<1x64xf32, #tpu.memory_space<vmem>>
      %dma_start3A_354 = tpu.memref_squeeze %dma_start3A_353 : memref<1x64xf32, #tpu.memory_space<vmem>> -> memref<64xf32, #tpu.memory_space<vmem>>
      %dma_start3A_355 = arith.constant 0 : i32
      %dma_start3A_356 = tpu.memref_slice %arg3[%squeeze3A_344, %squeeze3A_346, %dma_start3A_355] : memref<125000x8x64xf32, #tpu.memory_space<hbm>> -> memref<1x1x64xf32, #tpu.memory_space<hbm>>
      %dma_start3A_357 = tpu.memref_squeeze %dma_start3A_356 : memref<1x1x64xf32, #tpu.memory_space<hbm>> -> memref<64xf32, #tpu.memory_space<hbm>>
      %dma_start3A_358 = tpu.memref_slice %arg7[%dma_start3A_351] : memref<4x!tpu.dma_semaphore, #tpu.memory_space<semaphore_mem>> -> memref<1x!tpu.dma_semaphore, #tpu.memory_space<semaphore_mem>>
      %dma_start3A_359 = tpu.memref_squeeze %dma_start3A_358 : memref<1x!tpu.dma_semaphore, #tpu.memory_space<semaphore_mem>> -> memref<!tpu.dma_semaphore, #tpu.memory_space<semaphore_mem>>
      %dma_start3A_360 = arith.constant 0 : i32
      %dma_start3A_361 = tpu.memref_slice %arg6[%add3A_350, %dma_start3A_360] : memref<512x64xf32, #tpu.memory_space<vmem>> -> memref<1x64xf32, #tpu.memory_space<vmem>>
      %dma_start3A_362 = tpu.memref_squeeze %dma_start3A_361 : memref<1x64xf32, #tpu.memory_space<vmem>> -> memref<64xf32, #tpu.memory_space<vmem>>
      %dma_start3A_363 = arith.constant 0 : i32
      %dma_start3A_364 = tpu.memref_slice %arg3[%squeeze3A_344, %squeeze3A_346, %dma_start3A_363] : memref<125000x8x64xf32, #tpu.memory_space<hbm>> -> memref<1x1x64xf32, #tpu.memory_space<hbm>>
      %dma_start3A_365 = tpu.memref_squeeze %dma_start3A_364 : memref<1x1x64xf32, #tpu.memory_space<hbm>> -> memref<64xf32, #tpu.memory_space<hbm>>
      tpu.enqueue_dma source(%dma_start3A_365 : memref<64xf32, #tpu.memory_space<hbm>>) target(%dma_start3A_362 : memref<64xf32, #tpu.memory_space<vmem>>) target_semaphore(%dma_start3A_359 : memref<!tpu.dma_semaphore, #tpu.memory_space<semaphore_mem>>)
      %slice3A_366 = vector.extract_strided_slice %shift_right_logical3A_181 {offsets = [8], sizes = [1], strides = [1]} : vector<16xi32> to vector<1xi32>
      %squeeze3A_367 = vector.extract %slice3A_366[0] : i32 from vector<1xi32>
      %slice3A_368 = vector.extract_strided_slice %and3A_183 {offsets = [8], sizes = [1], strides = [1]} : vector<16xi32> to vector<1xi32>
      %squeeze3A_369 = vector.extract %slice3A_368[0] : i32 from vector<1xi32>
      %mul3A_370 = arith.constant 16 : i32
      %mul3A_371 = arith.muli %scan3A_176, %mul3A_370 : i32
      %add3A_372 = arith.constant 8 : i32
      %add3A_373 = arith.addi %mul3A_371, %add3A_372 : i32
      %dma_start3A_374 = arith.constant 1 : i32
      %dma_start3A_375 = arith.constant 0 : i32
      %dma_start3A_376 = tpu.memref_slice %arg6[%add3A_373, %dma_start3A_375] : memref<512x64xf32, #tpu.memory_space<vmem>> -> memref<1x64xf32, #tpu.memory_space<vmem>>
      %dma_start3A_377 = tpu.memref_squeeze %dma_start3A_376 : memref<1x64xf32, #tpu.memory_space<vmem>> -> memref<64xf32, #tpu.memory_space<vmem>>
      %dma_start3A_378 = arith.constant 0 : i32
      %dma_start3A_379 = tpu.memref_slice %arg3[%squeeze3A_367, %squeeze3A_369, %dma_start3A_378] : memref<125000x8x64xf32, #tpu.memory_space<hbm>> -> memref<1x1x64xf32, #tpu.memory_space<hbm>>
      %dma_start3A_380 = tpu.memref_squeeze %dma_start3A_379 : memref<1x1x64xf32, #tpu.memory_space<hbm>> -> memref<64xf32, #tpu.memory_space<hbm>>
      %dma_start3A_381 = tpu.memref_slice %arg7[%dma_start3A_374] : memref<4x!tpu.dma_semaphore, #tpu.memory_space<semaphore_mem>> -> memref<1x!tpu.dma_semaphore, #tpu.memory_space<semaphore_mem>>
      %dma_start3A_382 = tpu.memref_squeeze %dma_start3A_381 : memref<1x!tpu.dma_semaphore, #tpu.memory_space<semaphore_mem>> -> memref<!tpu.dma_semaphore, #tpu.memory_space<semaphore_mem>>
      %dma_start3A_383 = arith.constant 0 : i32
      %dma_start3A_384 = tpu.memref_slice %arg6[%add3A_373, %dma_start3A_383] : memref<512x64xf32, #tpu.memory_space<vmem>> -> memref<1x64xf32, #tpu.memory_space<vmem>>
      %dma_start3A_385 = tpu.memref_squeeze %dma_start3A_384 : memref<1x64xf32, #tpu.memory_space<vmem>> -> memref<64xf32, #tpu.memory_space<vmem>>
      %dma_start3A_386 = arith.constant 0 : i32
      %dma_start3A_387 = tpu.memref_slice %arg3[%squeeze3A_367, %squeeze3A_369, %dma_start3A_386] : memref<125000x8x64xf32, #tpu.memory_space<hbm>> -> memref<1x1x64xf32, #tpu.memory_space<hbm>>
      %dma_start3A_388 = tpu.memref_squeeze %dma_start3A_387 : memref<1x1x64xf32, #tpu.memory_space<hbm>> -> memref<64xf32, #tpu.memory_space<hbm>>
      tpu.enqueue_dma source(%dma_start3A_388 : memref<64xf32, #tpu.memory_space<hbm>>) target(%dma_start3A_385 : memref<64xf32, #tpu.memory_space<vmem>>) target_semaphore(%dma_start3A_382 : memref<!tpu.dma_semaphore, #tpu.memory_space<semaphore_mem>>)
      %slice3A_389 = vector.extract_strided_slice %shift_right_logical3A_181 {offsets = [9], sizes = [1], strides = [1]} : vector<16xi32> to vector<1xi32>
      %squeeze3A_390 = vector.extract %slice3A_389[0] : i32 from vector<1xi32>
      %slice3A_391 = vector.extract_strided_slice %and3A_183 {offsets = [9], sizes = [1], strides = [1]} : vector<16xi32> to vector<1xi32>
      %squeeze3A_392 = vector.extract %slice3A_391[0] : i32 from vector<1xi32>
      %mul3A_393 = arith.constant 16 : i32
      %mul3A_394 = arith.muli %scan3A_176, %mul3A_393 : i32
      %add3A_395 = arith.constant 9 : i32
      %add3A_396 = arith.addi %mul3A_394, %add3A_395 : i32
      %dma_start3A_397 = arith.constant 1 : i32
      %dma_start3A_398 = arith.constant 0 : i32
      %dma_start3A_399 = tpu.memref_slice %arg6[%add3A_396, %dma_start3A_398] : memref<512x64xf32, #tpu.memory_space<vmem>> -> memref<1x64xf32, #tpu.memory_space<vmem>>
      %dma_start3A_400 = tpu.memref_squeeze %dma_start3A_399 : memref<1x64xf32, #tpu.memory_space<vmem>> -> memref<64xf32, #tpu.memory_space<vmem>>
      %dma_start3A_401 = arith.constant 0 : i32
      %dma_start3A_402 = tpu.memref_slice %arg3[%squeeze3A_390, %squeeze3A_392, %dma_start3A_401] : memref<125000x8x64xf32, #tpu.memory_space<hbm>> -> memref<1x1x64xf32, #tpu.memory_space<hbm>>
      %dma_start3A_403 = tpu.memref_squeeze %dma_start3A_402 : memref<1x1x64xf32, #tpu.memory_space<hbm>> -> memref<64xf32, #tpu.memory_space<hbm>>
      %dma_start3A_404 = tpu.memref_slice %arg7[%dma_start3A_397] : memref<4x!tpu.dma_semaphore, #tpu.memory_space<semaphore_mem>> -> memref<1x!tpu.dma_semaphore, #tpu.memory_space<semaphore_mem>>
      %dma_start3A_405 = tpu.memref_squeeze %dma_start3A_404 : memref<1x!tpu.dma_semaphore, #tpu.memory_space<semaphore_mem>> -> memref<!tpu.dma_semaphore, #tpu.memory_space<semaphore_mem>>
      %dma_start3A_406 = arith.constant 0 : i32
      %dma_start3A_407 = tpu.memref_slice %arg6[%add3A_396, %dma_start3A_406] : memref<512x64xf32, #tpu.memory_space<vmem>> -> memref<1x64xf32, #tpu.memory_space<vmem>>
      %dma_start3A_408 = tpu.memref_squeeze %dma_start3A_407 : memref<1x64xf32, #tpu.memory_space<vmem>> -> memref<64xf32, #tpu.memory_space<vmem>>
      %dma_start3A_409 = arith.constant 0 : i32
      %dma_start3A_410 = tpu.memref_slice %arg3[%squeeze3A_390, %squeeze3A_392, %dma_start3A_409] : memref<125000x8x64xf32, #tpu.memory_space<hbm>> -> memref<1x1x64xf32, #tpu.memory_space<hbm>>
      %dma_start3A_411 = tpu.memref_squeeze %dma_start3A_410 : memref<1x1x64xf32, #tpu.memory_space<hbm>> -> memref<64xf32, #tpu.memory_space<hbm>>
      tpu.enqueue_dma source(%dma_start3A_411 : memref<64xf32, #tpu.memory_space<hbm>>) target(%dma_start3A_408 : memref<64xf32, #tpu.memory_space<vmem>>) target_semaphore(%dma_start3A_405 : memref<!tpu.dma_semaphore, #tpu.memory_space<semaphore_mem>>)
      %slice3A_412 = vector.extract_strided_slice %shift_right_logical3A_181 {offsets = [10], sizes = [1], strides = [1]} : vector<16xi32> to vector<1xi32>
      %squeeze3A_413 = vector.extract %slice3A_412[0] : i32 from vector<1xi32>
      %slice3A_414 = vector.extract_strided_slice %and3A_183 {offsets = [10], sizes = [1], strides = [1]} : vector<16xi32> to vector<1xi32>
      %squeeze3A_415 = vector.extract %slice3A_414[0] : i32 from vector<1xi32>
      %mul3A_416 = arith.constant 16 : i32
      %mul3A_417 = arith.muli %scan3A_176, %mul3A_416 : i32
      %add3A_418 = arith.constant 10 : i32
      %add3A_419 = arith.addi %mul3A_417, %add3A_418 : i32
      %dma_start3A_420 = arith.constant 1 : i32
      %dma_start3A_421 = arith.constant 0 : i32
      %dma_start3A_422 = tpu.memref_slice %arg6[%add3A_419, %dma_start3A_421] : memref<512x64xf32, #tpu.memory_space<vmem>> -> memref<1x64xf32, #tpu.memory_space<vmem>>
      %dma_start3A_423 = tpu.memref_squeeze %dma_start3A_422 : memref<1x64xf32, #tpu.memory_space<vmem>> -> memref<64xf32, #tpu.memory_space<vmem>>
      %dma_start3A_424 = arith.constant 0 : i32
      %dma_start3A_425 = tpu.memref_slice %arg3[%squeeze3A_413, %squeeze3A_415, %dma_start3A_424] : memref<125000x8x64xf32, #tpu.memory_space<hbm>> -> memref<1x1x64xf32, #tpu.memory_space<hbm>>
      %dma_start3A_426 = tpu.memref_squeeze %dma_start3A_425 : memref<1x1x64xf32, #tpu.memory_space<hbm>> -> memref<64xf32, #tpu.memory_space<hbm>>
      %dma_start3A_427 = tpu.memref_slice %arg7[%dma_start3A_420] : memref<4x!tpu.dma_semaphore, #tpu.memory_space<semaphore_mem>> -> memref<1x!tpu.dma_semaphore, #tpu.memory_space<semaphore_mem>>
      %dma_start3A_428 = tpu.memref_squeeze %dma_start3A_427 : memref<1x!tpu.dma_semaphore, #tpu.memory_space<semaphore_mem>> -> memref<!tpu.dma_semaphore, #tpu.memory_space<semaphore_mem>>
      %dma_start3A_429 = arith.constant 0 : i32
      %dma_start3A_430 = tpu.memref_slice %arg6[%add3A_419, %dma_start3A_429] : memref<512x64xf32, #tpu.memory_space<vmem>> -> memref<1x64xf32, #tpu.memory_space<vmem>>
      %dma_start3A_431 = tpu.memref_squeeze %dma_start3A_430 : memref<1x64xf32, #tpu.memory_space<vmem>> -> memref<64xf32, #tpu.memory_space<vmem>>
      %dma_start3A_432 = arith.constant 0 : i32
      %dma_start3A_433 = tpu.memref_slice %arg3[%squeeze3A_413, %squeeze3A_415, %dma_start3A_432] : memref<125000x8x64xf32, #tpu.memory_space<hbm>> -> memref<1x1x64xf32, #tpu.memory_space<hbm>>
      %dma_start3A_434 = tpu.memref_squeeze %dma_start3A_433 : memref<1x1x64xf32, #tpu.memory_space<hbm>> -> memref<64xf32, #tpu.memory_space<hbm>>
      tpu.enqueue_dma source(%dma_start3A_434 : memref<64xf32, #tpu.memory_space<hbm>>) target(%dma_start3A_431 : memref<64xf32, #tpu.memory_space<vmem>>) target_semaphore(%dma_start3A_428 : memref<!tpu.dma_semaphore, #tpu.memory_space<semaphore_mem>>)
      %slice3A_435 = vector.extract_strided_slice %shift_right_logical3A_181 {offsets = [11], sizes = [1], strides = [1]} : vector<16xi32> to vector<1xi32>
      %squeeze3A_436 = vector.extract %slice3A_435[0] : i32 from vector<1xi32>
      %slice3A_437 = vector.extract_strided_slice %and3A_183 {offsets = [11], sizes = [1], strides = [1]} : vector<16xi32> to vector<1xi32>
      %squeeze3A_438 = vector.extract %slice3A_437[0] : i32 from vector<1xi32>
      %mul3A_439 = arith.constant 16 : i32
      %mul3A_440 = arith.muli %scan3A_176, %mul3A_439 : i32
      %add3A_441 = arith.constant 11 : i32
      %add3A_442 = arith.addi %mul3A_440, %add3A_441 : i32
      %dma_start3A_443 = arith.constant 1 : i32
      %dma_start3A_444 = arith.constant 0 : i32
      %dma_start3A_445 = tpu.memref_slice %arg6[%add3A_442, %dma_start3A_444] : memref<512x64xf32, #tpu.memory_space<vmem>> -> memref<1x64xf32, #tpu.memory_space<vmem>>
      %dma_start3A_446 = tpu.memref_squeeze %dma_start3A_445 : memref<1x64xf32, #tpu.memory_space<vmem>> -> memref<64xf32, #tpu.memory_space<vmem>>
      %dma_start3A_447 = arith.constant 0 : i32
      %dma_start3A_448 = tpu.memref_slice %arg3[%squeeze3A_436, %squeeze3A_438, %dma_start3A_447] : memref<125000x8x64xf32, #tpu.memory_space<hbm>> -> memref<1x1x64xf32, #tpu.memory_space<hbm>>
      %dma_start3A_449 = tpu.memref_squeeze %dma_start3A_448 : memref<1x1x64xf32, #tpu.memory_space<hbm>> -> memref<64xf32, #tpu.memory_space<hbm>>
      %dma_start3A_450 = tpu.memref_slice %arg7[%dma_start3A_443] : memref<4x!tpu.dma_semaphore, #tpu.memory_space<semaphore_mem>> -> memref<1x!tpu.dma_semaphore, #tpu.memory_space<semaphore_mem>>
      %dma_start3A_451 = tpu.memref_squeeze %dma_start3A_450 : memref<1x!tpu.dma_semaphore, #tpu.memory_space<semaphore_mem>> -> memref<!tpu.dma_semaphore, #tpu.memory_space<semaphore_mem>>
      %dma_start3A_452 = arith.constant 0 : i32
      %dma_start3A_453 = tpu.memref_slice %arg6[%add3A_442, %dma_start3A_452] : memref<512x64xf32, #tpu.memory_space<vmem>> -> memref<1x64xf32, #tpu.memory_space<vmem>>
      %dma_start3A_454 = tpu.memref_squeeze %dma_start3A_453 : memref<1x64xf32, #tpu.memory_space<vmem>> -> memref<64xf32, #tpu.memory_space<vmem>>
      %dma_start3A_455 = arith.constant 0 : i32
      %dma_start3A_456 = tpu.memref_slice %arg3[%squeeze3A_436, %squeeze3A_438, %dma_start3A_455] : memref<125000x8x64xf32, #tpu.memory_space<hbm>> -> memref<1x1x64xf32, #tpu.memory_space<hbm>>
      %dma_start3A_457 = tpu.memref_squeeze %dma_start3A_456 : memref<1x1x64xf32, #tpu.memory_space<hbm>> -> memref<64xf32, #tpu.memory_space<hbm>>
      tpu.enqueue_dma source(%dma_start3A_457 : memref<64xf32, #tpu.memory_space<hbm>>) target(%dma_start3A_454 : memref<64xf32, #tpu.memory_space<vmem>>) target_semaphore(%dma_start3A_451 : memref<!tpu.dma_semaphore, #tpu.memory_space<semaphore_mem>>)
      %slice3A_458 = vector.extract_strided_slice %shift_right_logical3A_181 {offsets = [12], sizes = [1], strides = [1]} : vector<16xi32> to vector<1xi32>
      %squeeze3A_459 = vector.extract %slice3A_458[0] : i32 from vector<1xi32>
      %slice3A_460 = vector.extract_strided_slice %and3A_183 {offsets = [12], sizes = [1], strides = [1]} : vector<16xi32> to vector<1xi32>
      %squeeze3A_461 = vector.extract %slice3A_460[0] : i32 from vector<1xi32>
      %mul3A_462 = arith.constant 16 : i32
      %mul3A_463 = arith.muli %scan3A_176, %mul3A_462 : i32
      %add3A_464 = arith.constant 12 : i32
      %add3A_465 = arith.addi %mul3A_463, %add3A_464 : i32
      %dma_start3A_466 = arith.constant 1 : i32
      %dma_start3A_467 = arith.constant 0 : i32
      %dma_start3A_468 = tpu.memref_slice %arg6[%add3A_465, %dma_start3A_467] : memref<512x64xf32, #tpu.memory_space<vmem>> -> memref<1x64xf32, #tpu.memory_space<vmem>>
      %dma_start3A_469 = tpu.memref_squeeze %dma_start3A_468 : memref<1x64xf32, #tpu.memory_space<vmem>> -> memref<64xf32, #tpu.memory_space<vmem>>
      %dma_start3A_470 = arith.constant 0 : i32
      %dma_start3A_471 = tpu.memref_slice %arg3[%squeeze3A_459, %squeeze3A_461, %dma_start3A_470] : memref<125000x8x64xf32, #tpu.memory_space<hbm>> -> memref<1x1x64xf32, #tpu.memory_space<hbm>>
      %dma_start3A_472 = tpu.memref_squeeze %dma_start3A_471 : memref<1x1x64xf32, #tpu.memory_space<hbm>> -> memref<64xf32, #tpu.memory_space<hbm>>
      %dma_start3A_473 = tpu.memref_slice %arg7[%dma_start3A_466] : memref<4x!tpu.dma_semaphore, #tpu.memory_space<semaphore_mem>> -> memref<1x!tpu.dma_semaphore, #tpu.memory_space<semaphore_mem>>
      %dma_start3A_474 = tpu.memref_squeeze %dma_start3A_473 : memref<1x!tpu.dma_semaphore, #tpu.memory_space<semaphore_mem>> -> memref<!tpu.dma_semaphore, #tpu.memory_space<semaphore_mem>>
      %dma_start3A_475 = arith.constant 0 : i32
      %dma_start3A_476 = tpu.memref_slice %arg6[%add3A_465, %dma_start3A_475] : memref<512x64xf32, #tpu.memory_space<vmem>> -> memref<1x64xf32, #tpu.memory_space<vmem>>
      %dma_start3A_477 = tpu.memref_squeeze %dma_start3A_476 : memref<1x64xf32, #tpu.memory_space<vmem>> -> memref<64xf32, #tpu.memory_space<vmem>>
      %dma_start3A_478 = arith.constant 0 : i32
      %dma_start3A_479 = tpu.memref_slice %arg3[%squeeze3A_459, %squeeze3A_461, %dma_start3A_478] : memref<125000x8x64xf32, #tpu.memory_space<hbm>> -> memref<1x1x64xf32, #tpu.memory_space<hbm>>
      %dma_start3A_480 = tpu.memref_squeeze %dma_start3A_479 : memref<1x1x64xf32, #tpu.memory_space<hbm>> -> memref<64xf32, #tpu.memory_space<hbm>>
      tpu.enqueue_dma source(%dma_start3A_480 : memref<64xf32, #tpu.memory_space<hbm>>) target(%dma_start3A_477 : memref<64xf32, #tpu.memory_space<vmem>>) target_semaphore(%dma_start3A_474 : memref<!tpu.dma_semaphore, #tpu.memory_space<semaphore_mem>>)
      %slice3A_481 = vector.extract_strided_slice %shift_right_logical3A_181 {offsets = [13], sizes = [1], strides = [1]} : vector<16xi32> to vector<1xi32>
      %squeeze3A_482 = vector.extract %slice3A_481[0] : i32 from vector<1xi32>
      %slice3A_483 = vector.extract_strided_slice %and3A_183 {offsets = [13], sizes = [1], strides = [1]} : vector<16xi32> to vector<1xi32>
      %squeeze3A_484 = vector.extract %slice3A_483[0] : i32 from vector<1xi32>
      %mul3A_485 = arith.constant 16 : i32
      %mul3A_486 = arith.muli %scan3A_176, %mul3A_485 : i32
      %add3A_487 = arith.constant 13 : i32
      %add3A_488 = arith.addi %mul3A_486, %add3A_487 : i32
      %dma_start3A_489 = arith.constant 1 : i32
      %dma_start3A_490 = arith.constant 0 : i32
      %dma_start3A_491 = tpu.memref_slice %arg6[%add3A_488, %dma_start3A_490] : memref<512x64xf32, #tpu.memory_space<vmem>> -> memref<1x64xf32, #tpu.memory_space<vmem>>
      %dma_start3A_492 = tpu.memref_squeeze %dma_start3A_491 : memref<1x64xf32, #tpu.memory_space<vmem>> -> memref<64xf32, #tpu.memory_space<vmem>>
      %dma_start3A_493 = arith.constant 0 : i32
      %dma_start3A_494 = tpu.memref_slice %arg3[%squeeze3A_482, %squeeze3A_484, %dma_start3A_493] : memref<125000x8x64xf32, #tpu.memory_space<hbm>> -> memref<1x1x64xf32, #tpu.memory_space<hbm>>
      %dma_start3A_495 = tpu.memref_squeeze %dma_start3A_494 : memref<1x1x64xf32, #tpu.memory_space<hbm>> -> memref<64xf32, #tpu.memory_space<hbm>>
      %dma_start3A_496 = tpu.memref_slice %arg7[%dma_start3A_489] : memref<4x!tpu.dma_semaphore, #tpu.memory_space<semaphore_mem>> -> memref<1x!tpu.dma_semaphore, #tpu.memory_space<semaphore_mem>>
      %dma_start3A_497 = tpu.memref_squeeze %dma_start3A_496 : memref<1x!tpu.dma_semaphore, #tpu.memory_space<semaphore_mem>> -> memref<!tpu.dma_semaphore, #tpu.memory_space<semaphore_mem>>
      %dma_start3A_498 = arith.constant 0 : i32
      %dma_start3A_499 = tpu.memref_slice %arg6[%add3A_488, %dma_start3A_498] : memref<512x64xf32, #tpu.memory_space<vmem>> -> memref<1x64xf32, #tpu.memory_space<vmem>>
      %dma_start3A_500 = tpu.memref_squeeze %dma_start3A_499 : memref<1x64xf32, #tpu.memory_space<vmem>> -> memref<64xf32, #tpu.memory_space<vmem>>
      %dma_start3A_501 = arith.constant 0 : i32
      %dma_start3A_502 = tpu.memref_slice %arg3[%squeeze3A_482, %squeeze3A_484, %dma_start3A_501] : memref<125000x8x64xf32, #tpu.memory_space<hbm>> -> memref<1x1x64xf32, #tpu.memory_space<hbm>>
      %dma_start3A_503 = tpu.memref_squeeze %dma_start3A_502 : memref<1x1x64xf32, #tpu.memory_space<hbm>> -> memref<64xf32, #tpu.memory_space<hbm>>
      tpu.enqueue_dma source(%dma_start3A_503 : memref<64xf32, #tpu.memory_space<hbm>>) target(%dma_start3A_500 : memref<64xf32, #tpu.memory_space<vmem>>) target_semaphore(%dma_start3A_497 : memref<!tpu.dma_semaphore, #tpu.memory_space<semaphore_mem>>)
      %slice3A_504 = vector.extract_strided_slice %shift_right_logical3A_181 {offsets = [14], sizes = [1], strides = [1]} : vector<16xi32> to vector<1xi32>
      %squeeze3A_505 = vector.extract %slice3A_504[0] : i32 from vector<1xi32>
      %slice3A_506 = vector.extract_strided_slice %and3A_183 {offsets = [14], sizes = [1], strides = [1]} : vector<16xi32> to vector<1xi32>
      %squeeze3A_507 = vector.extract %slice3A_506[0] : i32 from vector<1xi32>
      %mul3A_508 = arith.constant 16 : i32
      %mul3A_509 = arith.muli %scan3A_176, %mul3A_508 : i32
      %add3A_510 = arith.constant 14 : i32
      %add3A_511 = arith.addi %mul3A_509, %add3A_510 : i32
      %dma_start3A_512 = arith.constant 1 : i32
      %dma_start3A_513 = arith.constant 0 : i32
      %dma_start3A_514 = tpu.memref_slice %arg6[%add3A_511, %dma_start3A_513] : memref<512x64xf32, #tpu.memory_space<vmem>> -> memref<1x64xf32, #tpu.memory_space<vmem>>
      %dma_start3A_515 = tpu.memref_squeeze %dma_start3A_514 : memref<1x64xf32, #tpu.memory_space<vmem>> -> memref<64xf32, #tpu.memory_space<vmem>>
      %dma_start3A_516 = arith.constant 0 : i32
      %dma_start3A_517 = tpu.memref_slice %arg3[%squeeze3A_505, %squeeze3A_507, %dma_start3A_516] : memref<125000x8x64xf32, #tpu.memory_space<hbm>> -> memref<1x1x64xf32, #tpu.memory_space<hbm>>
      %dma_start3A_518 = tpu.memref_squeeze %dma_start3A_517 : memref<1x1x64xf32, #tpu.memory_space<hbm>> -> memref<64xf32, #tpu.memory_space<hbm>>
      %dma_start3A_519 = tpu.memref_slice %arg7[%dma_start3A_512] : memref<4x!tpu.dma_semaphore, #tpu.memory_space<semaphore_mem>> -> memref<1x!tpu.dma_semaphore, #tpu.memory_space<semaphore_mem>>
      %dma_start3A_520 = tpu.memref_squeeze %dma_start3A_519 : memref<1x!tpu.dma_semaphore, #tpu.memory_space<semaphore_mem>> -> memref<!tpu.dma_semaphore, #tpu.memory_space<semaphore_mem>>
      %dma_start3A_521 = arith.constant 0 : i32
      %dma_start3A_522 = tpu.memref_slice %arg6[%add3A_511, %dma_start3A_521] : memref<512x64xf32, #tpu.memory_space<vmem>> -> memref<1x64xf32, #tpu.memory_space<vmem>>
      %dma_start3A_523 = tpu.memref_squeeze %dma_start3A_522 : memref<1x64xf32, #tpu.memory_space<vmem>> -> memref<64xf32, #tpu.memory_space<vmem>>
      %dma_start3A_524 = arith.constant 0 : i32
      %dma_start3A_525 = tpu.memref_slice %arg3[%squeeze3A_505, %squeeze3A_507, %dma_start3A_524] : memref<125000x8x64xf32, #tpu.memory_space<hbm>> -> memref<1x1x64xf32, #tpu.memory_space<hbm>>
      %dma_start3A_526 = tpu.memref_squeeze %dma_start3A_525 : memref<1x1x64xf32, #tpu.memory_space<hbm>> -> memref<64xf32, #tpu.memory_space<hbm>>
      tpu.enqueue_dma source(%dma_start3A_526 : memref<64xf32, #tpu.memory_space<hbm>>) target(%dma_start3A_523 : memref<64xf32, #tpu.memory_space<vmem>>) target_semaphore(%dma_start3A_520 : memref<!tpu.dma_semaphore, #tpu.memory_space<semaphore_mem>>)
      %slice3A_527 = vector.extract_strided_slice %shift_right_logical3A_181 {offsets = [15], sizes = [1], strides = [1]} : vector<16xi32> to vector<1xi32>
      %squeeze3A_528 = vector.extract %slice3A_527[0] : i32 from vector<1xi32>
      %slice3A_529 = vector.extract_strided_slice %and3A_183 {offsets = [15], sizes = [1], strides = [1]} : vector<16xi32> to vector<1xi32>
      %squeeze3A_530 = vector.extract %slice3A_529[0] : i32 from vector<1xi32>
      %mul3A_531 = arith.constant 16 : i32
      %mul3A_532 = arith.muli %scan3A_176, %mul3A_531 : i32
      %add3A_533 = arith.constant 15 : i32
      %add3A_534 = arith.addi %mul3A_532, %add3A_533 : i32
      %dma_start3A_535 = arith.constant 1 : i32
      %dma_start3A_536 = arith.constant 0 : i32
      %dma_start3A_537 = tpu.memref_slice %arg6[%add3A_534, %dma_start3A_536] : memref<512x64xf32, #tpu.memory_space<vmem>> -> memref<1x64xf32, #tpu.memory_space<vmem>>
      %dma_start3A_538 = tpu.memref_squeeze %dma_start3A_537 : memref<1x64xf32, #tpu.memory_space<vmem>> -> memref<64xf32, #tpu.memory_space<vmem>>
      %dma_start3A_539 = arith.constant 0 : i32
      %dma_start3A_540 = tpu.memref_slice %arg3[%squeeze3A_528, %squeeze3A_530, %dma_start3A_539] : memref<125000x8x64xf32, #tpu.memory_space<hbm>> -> memref<1x1x64xf32, #tpu.memory_space<hbm>>
      %dma_start3A_541 = tpu.memref_squeeze %dma_start3A_540 : memref<1x1x64xf32, #tpu.memory_space<hbm>> -> memref<64xf32, #tpu.memory_space<hbm>>
      %dma_start3A_542 = tpu.memref_slice %arg7[%dma_start3A_535] : memref<4x!tpu.dma_semaphore, #tpu.memory_space<semaphore_mem>> -> memref<1x!tpu.dma_semaphore, #tpu.memory_space<semaphore_mem>>
      %dma_start3A_543 = tpu.memref_squeeze %dma_start3A_542 : memref<1x!tpu.dma_semaphore, #tpu.memory_space<semaphore_mem>> -> memref<!tpu.dma_semaphore, #tpu.memory_space<semaphore_mem>>
      %dma_start3A_544 = arith.constant 0 : i32
      %dma_start3A_545 = tpu.memref_slice %arg6[%add3A_534, %dma_start3A_544] : memref<512x64xf32, #tpu.memory_space<vmem>> -> memref<1x64xf32, #tpu.memory_space<vmem>>
      %dma_start3A_546 = tpu.memref_squeeze %dma_start3A_545 : memref<1x64xf32, #tpu.memory_space<vmem>> -> memref<64xf32, #tpu.memory_space<vmem>>
      %dma_start3A_547 = arith.constant 0 : i32
      %dma_start3A_548 = tpu.memref_slice %arg3[%squeeze3A_528, %squeeze3A_530, %dma_start3A_547] : memref<125000x8x64xf32, #tpu.memory_space<hbm>> -> memref<1x1x64xf32, #tpu.memory_space<hbm>>
      %dma_start3A_549 = tpu.memref_squeeze %dma_start3A_548 : memref<1x1x64xf32, #tpu.memory_space<hbm>> -> memref<64xf32, #tpu.memory_space<hbm>>
      tpu.enqueue_dma source(%dma_start3A_549 : memref<64xf32, #tpu.memory_space<hbm>>) target(%dma_start3A_546 : memref<64xf32, #tpu.memory_space<vmem>>) target_semaphore(%dma_start3A_543 : memref<!tpu.dma_semaphore, #tpu.memory_space<semaphore_mem>>)
    }
    %scan3A_11 = arith.constant 8 : i32
    %scan3A_12 = arith.constant 16 : i32
    %scan3A_13 = arith.constant 8 : i32
    %scan3A_14 = arith.addi %scan3A_12, %scan3A_13 : i32
    %scan3A_15 = arith.constant 1 : i32
    scf.for %scan3A_176 = %scan3A_12 to %scan3A_14 step %scan3A_15  : i32 {
      %mul3A_177 = arith.constant 16 : i32
      %mul3A_178 = arith.muli %scan3A_176, %mul3A_177 : i32
      %get3A = arith.index_cast %mul3A_178 : i32 to index
      %get3A_179 = tpu.vector_load %arg5[%get3A] {strides = array<i32>} : memref<512xi32, #tpu.memory_space<vmem>>, vector<16xi32>,
      %shift_right_logical3A = arith.constant 3 : i32
      %shift_right_logical3A_180 = vector.broadcast %shift_right_logical3A : i32 to vector<16xi32>
      %shift_right_logical3A_181 = arith.shrui %get3A_179, %shift_right_logical3A_180 : vector<16xi32>
      %and3A = arith.constant 7 : i32
      %and3A_182 = vector.broadcast %and3A : i32 to vector<16xi32>
      %and3A_183 = arith.andi %get3A_179, %and3A_182 : vector<16xi32>
      %slice3A = vector.extract_strided_slice %shift_right_logical3A_181 {offsets = [0], sizes = [1], strides = [1]} : vector<16xi32> to vector<1xi32>
      %squeeze3A = vector.extract %slice3A[0] : i32 from vector<1xi32>
      %slice3A_184 = vector.extract_strided_slice %and3A_183 {offsets = [0], sizes = [1], strides = [1]} : vector<16xi32> to vector<1xi32>
      %squeeze3A_185 = vector.extract %slice3A_184[0] : i32 from vector<1xi32>
      %mul3A_186 = arith.constant 16 : i32
      %mul3A_187 = arith.muli %scan3A_176, %mul3A_186 : i32
      %add3A_188 = arith.constant 0 : i32
      %add3A_189 = arith.addi %mul3A_187, %add3A_188 : i32
      %dma_start3A_190 = arith.constant 2 : i32
      %dma_start3A_191 = arith.constant 0 : i32
      %dma_start3A_192 = tpu.memref_slice %arg6[%add3A_189, %dma_start3A_191] : memref<512x64xf32, #tpu.memory_space<vmem>> -> memref<1x64xf32, #tpu.memory_space<vmem>>
      %dma_start3A_193 = tpu.memref_squeeze %dma_start3A_192 : memref<1x64xf32, #tpu.memory_space<vmem>> -> memref<64xf32, #tpu.memory_space<vmem>>
      %dma_start3A_194 = arith.constant 0 : i32
      %dma_start3A_195 = tpu.memref_slice %arg3[%squeeze3A, %squeeze3A_185, %dma_start3A_194] : memref<125000x8x64xf32, #tpu.memory_space<hbm>> -> memref<1x1x64xf32, #tpu.memory_space<hbm>>
      %dma_start3A_196 = tpu.memref_squeeze %dma_start3A_195 : memref<1x1x64xf32, #tpu.memory_space<hbm>> -> memref<64xf32, #tpu.memory_space<hbm>>
      %dma_start3A_197 = tpu.memref_slice %arg7[%dma_start3A_190] : memref<4x!tpu.dma_semaphore, #tpu.memory_space<semaphore_mem>> -> memref<1x!tpu.dma_semaphore, #tpu.memory_space<semaphore_mem>>
      %dma_start3A_198 = tpu.memref_squeeze %dma_start3A_197 : memref<1x!tpu.dma_semaphore, #tpu.memory_space<semaphore_mem>> -> memref<!tpu.dma_semaphore, #tpu.memory_space<semaphore_mem>>
      %dma_start3A_199 = arith.constant 0 : i32
      %dma_start3A_200 = tpu.memref_slice %arg6[%add3A_189, %dma_start3A_199] : memref<512x64xf32, #tpu.memory_space<vmem>> -> memref<1x64xf32, #tpu.memory_space<vmem>>
      %dma_start3A_201 = tpu.memref_squeeze %dma_start3A_200 : memref<1x64xf32, #tpu.memory_space<vmem>> -> memref<64xf32, #tpu.memory_space<vmem>>
      %dma_start3A_202 = arith.constant 0 : i32
      %dma_start3A_203 = tpu.memref_slice %arg3[%squeeze3A, %squeeze3A_185, %dma_start3A_202] : memref<125000x8x64xf32, #tpu.memory_space<hbm>> -> memref<1x1x64xf32, #tpu.memory_space<hbm>>
      %dma_start3A_204 = tpu.memref_squeeze %dma_start3A_203 : memref<1x1x64xf32, #tpu.memory_space<hbm>> -> memref<64xf32, #tpu.memory_space<hbm>>
      tpu.enqueue_dma source(%dma_start3A_204 : memref<64xf32, #tpu.memory_space<hbm>>) target(%dma_start3A_201 : memref<64xf32, #tpu.memory_space<vmem>>) target_semaphore(%dma_start3A_198 : memref<!tpu.dma_semaphore, #tpu.memory_space<semaphore_mem>>)
      %slice3A_205 = vector.extract_strided_slice %shift_right_logical3A_181 {offsets = [1], sizes = [1], strides = [1]} : vector<16xi32> to vector<1xi32>
      %squeeze3A_206 = vector.extract %slice3A_205[0] : i32 from vector<1xi32>
      %slice3A_207 = vector.extract_strided_slice %and3A_183 {offsets = [1], sizes = [1], strides = [1]} : vector<16xi32> to vector<1xi32>
      %squeeze3A_208 = vector.extract %slice3A_207[0] : i32 from vector<1xi32>
      %mul3A_209 = arith.constant 16 : i32
      %mul3A_210 = arith.muli %scan3A_176, %mul3A_209 : i32
      %add3A_211 = arith.constant 1 : i32
      %add3A_212 = arith.addi %mul3A_210, %add3A_211 : i32
      %dma_start3A_213 = arith.constant 2 : i32
      %dma_start3A_214 = arith.constant 0 : i32
      %dma_start3A_215 = tpu.memref_slice %arg6[%add3A_212, %dma_start3A_214] : memref<512x64xf32, #tpu.memory_space<vmem>> -> memref<1x64xf32, #tpu.memory_space<vmem>>
      %dma_start3A_216 = tpu.memref_squeeze %dma_start3A_215 : memref<1x64xf32, #tpu.memory_space<vmem>> -> memref<64xf32, #tpu.memory_space<vmem>>
      %dma_start3A_217 = arith.constant 0 : i32
      %dma_start3A_218 = tpu.memref_slice %arg3[%squeeze3A_206, %squeeze3A_208, %dma_start3A_217] : memref<125000x8x64xf32, #tpu.memory_space<hbm>> -> memref<1x1x64xf32, #tpu.memory_space<hbm>>
      %dma_start3A_219 = tpu.memref_squeeze %dma_start3A_218 : memref<1x1x64xf32, #tpu.memory_space<hbm>> -> memref<64xf32, #tpu.memory_space<hbm>>
      %dma_start3A_220 = tpu.memref_slice %arg7[%dma_start3A_213] : memref<4x!tpu.dma_semaphore, #tpu.memory_space<semaphore_mem>> -> memref<1x!tpu.dma_semaphore, #tpu.memory_space<semaphore_mem>>
      %dma_start3A_221 = tpu.memref_squeeze %dma_start3A_220 : memref<1x!tpu.dma_semaphore, #tpu.memory_space<semaphore_mem>> -> memref<!tpu.dma_semaphore, #tpu.memory_space<semaphore_mem>>
      %dma_start3A_222 = arith.constant 0 : i32
      %dma_start3A_223 = tpu.memref_slice %arg6[%add3A_212, %dma_start3A_222] : memref<512x64xf32, #tpu.memory_space<vmem>> -> memref<1x64xf32, #tpu.memory_space<vmem>>
      %dma_start3A_224 = tpu.memref_squeeze %dma_start3A_223 : memref<1x64xf32, #tpu.memory_space<vmem>> -> memref<64xf32, #tpu.memory_space<vmem>>
      %dma_start3A_225 = arith.constant 0 : i32
      %dma_start3A_226 = tpu.memref_slice %arg3[%squeeze3A_206, %squeeze3A_208, %dma_start3A_225] : memref<125000x8x64xf32, #tpu.memory_space<hbm>> -> memref<1x1x64xf32, #tpu.memory_space<hbm>>
      %dma_start3A_227 = tpu.memref_squeeze %dma_start3A_226 : memref<1x1x64xf32, #tpu.memory_space<hbm>> -> memref<64xf32, #tpu.memory_space<hbm>>
      tpu.enqueue_dma source(%dma_start3A_227 : memref<64xf32, #tpu.memory_space<hbm>>) target(%dma_start3A_224 : memref<64xf32, #tpu.memory_space<vmem>>) target_semaphore(%dma_start3A_221 : memref<!tpu.dma_semaphore, #tpu.memory_space<semaphore_mem>>)
      %slice3A_228 = vector.extract_strided_slice %shift_right_logical3A_181 {offsets = [2], sizes = [1], strides = [1]} : vector<16xi32> to vector<1xi32>
      %squeeze3A_229 = vector.extract %slice3A_228[0] : i32 from vector<1xi32>
      %slice3A_230 = vector.extract_strided_slice %and3A_183 {offsets = [2], sizes = [1], strides = [1]} : vector<16xi32> to vector<1xi32>
      %squeeze3A_231 = vector.extract %slice3A_230[0] : i32 from vector<1xi32>
      %mul3A_232 = arith.constant 16 : i32
      %mul3A_233 = arith.muli %scan3A_176, %mul3A_232 : i32
      %add3A_234 = arith.constant 2 : i32
      %add3A_235 = arith.addi %mul3A_233, %add3A_234 : i32
      %dma_start3A_236 = arith.constant 2 : i32
      %dma_start3A_237 = arith.constant 0 : i32
      %dma_start3A_238 = tpu.memref_slice %arg6[%add3A_235, %dma_start3A_237] : memref<512x64xf32, #tpu.memory_space<vmem>> -> memref<1x64xf32, #tpu.memory_space<vmem>>
      %dma_start3A_239 = tpu.memref_squeeze %dma_start3A_238 : memref<1x64xf32, #tpu.memory_space<vmem>> -> memref<64xf32, #tpu.memory_space<vmem>>
      %dma_start3A_240 = arith.constant 0 : i32
      %dma_start3A_241 = tpu.memref_slice %arg3[%squeeze3A_229, %squeeze3A_231, %dma_start3A_240] : memref<125000x8x64xf32, #tpu.memory_space<hbm>> -> memref<1x1x64xf32, #tpu.memory_space<hbm>>
      %dma_start3A_242 = tpu.memref_squeeze %dma_start3A_241 : memref<1x1x64xf32, #tpu.memory_space<hbm>> -> memref<64xf32, #tpu.memory_space<hbm>>
      %dma_start3A_243 = tpu.memref_slice %arg7[%dma_start3A_236] : memref<4x!tpu.dma_semaphore, #tpu.memory_space<semaphore_mem>> -> memref<1x!tpu.dma_semaphore, #tpu.memory_space<semaphore_mem>>
      %dma_start3A_244 = tpu.memref_squeeze %dma_start3A_243 : memref<1x!tpu.dma_semaphore, #tpu.memory_space<semaphore_mem>> -> memref<!tpu.dma_semaphore, #tpu.memory_space<semaphore_mem>>
      %dma_start3A_245 = arith.constant 0 : i32
      %dma_start3A_246 = tpu.memref_slice %arg6[%add3A_235, %dma_start3A_245] : memref<512x64xf32, #tpu.memory_space<vmem>> -> memref<1x64xf32, #tpu.memory_space<vmem>>
      %dma_start3A_247 = tpu.memref_squeeze %dma_start3A_246 : memref<1x64xf32, #tpu.memory_space<vmem>> -> memref<64xf32, #tpu.memory_space<vmem>>
      %dma_start3A_248 = arith.constant 0 : i32
      %dma_start3A_249 = tpu.memref_slice %arg3[%squeeze3A_229, %squeeze3A_231, %dma_start3A_248] : memref<125000x8x64xf32, #tpu.memory_space<hbm>> -> memref<1x1x64xf32, #tpu.memory_space<hbm>>
      %dma_start3A_250 = tpu.memref_squeeze %dma_start3A_249 : memref<1x1x64xf32, #tpu.memory_space<hbm>> -> memref<64xf32, #tpu.memory_space<hbm>>
      tpu.enqueue_dma source(%dma_start3A_250 : memref<64xf32, #tpu.memory_space<hbm>>) target(%dma_start3A_247 : memref<64xf32, #tpu.memory_space<vmem>>) target_semaphore(%dma_start3A_244 : memref<!tpu.dma_semaphore, #tpu.memory_space<semaphore_mem>>)
      %slice3A_251 = vector.extract_strided_slice %shift_right_logical3A_181 {offsets = [3], sizes = [1], strides = [1]} : vector<16xi32> to vector<1xi32>
      %squeeze3A_252 = vector.extract %slice3A_251[0] : i32 from vector<1xi32>
      %slice3A_253 = vector.extract_strided_slice %and3A_183 {offsets = [3], sizes = [1], strides = [1]} : vector<16xi32> to vector<1xi32>
      %squeeze3A_254 = vector.extract %slice3A_253[0] : i32 from vector<1xi32>
      %mul3A_255 = arith.constant 16 : i32
      %mul3A_256 = arith.muli %scan3A_176, %mul3A_255 : i32
      %add3A_257 = arith.constant 3 : i32
      %add3A_258 = arith.addi %mul3A_256, %add3A_257 : i32
      %dma_start3A_259 = arith.constant 2 : i32
      %dma_start3A_260 = arith.constant 0 : i32
      %dma_start3A_261 = tpu.memref_slice %arg6[%add3A_258, %dma_start3A_260] : memref<512x64xf32, #tpu.memory_space<vmem>> -> memref<1x64xf32, #tpu.memory_space<vmem>>
      %dma_start3A_262 = tpu.memref_squeeze %dma_start3A_261 : memref<1x64xf32, #tpu.memory_space<vmem>> -> memref<64xf32, #tpu.memory_space<vmem>>
      %dma_start3A_263 = arith.constant 0 : i32
      %dma_start3A_264 = tpu.memref_slice %arg3[%squeeze3A_252, %squeeze3A_254, %dma_start3A_263] : memref<125000x8x64xf32, #tpu.memory_space<hbm>> -> memref<1x1x64xf32, #tpu.memory_space<hbm>>
      %dma_start3A_265 = tpu.memref_squeeze %dma_start3A_264 : memref<1x1x64xf32, #tpu.memory_space<hbm>> -> memref<64xf32, #tpu.memory_space<hbm>>
      %dma_start3A_266 = tpu.memref_slice %arg7[%dma_start3A_259] : memref<4x!tpu.dma_semaphore, #tpu.memory_space<semaphore_mem>> -> memref<1x!tpu.dma_semaphore, #tpu.memory_space<semaphore_mem>>
      %dma_start3A_267 = tpu.memref_squeeze %dma_start3A_266 : memref<1x!tpu.dma_semaphore, #tpu.memory_space<semaphore_mem>> -> memref<!tpu.dma_semaphore, #tpu.memory_space<semaphore_mem>>
      %dma_start3A_268 = arith.constant 0 : i32
      %dma_start3A_269 = tpu.memref_slice %arg6[%add3A_258, %dma_start3A_268] : memref<512x64xf32, #tpu.memory_space<vmem>> -> memref<1x64xf32, #tpu.memory_space<vmem>>
      %dma_start3A_270 = tpu.memref_squeeze %dma_start3A_269 : memref<1x64xf32, #tpu.memory_space<vmem>> -> memref<64xf32, #tpu.memory_space<vmem>>
      %dma_start3A_271 = arith.constant 0 : i32
      %dma_start3A_272 = tpu.memref_slice %arg3[%squeeze3A_252, %squeeze3A_254, %dma_start3A_271] : memref<125000x8x64xf32, #tpu.memory_space<hbm>> -> memref<1x1x64xf32, #tpu.memory_space<hbm>>
      %dma_start3A_273 = tpu.memref_squeeze %dma_start3A_272 : memref<1x1x64xf32, #tpu.memory_space<hbm>> -> memref<64xf32, #tpu.memory_space<hbm>>
      tpu.enqueue_dma source(%dma_start3A_273 : memref<64xf32, #tpu.memory_space<hbm>>) target(%dma_start3A_270 : memref<64xf32, #tpu.memory_space<vmem>>) target_semaphore(%dma_start3A_267 : memref<!tpu.dma_semaphore, #tpu.memory_space<semaphore_mem>>)
      %slice3A_274 = vector.extract_strided_slice %shift_right_logical3A_181 {offsets = [4], sizes = [1], strides = [1]} : vector<16xi32> to vector<1xi32>
      %squeeze3A_275 = vector.extract %slice3A_274[0] : i32 from vector<1xi32>
      %slice3A_276 = vector.extract_strided_slice %and3A_183 {offsets = [4], sizes = [1], strides = [1]} : vector<16xi32> to vector<1xi32>
      %squeeze3A_277 = vector.extract %slice3A_276[0] : i32 from vector<1xi32>
      %mul3A_278 = arith.constant 16 : i32
      %mul3A_279 = arith.muli %scan3A_176, %mul3A_278 : i32
      %add3A_280 = arith.constant 4 : i32
      %add3A_281 = arith.addi %mul3A_279, %add3A_280 : i32
      %dma_start3A_282 = arith.constant 2 : i32
      %dma_start3A_283 = arith.constant 0 : i32
      %dma_start3A_284 = tpu.memref_slice %arg6[%add3A_281, %dma_start3A_283] : memref<512x64xf32, #tpu.memory_space<vmem>> -> memref<1x64xf32, #tpu.memory_space<vmem>>
      %dma_start3A_285 = tpu.memref_squeeze %dma_start3A_284 : memref<1x64xf32, #tpu.memory_space<vmem>> -> memref<64xf32, #tpu.memory_space<vmem>>
      %dma_start3A_286 = arith.constant 0 : i32
      %dma_start3A_287 = tpu.memref_slice %arg3[%squeeze3A_275, %squeeze3A_277, %dma_start3A_286] : memref<125000x8x64xf32, #tpu.memory_space<hbm>> -> memref<1x1x64xf32, #tpu.memory_space<hbm>>
      %dma_start3A_288 = tpu.memref_squeeze %dma_start3A_287 : memref<1x1x64xf32, #tpu.memory_space<hbm>> -> memref<64xf32, #tpu.memory_space<hbm>>
      %dma_start3A_289 = tpu.memref_slice %arg7[%dma_start3A_282] : memref<4x!tpu.dma_semaphore, #tpu.memory_space<semaphore_mem>> -> memref<1x!tpu.dma_semaphore, #tpu.memory_space<semaphore_mem>>
      %dma_start3A_290 = tpu.memref_squeeze %dma_start3A_289 : memref<1x!tpu.dma_semaphore, #tpu.memory_space<semaphore_mem>> -> memref<!tpu.dma_semaphore, #tpu.memory_space<semaphore_mem>>
      %dma_start3A_291 = arith.constant 0 : i32
      %dma_start3A_292 = tpu.memref_slice %arg6[%add3A_281, %dma_start3A_291] : memref<512x64xf32, #tpu.memory_space<vmem>> -> memref<1x64xf32, #tpu.memory_space<vmem>>
      %dma_start3A_293 = tpu.memref_squeeze %dma_start3A_292 : memref<1x64xf32, #tpu.memory_space<vmem>> -> memref<64xf32, #tpu.memory_space<vmem>>
      %dma_start3A_294 = arith.constant 0 : i32
      %dma_start3A_295 = tpu.memref_slice %arg3[%squeeze3A_275, %squeeze3A_277, %dma_start3A_294] : memref<125000x8x64xf32, #tpu.memory_space<hbm>> -> memref<1x1x64xf32, #tpu.memory_space<hbm>>
      %dma_start3A_296 = tpu.memref_squeeze %dma_start3A_295 : memref<1x1x64xf32, #tpu.memory_space<hbm>> -> memref<64xf32, #tpu.memory_space<hbm>>
      tpu.enqueue_dma source(%dma_start3A_296 : memref<64xf32, #tpu.memory_space<hbm>>) target(%dma_start3A_293 : memref<64xf32, #tpu.memory_space<vmem>>) target_semaphore(%dma_start3A_290 : memref<!tpu.dma_semaphore, #tpu.memory_space<semaphore_mem>>)
      %slice3A_297 = vector.extract_strided_slice %shift_right_logical3A_181 {offsets = [5], sizes = [1], strides = [1]} : vector<16xi32> to vector<1xi32>
      %squeeze3A_298 = vector.extract %slice3A_297[0] : i32 from vector<1xi32>
      %slice3A_299 = vector.extract_strided_slice %and3A_183 {offsets = [5], sizes = [1], strides = [1]} : vector<16xi32> to vector<1xi32>
      %squeeze3A_300 = vector.extract %slice3A_299[0] : i32 from vector<1xi32>
      %mul3A_301 = arith.constant 16 : i32
      %mul3A_302 = arith.muli %scan3A_176, %mul3A_301 : i32
      %add3A_303 = arith.constant 5 : i32
      %add3A_304 = arith.addi %mul3A_302, %add3A_303 : i32
      %dma_start3A_305 = arith.constant 2 : i32
      %dma_start3A_306 = arith.constant 0 : i32
      %dma_start3A_307 = tpu.memref_slice %arg6[%add3A_304, %dma_start3A_306] : memref<512x64xf32, #tpu.memory_space<vmem>> -> memref<1x64xf32, #tpu.memory_space<vmem>>
      %dma_start3A_308 = tpu.memref_squeeze %dma_start3A_307 : memref<1x64xf32, #tpu.memory_space<vmem>> -> memref<64xf32, #tpu.memory_space<vmem>>
      %dma_start3A_309 = arith.constant 0 : i32
      %dma_start3A_310 = tpu.memref_slice %arg3[%squeeze3A_298, %squeeze3A_300, %dma_start3A_309] : memref<125000x8x64xf32, #tpu.memory_space<hbm>> -> memref<1x1x64xf32, #tpu.memory_space<hbm>>
      %dma_start3A_311 = tpu.memref_squeeze %dma_start3A_310 : memref<1x1x64xf32, #tpu.memory_space<hbm>> -> memref<64xf32, #tpu.memory_space<hbm>>
      %dma_start3A_312 = tpu.memref_slice %arg7[%dma_start3A_305] : memref<4x!tpu.dma_semaphore, #tpu.memory_space<semaphore_mem>> -> memref<1x!tpu.dma_semaphore, #tpu.memory_space<semaphore_mem>>
      %dma_start3A_313 = tpu.memref_squeeze %dma_start3A_312 : memref<1x!tpu.dma_semaphore, #tpu.memory_space<semaphore_mem>> -> memref<!tpu.dma_semaphore, #tpu.memory_space<semaphore_mem>>
      %dma_start3A_314 = arith.constant 0 : i32
      %dma_start3A_315 = tpu.memref_slice %arg6[%add3A_304, %dma_start3A_314] : memref<512x64xf32, #tpu.memory_space<vmem>> -> memref<1x64xf32, #tpu.memory_space<vmem>>
      %dma_start3A_316 = tpu.memref_squeeze %dma_start3A_315 : memref<1x64xf32, #tpu.memory_space<vmem>> -> memref<64xf32, #tpu.memory_space<vmem>>
      %dma_start3A_317 = arith.constant 0 : i32
      %dma_start3A_318 = tpu.memref_slice %arg3[%squeeze3A_298, %squeeze3A_300, %dma_start3A_317] : memref<125000x8x64xf32, #tpu.memory_space<hbm>> -> memref<1x1x64xf32, #tpu.memory_space<hbm>>
      %dma_start3A_319 = tpu.memref_squeeze %dma_start3A_318 : memref<1x1x64xf32, #tpu.memory_space<hbm>> -> memref<64xf32, #tpu.memory_space<hbm>>
      tpu.enqueue_dma source(%dma_start3A_319 : memref<64xf32, #tpu.memory_space<hbm>>) target(%dma_start3A_316 : memref<64xf32, #tpu.memory_space<vmem>>) target_semaphore(%dma_start3A_313 : memref<!tpu.dma_semaphore, #tpu.memory_space<semaphore_mem>>)
      %slice3A_320 = vector.extract_strided_slice %shift_right_logical3A_181 {offsets = [6], sizes = [1], strides = [1]} : vector<16xi32> to vector<1xi32>
      %squeeze3A_321 = vector.extract %slice3A_320[0] : i32 from vector<1xi32>
      %slice3A_322 = vector.extract_strided_slice %and3A_183 {offsets = [6], sizes = [1], strides = [1]} : vector<16xi32> to vector<1xi32>
      %squeeze3A_323 = vector.extract %slice3A_322[0] : i32 from vector<1xi32>
      %mul3A_324 = arith.constant 16 : i32
      %mul3A_325 = arith.muli %scan3A_176, %mul3A_324 : i32
      %add3A_326 = arith.constant 6 : i32
      %add3A_327 = arith.addi %mul3A_325, %add3A_326 : i32
      %dma_start3A_328 = arith.constant 2 : i32
      %dma_start3A_329 = arith.constant 0 : i32
      %dma_start3A_330 = tpu.memref_slice %arg6[%add3A_327, %dma_start3A_329] : memref<512x64xf32, #tpu.memory_space<vmem>> -> memref<1x64xf32, #tpu.memory_space<vmem>>
      %dma_start3A_331 = tpu.memref_squeeze %dma_start3A_330 : memref<1x64xf32, #tpu.memory_space<vmem>> -> memref<64xf32, #tpu.memory_space<vmem>>
      %dma_start3A_332 = arith.constant 0 : i32
      %dma_start3A_333 = tpu.memref_slice %arg3[%squeeze3A_321, %squeeze3A_323, %dma_start3A_332] : memref<125000x8x64xf32, #tpu.memory_space<hbm>> -> memref<1x1x64xf32, #tpu.memory_space<hbm>>
      %dma_start3A_334 = tpu.memref_squeeze %dma_start3A_333 : memref<1x1x64xf32, #tpu.memory_space<hbm>> -> memref<64xf32, #tpu.memory_space<hbm>>
      %dma_start3A_335 = tpu.memref_slice %arg7[%dma_start3A_328] : memref<4x!tpu.dma_semaphore, #tpu.memory_space<semaphore_mem>> -> memref<1x!tpu.dma_semaphore, #tpu.memory_space<semaphore_mem>>
      %dma_start3A_336 = tpu.memref_squeeze %dma_start3A_335 : memref<1x!tpu.dma_semaphore, #tpu.memory_space<semaphore_mem>> -> memref<!tpu.dma_semaphore, #tpu.memory_space<semaphore_mem>>
      %dma_start3A_337 = arith.constant 0 : i32
      %dma_start3A_338 = tpu.memref_slice %arg6[%add3A_327, %dma_start3A_337] : memref<512x64xf32, #tpu.memory_space<vmem>> -> memref<1x64xf32, #tpu.memory_space<vmem>>
      %dma_start3A_339 = tpu.memref_squeeze %dma_start3A_338 : memref<1x64xf32, #tpu.memory_space<vmem>> -> memref<64xf32, #tpu.memory_space<vmem>>
      %dma_start3A_340 = arith.constant 0 : i32
      %dma_start3A_341 = tpu.memref_slice %arg3[%squeeze3A_321, %squeeze3A_323, %dma_start3A_340] : memref<125000x8x64xf32, #tpu.memory_space<hbm>> -> memref<1x1x64xf32, #tpu.memory_space<hbm>>
      %dma_start3A_342 = tpu.memref_squeeze %dma_start3A_341 : memref<1x1x64xf32, #tpu.memory_space<hbm>> -> memref<64xf32, #tpu.memory_space<hbm>>
      tpu.enqueue_dma source(%dma_start3A_342 : memref<64xf32, #tpu.memory_space<hbm>>) target(%dma_start3A_339 : memref<64xf32, #tpu.memory_space<vmem>>) target_semaphore(%dma_start3A_336 : memref<!tpu.dma_semaphore, #tpu.memory_space<semaphore_mem>>)
      %slice3A_343 = vector.extract_strided_slice %shift_right_logical3A_181 {offsets = [7], sizes = [1], strides = [1]} : vector<16xi32> to vector<1xi32>
      %squeeze3A_344 = vector.extract %slice3A_343[0] : i32 from vector<1xi32>
      %slice3A_345 = vector.extract_strided_slice %and3A_183 {offsets = [7], sizes = [1], strides = [1]} : vector<16xi32> to vector<1xi32>
      %squeeze3A_346 = vector.extract %slice3A_345[0] : i32 from vector<1xi32>
      %mul3A_347 = arith.constant 16 : i32
      %mul3A_348 = arith.muli %scan3A_176, %mul3A_347 : i32
      %add3A_349 = arith.constant 7 : i32
      %add3A_350 = arith.addi %mul3A_348, %add3A_349 : i32
      %dma_start3A_351 = arith.constant 2 : i32
      %dma_start3A_352 = arith.constant 0 : i32
      %dma_start3A_353 = tpu.memref_slice %arg6[%add3A_350, %dma_start3A_352] : memref<512x64xf32, #tpu.memory_space<vmem>> -> memref<1x64xf32, #tpu.memory_space<vmem>>
      %dma_start3A_354 = tpu.memref_squeeze %dma_start3A_353 : memref<1x64xf32, #tpu.memory_space<vmem>> -> memref<64xf32, #tpu.memory_space<vmem>>
      %dma_start3A_355 = arith.constant 0 : i32
      %dma_start3A_356 = tpu.memref_slice %arg3[%squeeze3A_344, %squeeze3A_346, %dma_start3A_355] : memref<125000x8x64xf32, #tpu.memory_space<hbm>> -> memref<1x1x64xf32, #tpu.memory_space<hbm>>
      %dma_start3A_357 = tpu.memref_squeeze %dma_start3A_356 : memref<1x1x64xf32, #tpu.memory_space<hbm>> -> memref<64xf32, #tpu.memory_space<hbm>>
      %dma_start3A_358 = tpu.memref_slice %arg7[%dma_start3A_351] : memref<4x!tpu.dma_semaphore, #tpu.memory_space<semaphore_mem>> -> memref<1x!tpu.dma_semaphore, #tpu.memory_space<semaphore_mem>>
      %dma_start3A_359 = tpu.memref_squeeze %dma_start3A_358 : memref<1x!tpu.dma_semaphore, #tpu.memory_space<semaphore_mem>> -> memref<!tpu.dma_semaphore, #tpu.memory_space<semaphore_mem>>
      %dma_start3A_360 = arith.constant 0 : i32
      %dma_start3A_361 = tpu.memref_slice %arg6[%add3A_350, %dma_start3A_360] : memref<512x64xf32, #tpu.memory_space<vmem>> -> memref<1x64xf32, #tpu.memory_space<vmem>>
      %dma_start3A_362 = tpu.memref_squeeze %dma_start3A_361 : memref<1x64xf32, #tpu.memory_space<vmem>> -> memref<64xf32, #tpu.memory_space<vmem>>
      %dma_start3A_363 = arith.constant 0 : i32
      %dma_start3A_364 = tpu.memref_slice %arg3[%squeeze3A_344, %squeeze3A_346, %dma_start3A_363] : memref<125000x8x64xf32, #tpu.memory_space<hbm>> -> memref<1x1x64xf32, #tpu.memory_space<hbm>>
      %dma_start3A_365 = tpu.memref_squeeze %dma_start3A_364 : memref<1x1x64xf32, #tpu.memory_space<hbm>> -> memref<64xf32, #tpu.memory_space<hbm>>
      tpu.enqueue_dma source(%dma_start3A_365 : memref<64xf32, #tpu.memory_space<hbm>>) target(%dma_start3A_362 : memref<64xf32, #tpu.memory_space<vmem>>) target_semaphore(%dma_start3A_359 : memref<!tpu.dma_semaphore, #tpu.memory_space<semaphore_mem>>)
      %slice3A_366 = vector.extract_strided_slice %shift_right_logical3A_181 {offsets = [8], sizes = [1], strides = [1]} : vector<16xi32> to vector<1xi32>
      %squeeze3A_367 = vector.extract %slice3A_366[0] : i32 from vector<1xi32>
      %slice3A_368 = vector.extract_strided_slice %and3A_183 {offsets = [8], sizes = [1], strides = [1]} : vector<16xi32> to vector<1xi32>
      %squeeze3A_369 = vector.extract %slice3A_368[0] : i32 from vector<1xi32>
      %mul3A_370 = arith.constant 16 : i32
      %mul3A_371 = arith.muli %scan3A_176, %mul3A_370 : i32
      %add3A_372 = arith.constant 8 : i32
      %add3A_373 = arith.addi %mul3A_371, %add3A_372 : i32
      %dma_start3A_374 = arith.constant 2 : i32
      %dma_start3A_375 = arith.constant 0 : i32
      %dma_start3A_376 = tpu.memref_slice %arg6[%add3A_373, %dma_start3A_375] : memref<512x64xf32, #tpu.memory_space<vmem>> -> memref<1x64xf32, #tpu.memory_space<vmem>>
      %dma_start3A_377 = tpu.memref_squeeze %dma_start3A_376 : memref<1x64xf32, #tpu.memory_space<vmem>> -> memref<64xf32, #tpu.memory_space<vmem>>
      %dma_start3A_378 = arith.constant 0 : i32
      %dma_start3A_379 = tpu.memref_slice %arg3[%squeeze3A_367, %squeeze3A_369, %dma_start3A_378] : memref<125000x8x64xf32, #tpu.memory_space<hbm>> -> memref<1x1x64xf32, #tpu.memory_space<hbm>>
      %dma_start3A_380 = tpu.memref_squeeze %dma_start3A_379 : memref<1x1x64xf32, #tpu.memory_space<hbm>> -> memref<64xf32, #tpu.memory_space<hbm>>
      %dma_start3A_381 = tpu.memref_slice %arg7[%dma_start3A_374] : memref<4x!tpu.dma_semaphore, #tpu.memory_space<semaphore_mem>> -> memref<1x!tpu.dma_semaphore, #tpu.memory_space<semaphore_mem>>
      %dma_start3A_382 = tpu.memref_squeeze %dma_start3A_381 : memref<1x!tpu.dma_semaphore, #tpu.memory_space<semaphore_mem>> -> memref<!tpu.dma_semaphore, #tpu.memory_space<semaphore_mem>>
      %dma_start3A_383 = arith.constant 0 : i32
      %dma_start3A_384 = tpu.memref_slice %arg6[%add3A_373, %dma_start3A_383] : memref<512x64xf32, #tpu.memory_space<vmem>> -> memref<1x64xf32, #tpu.memory_space<vmem>>
      %dma_start3A_385 = tpu.memref_squeeze %dma_start3A_384 : memref<1x64xf32, #tpu.memory_space<vmem>> -> memref<64xf32, #tpu.memory_space<vmem>>
      %dma_start3A_386 = arith.constant 0 : i32
      %dma_start3A_387 = tpu.memref_slice %arg3[%squeeze3A_367, %squeeze3A_369, %dma_start3A_386] : memref<125000x8x64xf32, #tpu.memory_space<hbm>> -> memref<1x1x64xf32, #tpu.memory_space<hbm>>
      %dma_start3A_388 = tpu.memref_squeeze %dma_start3A_387 : memref<1x1x64xf32, #tpu.memory_space<hbm>> -> memref<64xf32, #tpu.memory_space<hbm>>
      tpu.enqueue_dma source(%dma_start3A_388 : memref<64xf32, #tpu.memory_space<hbm>>) target(%dma_start3A_385 : memref<64xf32, #tpu.memory_space<vmem>>) target_semaphore(%dma_start3A_382 : memref<!tpu.dma_semaphore, #tpu.memory_space<semaphore_mem>>)
      %slice3A_389 = vector.extract_strided_slice %shift_right_logical3A_181 {offsets = [9], sizes = [1], strides = [1]} : vector<16xi32> to vector<1xi32>
      %squeeze3A_390 = vector.extract %slice3A_389[0] : i32 from vector<1xi32>
      %slice3A_391 = vector.extract_strided_slice %and3A_183 {offsets = [9], sizes = [1], strides = [1]} : vector<16xi32> to vector<1xi32>
      %squeeze3A_392 = vector.extract %slice3A_391[0] : i32 from vector<1xi32>
      %mul3A_393 = arith.constant 16 : i32
      %mul3A_394 = arith.muli %scan3A_176, %mul3A_393 : i32
      %add3A_395 = arith.constant 9 : i32
      %add3A_396 = arith.addi %mul3A_394, %add3A_395 : i32
      %dma_start3A_397 = arith.constant 2 : i32
      %dma_start3A_398 = arith.constant 0 : i32
      %dma_start3A_399 = tpu.memref_slice %arg6[%add3A_396, %dma_start3A_398] : memref<512x64xf32, #tpu.memory_space<vmem>> -> memref<1x64xf32, #tpu.memory_space<vmem>>
      %dma_start3A_400 = tpu.memref_squeeze %dma_start3A_399 : memref<1x64xf32, #tpu.memory_space<vmem>> -> memref<64xf32, #tpu.memory_space<vmem>>
      %dma_start3A_401 = arith.constant 0 : i32
      %dma_start3A_402 = tpu.memref_slice %arg3[%squeeze3A_390, %squeeze3A_392, %dma_start3A_401] : memref<125000x8x64xf32, #tpu.memory_space<hbm>> -> memref<1x1x64xf32, #tpu.memory_space<hbm>>
      %dma_start3A_403 = tpu.memref_squeeze %dma_start3A_402 : memref<1x1x64xf32, #tpu.memory_space<hbm>> -> memref<64xf32, #tpu.memory_space<hbm>>
      %dma_start3A_404 = tpu.memref_slice %arg7[%dma_start3A_397] : memref<4x!tpu.dma_semaphore, #tpu.memory_space<semaphore_mem>> -> memref<1x!tpu.dma_semaphore, #tpu.memory_space<semaphore_mem>>
      %dma_start3A_405 = tpu.memref_squeeze %dma_start3A_404 : memref<1x!tpu.dma_semaphore, #tpu.memory_space<semaphore_mem>> -> memref<!tpu.dma_semaphore, #tpu.memory_space<semaphore_mem>>
      %dma_start3A_406 = arith.constant 0 : i32
      %dma_start3A_407 = tpu.memref_slice %arg6[%add3A_396, %dma_start3A_406] : memref<512x64xf32, #tpu.memory_space<vmem>> -> memref<1x64xf32, #tpu.memory_space<vmem>>
      %dma_start3A_408 = tpu.memref_squeeze %dma_start3A_407 : memref<1x64xf32, #tpu.memory_space<vmem>> -> memref<64xf32, #tpu.memory_space<vmem>>
      %dma_start3A_409 = arith.constant 0 : i32
      %dma_start3A_410 = tpu.memref_slice %arg3[%squeeze3A_390, %squeeze3A_392, %dma_start3A_409] : memref<125000x8x64xf32, #tpu.memory_space<hbm>> -> memref<1x1x64xf32, #tpu.memory_space<hbm>>
      %dma_start3A_411 = tpu.memref_squeeze %dma_start3A_410 : memref<1x1x64xf32, #tpu.memory_space<hbm>> -> memref<64xf32, #tpu.memory_space<hbm>>
      tpu.enqueue_dma source(%dma_start3A_411 : memref<64xf32, #tpu.memory_space<hbm>>) target(%dma_start3A_408 : memref<64xf32, #tpu.memory_space<vmem>>) target_semaphore(%dma_start3A_405 : memref<!tpu.dma_semaphore, #tpu.memory_space<semaphore_mem>>)
      %slice3A_412 = vector.extract_strided_slice %shift_right_logical3A_181 {offsets = [10], sizes = [1], strides = [1]} : vector<16xi32> to vector<1xi32>
      %squeeze3A_413 = vector.extract %slice3A_412[0] : i32 from vector<1xi32>
      %slice3A_414 = vector.extract_strided_slice %and3A_183 {offsets = [10], sizes = [1], strides = [1]} : vector<16xi32> to vector<1xi32>
      %squeeze3A_415 = vector.extract %slice3A_414[0] : i32 from vector<1xi32>
      %mul3A_416 = arith.constant 16 : i32
      %mul3A_417 = arith.muli %scan3A_176, %mul3A_416 : i32
      %add3A_418 = arith.constant 10 : i32
      %add3A_419 = arith.addi %mul3A_417, %add3A_418 : i32
      %dma_start3A_420 = arith.constant 2 : i32
      %dma_start3A_421 = arith.constant 0 : i32
      %dma_start3A_422 = tpu.memref_slice %arg6[%add3A_419, %dma_start3A_421] : memref<512x64xf32, #tpu.memory_space<vmem>> -> memref<1x64xf32, #tpu.memory_space<vmem>>
      %dma_start3A_423 = tpu.memref_squeeze %dma_start3A_422 : memref<1x64xf32, #tpu.memory_space<vmem>> -> memref<64xf32, #tpu.memory_space<vmem>>
      %dma_start3A_424 = arith.constant 0 : i32
      %dma_start3A_425 = tpu.memref_slice %arg3[%squeeze3A_413, %squeeze3A_415, %dma_start3A_424] : memref<125000x8x64xf32, #tpu.memory_space<hbm>> -> memref<1x1x64xf32, #tpu.memory_space<hbm>>
      %dma_start3A_426 = tpu.memref_squeeze %dma_start3A_425 : memref<1x1x64xf32, #tpu.memory_space<hbm>> -> memref<64xf32, #tpu.memory_space<hbm>>
      %dma_start3A_427 = tpu.memref_slice %arg7[%dma_start3A_420] : memref<4x!tpu.dma_semaphore, #tpu.memory_space<semaphore_mem>> -> memref<1x!tpu.dma_semaphore, #tpu.memory_space<semaphore_mem>>
      %dma_start3A_428 = tpu.memref_squeeze %dma_start3A_427 : memref<1x!tpu.dma_semaphore, #tpu.memory_space<semaphore_mem>> -> memref<!tpu.dma_semaphore, #tpu.memory_space<semaphore_mem>>
      %dma_start3A_429 = arith.constant 0 : i32
      %dma_start3A_430 = tpu.memref_slice %arg6[%add3A_419, %dma_start3A_429] : memref<512x64xf32, #tpu.memory_space<vmem>> -> memref<1x64xf32, #tpu.memory_space<vmem>>
      %dma_start3A_431 = tpu.memref_squeeze %dma_start3A_430 : memref<1x64xf32, #tpu.memory_space<vmem>> -> memref<64xf32, #tpu.memory_space<vmem>>
      %dma_start3A_432 = arith.constant 0 : i32
      %dma_start3A_433 = tpu.memref_slice %arg3[%squeeze3A_413, %squeeze3A_415, %dma_start3A_432] : memref<125000x8x64xf32, #tpu.memory_space<hbm>> -> memref<1x1x64xf32, #tpu.memory_space<hbm>>
      %dma_start3A_434 = tpu.memref_squeeze %dma_start3A_433 : memref<1x1x64xf32, #tpu.memory_space<hbm>> -> memref<64xf32, #tpu.memory_space<hbm>>
      tpu.enqueue_dma source(%dma_start3A_434 : memref<64xf32, #tpu.memory_space<hbm>>) target(%dma_start3A_431 : memref<64xf32, #tpu.memory_space<vmem>>) target_semaphore(%dma_start3A_428 : memref<!tpu.dma_semaphore, #tpu.memory_space<semaphore_mem>>)
      %slice3A_435 = vector.extract_strided_slice %shift_right_logical3A_181 {offsets = [11], sizes = [1], strides = [1]} : vector<16xi32> to vector<1xi32>
      %squeeze3A_436 = vector.extract %slice3A_435[0] : i32 from vector<1xi32>
      %slice3A_437 = vector.extract_strided_slice %and3A_183 {offsets = [11], sizes = [1], strides = [1]} : vector<16xi32> to vector<1xi32>
      %squeeze3A_438 = vector.extract %slice3A_437[0] : i32 from vector<1xi32>
      %mul3A_439 = arith.constant 16 : i32
      %mul3A_440 = arith.muli %scan3A_176, %mul3A_439 : i32
      %add3A_441 = arith.constant 11 : i32
      %add3A_442 = arith.addi %mul3A_440, %add3A_441 : i32
      %dma_start3A_443 = arith.constant 2 : i32
      %dma_start3A_444 = arith.constant 0 : i32
      %dma_start3A_445 = tpu.memref_slice %arg6[%add3A_442, %dma_start3A_444] : memref<512x64xf32, #tpu.memory_space<vmem>> -> memref<1x64xf32, #tpu.memory_space<vmem>>
      %dma_start3A_446 = tpu.memref_squeeze %dma_start3A_445 : memref<1x64xf32, #tpu.memory_space<vmem>> -> memref<64xf32, #tpu.memory_space<vmem>>
      %dma_start3A_447 = arith.constant 0 : i32
      %dma_start3A_448 = tpu.memref_slice %arg3[%squeeze3A_436, %squeeze3A_438, %dma_start3A_447] : memref<125000x8x64xf32, #tpu.memory_space<hbm>> -> memref<1x1x64xf32, #tpu.memory_space<hbm>>
      %dma_start3A_449 = tpu.memref_squeeze %dma_start3A_448 : memref<1x1x64xf32, #tpu.memory_space<hbm>> -> memref<64xf32, #tpu.memory_space<hbm>>
      %dma_start3A_450 = tpu.memref_slice %arg7[%dma_start3A_443] : memref<4x!tpu.dma_semaphore, #tpu.memory_space<semaphore_mem>> -> memref<1x!tpu.dma_semaphore, #tpu.memory_space<semaphore_mem>>
      %dma_start3A_451 = tpu.memref_squeeze %dma_start3A_450 : memref<1x!tpu.dma_semaphore, #tpu.memory_space<semaphore_mem>> -> memref<!tpu.dma_semaphore, #tpu.memory_space<semaphore_mem>>
      %dma_start3A_452 = arith.constant 0 : i32
      %dma_start3A_453 = tpu.memref_slice %arg6[%add3A_442, %dma_start3A_452] : memref<512x64xf32, #tpu.memory_space<vmem>> -> memref<1x64xf32, #tpu.memory_space<vmem>>
      %dma_start3A_454 = tpu.memref_squeeze %dma_start3A_453 : memref<1x64xf32, #tpu.memory_space<vmem>> -> memref<64xf32, #tpu.memory_space<vmem>>
      %dma_start3A_455 = arith.constant 0 : i32
      %dma_start3A_456 = tpu.memref_slice %arg3[%squeeze3A_436, %squeeze3A_438, %dma_start3A_455] : memref<125000x8x64xf32, #tpu.memory_space<hbm>> -> memref<1x1x64xf32, #tpu.memory_space<hbm>>
      %dma_start3A_457 = tpu.memref_squeeze %dma_start3A_456 : memref<1x1x64xf32, #tpu.memory_space<hbm>> -> memref<64xf32, #tpu.memory_space<hbm>>
      tpu.enqueue_dma source(%dma_start3A_457 : memref<64xf32, #tpu.memory_space<hbm>>) target(%dma_start3A_454 : memref<64xf32, #tpu.memory_space<vmem>>) target_semaphore(%dma_start3A_451 : memref<!tpu.dma_semaphore, #tpu.memory_space<semaphore_mem>>)
      %slice3A_458 = vector.extract_strided_slice %shift_right_logical3A_181 {offsets = [12], sizes = [1], strides = [1]} : vector<16xi32> to vector<1xi32>
      %squeeze3A_459 = vector.extract %slice3A_458[0] : i32 from vector<1xi32>
      %slice3A_460 = vector.extract_strided_slice %and3A_183 {offsets = [12], sizes = [1], strides = [1]} : vector<16xi32> to vector<1xi32>
      %squeeze3A_461 = vector.extract %slice3A_460[0] : i32 from vector<1xi32>
      %mul3A_462 = arith.constant 16 : i32
      %mul3A_463 = arith.muli %scan3A_176, %mul3A_462 : i32
      %add3A_464 = arith.constant 12 : i32
      %add3A_465 = arith.addi %mul3A_463, %add3A_464 : i32
      %dma_start3A_466 = arith.constant 2 : i32
      %dma_start3A_467 = arith.constant 0 : i32
      %dma_start3A_468 = tpu.memref_slice %arg6[%add3A_465, %dma_start3A_467] : memref<512x64xf32, #tpu.memory_space<vmem>> -> memref<1x64xf32, #tpu.memory_space<vmem>>
      %dma_start3A_469 = tpu.memref_squeeze %dma_start3A_468 : memref<1x64xf32, #tpu.memory_space<vmem>> -> memref<64xf32, #tpu.memory_space<vmem>>
      %dma_start3A_470 = arith.constant 0 : i32
      %dma_start3A_471 = tpu.memref_slice %arg3[%squeeze3A_459, %squeeze3A_461, %dma_start3A_470] : memref<125000x8x64xf32, #tpu.memory_space<hbm>> -> memref<1x1x64xf32, #tpu.memory_space<hbm>>
      %dma_start3A_472 = tpu.memref_squeeze %dma_start3A_471 : memref<1x1x64xf32, #tpu.memory_space<hbm>> -> memref<64xf32, #tpu.memory_space<hbm>>
      %dma_start3A_473 = tpu.memref_slice %arg7[%dma_start3A_466] : memref<4x!tpu.dma_semaphore, #tpu.memory_space<semaphore_mem>> -> memref<1x!tpu.dma_semaphore, #tpu.memory_space<semaphore_mem>>
      %dma_start3A_474 = tpu.memref_squeeze %dma_start3A_473 : memref<1x!tpu.dma_semaphore, #tpu.memory_space<semaphore_mem>> -> memref<!tpu.dma_semaphore, #tpu.memory_space<semaphore_mem>>
      %dma_start3A_475 = arith.constant 0 : i32
      %dma_start3A_476 = tpu.memref_slice %arg6[%add3A_465, %dma_start3A_475] : memref<512x64xf32, #tpu.memory_space<vmem>> -> memref<1x64xf32, #tpu.memory_space<vmem>>
      %dma_start3A_477 = tpu.memref_squeeze %dma_start3A_476 : memref<1x64xf32, #tpu.memory_space<vmem>> -> memref<64xf32, #tpu.memory_space<vmem>>
      %dma_start3A_478 = arith.constant 0 : i32
      %dma_start3A_479 = tpu.memref_slice %arg3[%squeeze3A_459, %squeeze3A_461, %dma_start3A_478] : memref<125000x8x64xf32, #tpu.memory_space<hbm>> -> memref<1x1x64xf32, #tpu.memory_space<hbm>>
      %dma_start3A_480 = tpu.memref_squeeze %dma_start3A_479 : memref<1x1x64xf32, #tpu.memory_space<hbm>> -> memref<64xf32, #tpu.memory_space<hbm>>
      tpu.enqueue_dma source(%dma_start3A_480 : memref<64xf32, #tpu.memory_space<hbm>>) target(%dma_start3A_477 : memref<64xf32, #tpu.memory_space<vmem>>) target_semaphore(%dma_start3A_474 : memref<!tpu.dma_semaphore, #tpu.memory_space<semaphore_mem>>)
      %slice3A_481 = vector.extract_strided_slice %shift_right_logical3A_181 {offsets = [13], sizes = [1], strides = [1]} : vector<16xi32> to vector<1xi32>
      %squeeze3A_482 = vector.extract %slice3A_481[0] : i32 from vector<1xi32>
      %slice3A_483 = vector.extract_strided_slice %and3A_183 {offsets = [13], sizes = [1], strides = [1]} : vector<16xi32> to vector<1xi32>
      %squeeze3A_484 = vector.extract %slice3A_483[0] : i32 from vector<1xi32>
      %mul3A_485 = arith.constant 16 : i32
      %mul3A_486 = arith.muli %scan3A_176, %mul3A_485 : i32
      %add3A_487 = arith.constant 13 : i32
      %add3A_488 = arith.addi %mul3A_486, %add3A_487 : i32
      %dma_start3A_489 = arith.constant 2 : i32
      %dma_start3A_490 = arith.constant 0 : i32
      %dma_start3A_491 = tpu.memref_slice %arg6[%add3A_488, %dma_start3A_490] : memref<512x64xf32, #tpu.memory_space<vmem>> -> memref<1x64xf32, #tpu.memory_space<vmem>>
      %dma_start3A_492 = tpu.memref_squeeze %dma_start3A_491 : memref<1x64xf32, #tpu.memory_space<vmem>> -> memref<64xf32, #tpu.memory_space<vmem>>
      %dma_start3A_493 = arith.constant 0 : i32
      %dma_start3A_494 = tpu.memref_slice %arg3[%squeeze3A_482, %squeeze3A_484, %dma_start3A_493] : memref<125000x8x64xf32, #tpu.memory_space<hbm>> -> memref<1x1x64xf32, #tpu.memory_space<hbm>>
      %dma_start3A_495 = tpu.memref_squeeze %dma_start3A_494 : memref<1x1x64xf32, #tpu.memory_space<hbm>> -> memref<64xf32, #tpu.memory_space<hbm>>
      %dma_start3A_496 = tpu.memref_slice %arg7[%dma_start3A_489] : memref<4x!tpu.dma_semaphore, #tpu.memory_space<semaphore_mem>> -> memref<1x!tpu.dma_semaphore, #tpu.memory_space<semaphore_mem>>
      %dma_start3A_497 = tpu.memref_squeeze %dma_start3A_496 : memref<1x!tpu.dma_semaphore, #tpu.memory_space<semaphore_mem>> -> memref<!tpu.dma_semaphore, #tpu.memory_space<semaphore_mem>>
      %dma_start3A_498 = arith.constant 0 : i32
      %dma_start3A_499 = tpu.memref_slice %arg6[%add3A_488, %dma_start3A_498] : memref<512x64xf32, #tpu.memory_space<vmem>> -> memref<1x64xf32, #tpu.memory_space<vmem>>
      %dma_start3A_500 = tpu.memref_squeeze %dma_start3A_499 : memref<1x64xf32, #tpu.memory_space<vmem>> -> memref<64xf32, #tpu.memory_space<vmem>>
      %dma_start3A_501 = arith.constant 0 : i32
      %dma_start3A_502 = tpu.memref_slice %arg3[%squeeze3A_482, %squeeze3A_484, %dma_start3A_501] : memref<125000x8x64xf32, #tpu.memory_space<hbm>> -> memref<1x1x64xf32, #tpu.memory_space<hbm>>
      %dma_start3A_503 = tpu.memref_squeeze %dma_start3A_502 : memref<1x1x64xf32, #tpu.memory_space<hbm>> -> memref<64xf32, #tpu.memory_space<hbm>>
      tpu.enqueue_dma source(%dma_start3A_503 : memref<64xf32, #tpu.memory_space<hbm>>) target(%dma_start3A_500 : memref<64xf32, #tpu.memory_space<vmem>>) target_semaphore(%dma_start3A_497 : memref<!tpu.dma_semaphore, #tpu.memory_space<semaphore_mem>>)
      %slice3A_504 = vector.extract_strided_slice %shift_right_logical3A_181 {offsets = [14], sizes = [1], strides = [1]} : vector<16xi32> to vector<1xi32>
      %squeeze3A_505 = vector.extract %slice3A_504[0] : i32 from vector<1xi32>
      %slice3A_506 = vector.extract_strided_slice %and3A_183 {offsets = [14], sizes = [1], strides = [1]} : vector<16xi32> to vector<1xi32>
      %squeeze3A_507 = vector.extract %slice3A_506[0] : i32 from vector<1xi32>
      %mul3A_508 = arith.constant 16 : i32
      %mul3A_509 = arith.muli %scan3A_176, %mul3A_508 : i32
      %add3A_510 = arith.constant 14 : i32
      %add3A_511 = arith.addi %mul3A_509, %add3A_510 : i32
      %dma_start3A_512 = arith.constant 2 : i32
      %dma_start3A_513 = arith.constant 0 : i32
      %dma_start3A_514 = tpu.memref_slice %arg6[%add3A_511, %dma_start3A_513] : memref<512x64xf32, #tpu.memory_space<vmem>> -> memref<1x64xf32, #tpu.memory_space<vmem>>
      %dma_start3A_515 = tpu.memref_squeeze %dma_start3A_514 : memref<1x64xf32, #tpu.memory_space<vmem>> -> memref<64xf32, #tpu.memory_space<vmem>>
      %dma_start3A_516 = arith.constant 0 : i32
      %dma_start3A_517 = tpu.memref_slice %arg3[%squeeze3A_505, %squeeze3A_507, %dma_start3A_516] : memref<125000x8x64xf32, #tpu.memory_space<hbm>> -> memref<1x1x64xf32, #tpu.memory_space<hbm>>
      %dma_start3A_518 = tpu.memref_squeeze %dma_start3A_517 : memref<1x1x64xf32, #tpu.memory_space<hbm>> -> memref<64xf32, #tpu.memory_space<hbm>>
      %dma_start3A_519 = tpu.memref_slice %arg7[%dma_start3A_512] : memref<4x!tpu.dma_semaphore, #tpu.memory_space<semaphore_mem>> -> memref<1x!tpu.dma_semaphore, #tpu.memory_space<semaphore_mem>>
      %dma_start3A_520 = tpu.memref_squeeze %dma_start3A_519 : memref<1x!tpu.dma_semaphore, #tpu.memory_space<semaphore_mem>> -> memref<!tpu.dma_semaphore, #tpu.memory_space<semaphore_mem>>
      %dma_start3A_521 = arith.constant 0 : i32
      %dma_start3A_522 = tpu.memref_slice %arg6[%add3A_511, %dma_start3A_521] : memref<512x64xf32, #tpu.memory_space<vmem>> -> memref<1x64xf32, #tpu.memory_space<vmem>>
      %dma_start3A_523 = tpu.memref_squeeze %dma_start3A_522 : memref<1x64xf32, #tpu.memory_space<vmem>> -> memref<64xf32, #tpu.memory_space<vmem>>
      %dma_start3A_524 = arith.constant 0 : i32
      %dma_start3A_525 = tpu.memref_slice %arg3[%squeeze3A_505, %squeeze3A_507, %dma_start3A_524] : memref<125000x8x64xf32, #tpu.memory_space<hbm>> -> memref<1x1x64xf32, #tpu.memory_space<hbm>>
      %dma_start3A_526 = tpu.memref_squeeze %dma_start3A_525 : memref<1x1x64xf32, #tpu.memory_space<hbm>> -> memref<64xf32, #tpu.memory_space<hbm>>
      tpu.enqueue_dma source(%dma_start3A_526 : memref<64xf32, #tpu.memory_space<hbm>>) target(%dma_start3A_523 : memref<64xf32, #tpu.memory_space<vmem>>) target_semaphore(%dma_start3A_520 : memref<!tpu.dma_semaphore, #tpu.memory_space<semaphore_mem>>)
      %slice3A_527 = vector.extract_strided_slice %shift_right_logical3A_181 {offsets = [15], sizes = [1], strides = [1]} : vector<16xi32> to vector<1xi32>
      %squeeze3A_528 = vector.extract %slice3A_527[0] : i32 from vector<1xi32>
      %slice3A_529 = vector.extract_strided_slice %and3A_183 {offsets = [15], sizes = [1], strides = [1]} : vector<16xi32> to vector<1xi32>
      %squeeze3A_530 = vector.extract %slice3A_529[0] : i32 from vector<1xi32>
      %mul3A_531 = arith.constant 16 : i32
      %mul3A_532 = arith.muli %scan3A_176, %mul3A_531 : i32
      %add3A_533 = arith.constant 15 : i32
      %add3A_534 = arith.addi %mul3A_532, %add3A_533 : i32
      %dma_start3A_535 = arith.constant 2 : i32
      %dma_start3A_536 = arith.constant 0 : i32
      %dma_start3A_537 = tpu.memref_slice %arg6[%add3A_534, %dma_start3A_536] : memref<512x64xf32, #tpu.memory_space<vmem>> -> memref<1x64xf32, #tpu.memory_space<vmem>>
      %dma_start3A_538 = tpu.memref_squeeze %dma_start3A_537 : memref<1x64xf32, #tpu.memory_space<vmem>> -> memref<64xf32, #tpu.memory_space<vmem>>
      %dma_start3A_539 = arith.constant 0 : i32
      %dma_start3A_540 = tpu.memref_slice %arg3[%squeeze3A_528, %squeeze3A_530, %dma_start3A_539] : memref<125000x8x64xf32, #tpu.memory_space<hbm>> -> memref<1x1x64xf32, #tpu.memory_space<hbm>>
      %dma_start3A_541 = tpu.memref_squeeze %dma_start3A_540 : memref<1x1x64xf32, #tpu.memory_space<hbm>> -> memref<64xf32, #tpu.memory_space<hbm>>
      %dma_start3A_542 = tpu.memref_slice %arg7[%dma_start3A_535] : memref<4x!tpu.dma_semaphore, #tpu.memory_space<semaphore_mem>> -> memref<1x!tpu.dma_semaphore, #tpu.memory_space<semaphore_mem>>
      %dma_start3A_543 = tpu.memref_squeeze %dma_start3A_542 : memref<1x!tpu.dma_semaphore, #tpu.memory_space<semaphore_mem>> -> memref<!tpu.dma_semaphore, #tpu.memory_space<semaphore_mem>>
      %dma_start3A_544 = arith.constant 0 : i32
      %dma_start3A_545 = tpu.memref_slice %arg6[%add3A_534, %dma_start3A_544] : memref<512x64xf32, #tpu.memory_space<vmem>> -> memref<1x64xf32, #tpu.memory_space<vmem>>
      %dma_start3A_546 = tpu.memref_squeeze %dma_start3A_545 : memref<1x64xf32, #tpu.memory_space<vmem>> -> memref<64xf32, #tpu.memory_space<vmem>>
      %dma_start3A_547 = arith.constant 0 : i32
      %dma_start3A_548 = tpu.memref_slice %arg3[%squeeze3A_528, %squeeze3A_530, %dma_start3A_547] : memref<125000x8x64xf32, #tpu.memory_space<hbm>> -> memref<1x1x64xf32, #tpu.memory_space<hbm>>
      %dma_start3A_549 = tpu.memref_squeeze %dma_start3A_548 : memref<1x1x64xf32, #tpu.memory_space<hbm>> -> memref<64xf32, #tpu.memory_space<hbm>>
      tpu.enqueue_dma source(%dma_start3A_549 : memref<64xf32, #tpu.memory_space<hbm>>) target(%dma_start3A_546 : memref<64xf32, #tpu.memory_space<vmem>>) target_semaphore(%dma_start3A_543 : memref<!tpu.dma_semaphore, #tpu.memory_space<semaphore_mem>>)
    }
    %scan3A_16 = arith.constant 8 : i32
    %scan3A_17 = arith.constant 24 : i32
    %scan3A_18 = arith.constant 8 : i32
    %scan3A_19 = arith.addi %scan3A_17, %scan3A_18 : i32
    %scan3A_20 = arith.constant 1 : i32
    scf.for %scan3A_176 = %scan3A_17 to %scan3A_19 step %scan3A_20  : i32 {
      %mul3A_177 = arith.constant 16 : i32
      %mul3A_178 = arith.muli %scan3A_176, %mul3A_177 : i32
      %get3A = arith.index_cast %mul3A_178 : i32 to index
      %get3A_179 = tpu.vector_load %arg5[%get3A] {strides = array<i32>} : memref<512xi32, #tpu.memory_space<vmem>>, vector<16xi32>,
      %shift_right_logical3A = arith.constant 3 : i32
      %shift_right_logical3A_180 = vector.broadcast %shift_right_logical3A : i32 to vector<16xi32>
      %shift_right_logical3A_181 = arith.shrui %get3A_179, %shift_right_logical3A_180 : vector<16xi32>
      %and3A = arith.constant 7 : i32
      %and3A_182 = vector.broadcast %and3A : i32 to vector<16xi32>
      %and3A_183 = arith.andi %get3A_179, %and3A_182 : vector<16xi32>
      %slice3A = vector.extract_strided_slice %shift_right_logical3A_181 {offsets = [0], sizes = [1], strides = [1]} : vector<16xi32> to vector<1xi32>
      %squeeze3A = vector.extract %slice3A[0] : i32 from vector<1xi32>
      %slice3A_184 = vector.extract_strided_slice %and3A_183 {offsets = [0], sizes = [1], strides = [1]} : vector<16xi32> to vector<1xi32>
      %squeeze3A_185 = vector.extract %slice3A_184[0] : i32 from vector<1xi32>
      %mul3A_186 = arith.constant 16 : i32
      %mul3A_187 = arith.muli %scan3A_176, %mul3A_186 : i32
      %add3A_188 = arith.constant 0 : i32
      %add3A_189 = arith.addi %mul3A_187, %add3A_188 : i32
      %dma_start3A_190 = arith.constant 3 : i32
      %dma_start3A_191 = arith.constant 0 : i32
      %dma_start3A_192 = tpu.memref_slice %arg6[%add3A_189, %dma_start3A_191] : memref<512x64xf32, #tpu.memory_space<vmem>> -> memref<1x64xf32, #tpu.memory_space<vmem>>
      %dma_start3A_193 = tpu.memref_squeeze %dma_start3A_192 : memref<1x64xf32, #tpu.memory_space<vmem>> -> memref<64xf32, #tpu.memory_space<vmem>>
      %dma_start3A_194 = arith.constant 0 : i32
      %dma_start3A_195 = tpu.memref_slice %arg3[%squeeze3A, %squeeze3A_185, %dma_start3A_194] : memref<125000x8x64xf32, #tpu.memory_space<hbm>> -> memref<1x1x64xf32, #tpu.memory_space<hbm>>
      %dma_start3A_196 = tpu.memref_squeeze %dma_start3A_195 : memref<1x1x64xf32, #tpu.memory_space<hbm>> -> memref<64xf32, #tpu.memory_space<hbm>>
      %dma_start3A_197 = tpu.memref_slice %arg7[%dma_start3A_190] : memref<4x!tpu.dma_semaphore, #tpu.memory_space<semaphore_mem>> -> memref<1x!tpu.dma_semaphore, #tpu.memory_space<semaphore_mem>>
      %dma_start3A_198 = tpu.memref_squeeze %dma_start3A_197 : memref<1x!tpu.dma_semaphore, #tpu.memory_space<semaphore_mem>> -> memref<!tpu.dma_semaphore, #tpu.memory_space<semaphore_mem>>
      %dma_start3A_199 = arith.constant 0 : i32
      %dma_start3A_200 = tpu.memref_slice %arg6[%add3A_189, %dma_start3A_199] : memref<512x64xf32, #tpu.memory_space<vmem>> -> memref<1x64xf32, #tpu.memory_space<vmem>>
      %dma_start3A_201 = tpu.memref_squeeze %dma_start3A_200 : memref<1x64xf32, #tpu.memory_space<vmem>> -> memref<64xf32, #tpu.memory_space<vmem>>
      %dma_start3A_202 = arith.constant 0 : i32
      %dma_start3A_203 = tpu.memref_slice %arg3[%squeeze3A, %squeeze3A_185, %dma_start3A_202] : memref<125000x8x64xf32, #tpu.memory_space<hbm>> -> memref<1x1x64xf32, #tpu.memory_space<hbm>>
      %dma_start3A_204 = tpu.memref_squeeze %dma_start3A_203 : memref<1x1x64xf32, #tpu.memory_space<hbm>> -> memref<64xf32, #tpu.memory_space<hbm>>
      tpu.enqueue_dma source(%dma_start3A_204 : memref<64xf32, #tpu.memory_space<hbm>>) target(%dma_start3A_201 : memref<64xf32, #tpu.memory_space<vmem>>) target_semaphore(%dma_start3A_198 : memref<!tpu.dma_semaphore, #tpu.memory_space<semaphore_mem>>)
      %slice3A_205 = vector.extract_strided_slice %shift_right_logical3A_181 {offsets = [1], sizes = [1], strides = [1]} : vector<16xi32> to vector<1xi32>
      %squeeze3A_206 = vector.extract %slice3A_205[0] : i32 from vector<1xi32>
      %slice3A_207 = vector.extract_strided_slice %and3A_183 {offsets = [1], sizes = [1], strides = [1]} : vector<16xi32> to vector<1xi32>
      %squeeze3A_208 = vector.extract %slice3A_207[0] : i32 from vector<1xi32>
      %mul3A_209 = arith.constant 16 : i32
      %mul3A_210 = arith.muli %scan3A_176, %mul3A_209 : i32
      %add3A_211 = arith.constant 1 : i32
      %add3A_212 = arith.addi %mul3A_210, %add3A_211 : i32
      %dma_start3A_213 = arith.constant 3 : i32
      %dma_start3A_214 = arith.constant 0 : i32
      %dma_start3A_215 = tpu.memref_slice %arg6[%add3A_212, %dma_start3A_214] : memref<512x64xf32, #tpu.memory_space<vmem>> -> memref<1x64xf32, #tpu.memory_space<vmem>>
      %dma_start3A_216 = tpu.memref_squeeze %dma_start3A_215 : memref<1x64xf32, #tpu.memory_space<vmem>> -> memref<64xf32, #tpu.memory_space<vmem>>
      %dma_start3A_217 = arith.constant 0 : i32
      %dma_start3A_218 = tpu.memref_slice %arg3[%squeeze3A_206, %squeeze3A_208, %dma_start3A_217] : memref<125000x8x64xf32, #tpu.memory_space<hbm>> -> memref<1x1x64xf32, #tpu.memory_space<hbm>>
      %dma_start3A_219 = tpu.memref_squeeze %dma_start3A_218 : memref<1x1x64xf32, #tpu.memory_space<hbm>> -> memref<64xf32, #tpu.memory_space<hbm>>
      %dma_start3A_220 = tpu.memref_slice %arg7[%dma_start3A_213] : memref<4x!tpu.dma_semaphore, #tpu.memory_space<semaphore_mem>> -> memref<1x!tpu.dma_semaphore, #tpu.memory_space<semaphore_mem>>
      %dma_start3A_221 = tpu.memref_squeeze %dma_start3A_220 : memref<1x!tpu.dma_semaphore, #tpu.memory_space<semaphore_mem>> -> memref<!tpu.dma_semaphore, #tpu.memory_space<semaphore_mem>>
      %dma_start3A_222 = arith.constant 0 : i32
      %dma_start3A_223 = tpu.memref_slice %arg6[%add3A_212, %dma_start3A_222] : memref<512x64xf32, #tpu.memory_space<vmem>> -> memref<1x64xf32, #tpu.memory_space<vmem>>
      %dma_start3A_224 = tpu.memref_squeeze %dma_start3A_223 : memref<1x64xf32, #tpu.memory_space<vmem>> -> memref<64xf32, #tpu.memory_space<vmem>>
      %dma_start3A_225 = arith.constant 0 : i32
      %dma_start3A_226 = tpu.memref_slice %arg3[%squeeze3A_206, %squeeze3A_208, %dma_start3A_225] : memref<125000x8x64xf32, #tpu.memory_space<hbm>> -> memref<1x1x64xf32, #tpu.memory_space<hbm>>
      %dma_start3A_227 = tpu.memref_squeeze %dma_start3A_226 : memref<1x1x64xf32, #tpu.memory_space<hbm>> -> memref<64xf32, #tpu.memory_space<hbm>>
      tpu.enqueue_dma source(%dma_start3A_227 : memref<64xf32, #tpu.memory_space<hbm>>) target(%dma_start3A_224 : memref<64xf32, #tpu.memory_space<vmem>>) target_semaphore(%dma_start3A_221 : memref<!tpu.dma_semaphore, #tpu.memory_space<semaphore_mem>>)
      %slice3A_228 = vector.extract_strided_slice %shift_right_logical3A_181 {offsets = [2], sizes = [1], strides = [1]} : vector<16xi32> to vector<1xi32>
      %squeeze3A_229 = vector.extract %slice3A_228[0] : i32 from vector<1xi32>
      %slice3A_230 = vector.extract_strided_slice %and3A_183 {offsets = [2], sizes = [1], strides = [1]} : vector<16xi32> to vector<1xi32>
      %squeeze3A_231 = vector.extract %slice3A_230[0] : i32 from vector<1xi32>
      %mul3A_232 = arith.constant 16 : i32
      %mul3A_233 = arith.muli %scan3A_176, %mul3A_232 : i32
      %add3A_234 = arith.constant 2 : i32
      %add3A_235 = arith.addi %mul3A_233, %add3A_234 : i32
      %dma_start3A_236 = arith.constant 3 : i32
      %dma_start3A_237 = arith.constant 0 : i32
      %dma_start3A_238 = tpu.memref_slice %arg6[%add3A_235, %dma_start3A_237] : memref<512x64xf32, #tpu.memory_space<vmem>> -> memref<1x64xf32, #tpu.memory_space<vmem>>
      %dma_start3A_239 = tpu.memref_squeeze %dma_start3A_238 : memref<1x64xf32, #tpu.memory_space<vmem>> -> memref<64xf32, #tpu.memory_space<vmem>>
      %dma_start3A_240 = arith.constant 0 : i32
      %dma_start3A_241 = tpu.memref_slice %arg3[%squeeze3A_229, %squeeze3A_231, %dma_start3A_240] : memref<125000x8x64xf32, #tpu.memory_space<hbm>> -> memref<1x1x64xf32, #tpu.memory_space<hbm>>
      %dma_start3A_242 = tpu.memref_squeeze %dma_start3A_241 : memref<1x1x64xf32, #tpu.memory_space<hbm>> -> memref<64xf32, #tpu.memory_space<hbm>>
      %dma_start3A_243 = tpu.memref_slice %arg7[%dma_start3A_236] : memref<4x!tpu.dma_semaphore, #tpu.memory_space<semaphore_mem>> -> memref<1x!tpu.dma_semaphore, #tpu.memory_space<semaphore_mem>>
      %dma_start3A_244 = tpu.memref_squeeze %dma_start3A_243 : memref<1x!tpu.dma_semaphore, #tpu.memory_space<semaphore_mem>> -> memref<!tpu.dma_semaphore, #tpu.memory_space<semaphore_mem>>
      %dma_start3A_245 = arith.constant 0 : i32
      %dma_start3A_246 = tpu.memref_slice %arg6[%add3A_235, %dma_start3A_245] : memref<512x64xf32, #tpu.memory_space<vmem>> -> memref<1x64xf32, #tpu.memory_space<vmem>>
      %dma_start3A_247 = tpu.memref_squeeze %dma_start3A_246 : memref<1x64xf32, #tpu.memory_space<vmem>> -> memref<64xf32, #tpu.memory_space<vmem>>
      %dma_start3A_248 = arith.constant 0 : i32
      %dma_start3A_249 = tpu.memref_slice %arg3[%squeeze3A_229, %squeeze3A_231, %dma_start3A_248] : memref<125000x8x64xf32, #tpu.memory_space<hbm>> -> memref<1x1x64xf32, #tpu.memory_space<hbm>>
      %dma_start3A_250 = tpu.memref_squeeze %dma_start3A_249 : memref<1x1x64xf32, #tpu.memory_space<hbm>> -> memref<64xf32, #tpu.memory_space<hbm>>
      tpu.enqueue_dma source(%dma_start3A_250 : memref<64xf32, #tpu.memory_space<hbm>>) target(%dma_start3A_247 : memref<64xf32, #tpu.memory_space<vmem>>) target_semaphore(%dma_start3A_244 : memref<!tpu.dma_semaphore, #tpu.memory_space<semaphore_mem>>)
      %slice3A_251 = vector.extract_strided_slice %shift_right_logical3A_181 {offsets = [3], sizes = [1], strides = [1]} : vector<16xi32> to vector<1xi32>
      %squeeze3A_252 = vector.extract %slice3A_251[0] : i32 from vector<1xi32>
      %slice3A_253 = vector.extract_strided_slice %and3A_183 {offsets = [3], sizes = [1], strides = [1]} : vector<16xi32> to vector<1xi32>
      %squeeze3A_254 = vector.extract %slice3A_253[0] : i32 from vector<1xi32>
      %mul3A_255 = arith.constant 16 : i32
      %mul3A_256 = arith.muli %scan3A_176, %mul3A_255 : i32
      %add3A_257 = arith.constant 3 : i32
      %add3A_258 = arith.addi %mul3A_256, %add3A_257 : i32
      %dma_start3A_259 = arith.constant 3 : i32
      %dma_start3A_260 = arith.constant 0 : i32
      %dma_start3A_261 = tpu.memref_slice %arg6[%add3A_258, %dma_start3A_260] : memref<512x64xf32, #tpu.memory_space<vmem>> -> memref<1x64xf32, #tpu.memory_space<vmem>>
      %dma_start3A_262 = tpu.memref_squeeze %dma_start3A_261 : memref<1x64xf32, #tpu.memory_space<vmem>> -> memref<64xf32, #tpu.memory_space<vmem>>
      %dma_start3A_263 = arith.constant 0 : i32
      %dma_start3A_264 = tpu.memref_slice %arg3[%squeeze3A_252, %squeeze3A_254, %dma_start3A_263] : memref<125000x8x64xf32, #tpu.memory_space<hbm>> -> memref<1x1x64xf32, #tpu.memory_space<hbm>>
      %dma_start3A_265 = tpu.memref_squeeze %dma_start3A_264 : memref<1x1x64xf32, #tpu.memory_space<hbm>> -> memref<64xf32, #tpu.memory_space<hbm>>
      %dma_start3A_266 = tpu.memref_slice %arg7[%dma_start3A_259] : memref<4x!tpu.dma_semaphore, #tpu.memory_space<semaphore_mem>> -> memref<1x!tpu.dma_semaphore, #tpu.memory_space<semaphore_mem>>
      %dma_start3A_267 = tpu.memref_squeeze %dma_start3A_266 : memref<1x!tpu.dma_semaphore, #tpu.memory_space<semaphore_mem>> -> memref<!tpu.dma_semaphore, #tpu.memory_space<semaphore_mem>>
      %dma_start3A_268 = arith.constant 0 : i32
      %dma_start3A_269 = tpu.memref_slice %arg6[%add3A_258, %dma_start3A_268] : memref<512x64xf32, #tpu.memory_space<vmem>> -> memref<1x64xf32, #tpu.memory_space<vmem>>
      %dma_start3A_270 = tpu.memref_squeeze %dma_start3A_269 : memref<1x64xf32, #tpu.memory_space<vmem>> -> memref<64xf32, #tpu.memory_space<vmem>>
      %dma_start3A_271 = arith.constant 0 : i32
      %dma_start3A_272 = tpu.memref_slice %arg3[%squeeze3A_252, %squeeze3A_254, %dma_start3A_271] : memref<125000x8x64xf32, #tpu.memory_space<hbm>> -> memref<1x1x64xf32, #tpu.memory_space<hbm>>
      %dma_start3A_273 = tpu.memref_squeeze %dma_start3A_272 : memref<1x1x64xf32, #tpu.memory_space<hbm>> -> memref<64xf32, #tpu.memory_space<hbm>>
      tpu.enqueue_dma source(%dma_start3A_273 : memref<64xf32, #tpu.memory_space<hbm>>) target(%dma_start3A_270 : memref<64xf32, #tpu.memory_space<vmem>>) target_semaphore(%dma_start3A_267 : memref<!tpu.dma_semaphore, #tpu.memory_space<semaphore_mem>>)
      %slice3A_274 = vector.extract_strided_slice %shift_right_logical3A_181 {offsets = [4], sizes = [1], strides = [1]} : vector<16xi32> to vector<1xi32>
      %squeeze3A_275 = vector.extract %slice3A_274[0] : i32 from vector<1xi32>
      %slice3A_276 = vector.extract_strided_slice %and3A_183 {offsets = [4], sizes = [1], strides = [1]} : vector<16xi32> to vector<1xi32>
      %squeeze3A_277 = vector.extract %slice3A_276[0] : i32 from vector<1xi32>
      %mul3A_278 = arith.constant 16 : i32
      %mul3A_279 = arith.muli %scan3A_176, %mul3A_278 : i32
      %add3A_280 = arith.constant 4 : i32
      %add3A_281 = arith.addi %mul3A_279, %add3A_280 : i32
      %dma_start3A_282 = arith.constant 3 : i32
      %dma_start3A_283 = arith.constant 0 : i32
      %dma_start3A_284 = tpu.memref_slice %arg6[%add3A_281, %dma_start3A_283] : memref<512x64xf32, #tpu.memory_space<vmem>> -> memref<1x64xf32, #tpu.memory_space<vmem>>
      %dma_start3A_285 = tpu.memref_squeeze %dma_start3A_284 : memref<1x64xf32, #tpu.memory_space<vmem>> -> memref<64xf32, #tpu.memory_space<vmem>>
      %dma_start3A_286 = arith.constant 0 : i32
      %dma_start3A_287 = tpu.memref_slice %arg3[%squeeze3A_275, %squeeze3A_277, %dma_start3A_286] : memref<125000x8x64xf32, #tpu.memory_space<hbm>> -> memref<1x1x64xf32, #tpu.memory_space<hbm>>
      %dma_start3A_288 = tpu.memref_squeeze %dma_start3A_287 : memref<1x1x64xf32, #tpu.memory_space<hbm>> -> memref<64xf32, #tpu.memory_space<hbm>>
      %dma_start3A_289 = tpu.memref_slice %arg7[%dma_start3A_282] : memref<4x!tpu.dma_semaphore, #tpu.memory_space<semaphore_mem>> -> memref<1x!tpu.dma_semaphore, #tpu.memory_space<semaphore_mem>>
      %dma_start3A_290 = tpu.memref_squeeze %dma_start3A_289 : memref<1x!tpu.dma_semaphore, #tpu.memory_space<semaphore_mem>> -> memref<!tpu.dma_semaphore, #tpu.memory_space<semaphore_mem>>
      %dma_start3A_291 = arith.constant 0 : i32
      %dma_start3A_292 = tpu.memref_slice %arg6[%add3A_281, %dma_start3A_291] : memref<512x64xf32, #tpu.memory_space<vmem>> -> memref<1x64xf32, #tpu.memory_space<vmem>>
      %dma_start3A_293 = tpu.memref_squeeze %dma_start3A_292 : memref<1x64xf32, #tpu.memory_space<vmem>> -> memref<64xf32, #tpu.memory_space<vmem>>
      %dma_start3A_294 = arith.constant 0 : i32
      %dma_start3A_295 = tpu.memref_slice %arg3[%squeeze3A_275, %squeeze3A_277, %dma_start3A_294] : memref<125000x8x64xf32, #tpu.memory_space<hbm>> -> memref<1x1x64xf32, #tpu.memory_space<hbm>>
      %dma_start3A_296 = tpu.memref_squeeze %dma_start3A_295 : memref<1x1x64xf32, #tpu.memory_space<hbm>> -> memref<64xf32, #tpu.memory_space<hbm>>
      tpu.enqueue_dma source(%dma_start3A_296 : memref<64xf32, #tpu.memory_space<hbm>>) target(%dma_start3A_293 : memref<64xf32, #tpu.memory_space<vmem>>) target_semaphore(%dma_start3A_290 : memref<!tpu.dma_semaphore, #tpu.memory_space<semaphore_mem>>)
      %slice3A_297 = vector.extract_strided_slice %shift_right_logical3A_181 {offsets = [5], sizes = [1], strides = [1]} : vector<16xi32> to vector<1xi32>
      %squeeze3A_298 = vector.extract %slice3A_297[0] : i32 from vector<1xi32>
      %slice3A_299 = vector.extract_strided_slice %and3A_183 {offsets = [5], sizes = [1], strides = [1]} : vector<16xi32> to vector<1xi32>
      %squeeze3A_300 = vector.extract %slice3A_299[0] : i32 from vector<1xi32>
      %mul3A_301 = arith.constant 16 : i32
      %mul3A_302 = arith.muli %scan3A_176, %mul3A_301 : i32
      %add3A_303 = arith.constant 5 : i32
      %add3A_304 = arith.addi %mul3A_302, %add3A_303 : i32
      %dma_start3A_305 = arith.constant 3 : i32
      %dma_start3A_306 = arith.constant 0 : i32
      %dma_start3A_307 = tpu.memref_slice %arg6[%add3A_304, %dma_start3A_306] : memref<512x64xf32, #tpu.memory_space<vmem>> -> memref<1x64xf32, #tpu.memory_space<vmem>>
      %dma_start3A_308 = tpu.memref_squeeze %dma_start3A_307 : memref<1x64xf32, #tpu.memory_space<vmem>> -> memref<64xf32, #tpu.memory_space<vmem>>
      %dma_start3A_309 = arith.constant 0 : i32
      %dma_start3A_310 = tpu.memref_slice %arg3[%squeeze3A_298, %squeeze3A_300, %dma_start3A_309] : memref<125000x8x64xf32, #tpu.memory_space<hbm>> -> memref<1x1x64xf32, #tpu.memory_space<hbm>>
      %dma_start3A_311 = tpu.memref_squeeze %dma_start3A_310 : memref<1x1x64xf32, #tpu.memory_space<hbm>> -> memref<64xf32, #tpu.memory_space<hbm>>
      %dma_start3A_312 = tpu.memref_slice %arg7[%dma_start3A_305] : memref<4x!tpu.dma_semaphore, #tpu.memory_space<semaphore_mem>> -> memref<1x!tpu.dma_semaphore, #tpu.memory_space<semaphore_mem>>
      %dma_start3A_313 = tpu.memref_squeeze %dma_start3A_312 : memref<1x!tpu.dma_semaphore, #tpu.memory_space<semaphore_mem>> -> memref<!tpu.dma_semaphore, #tpu.memory_space<semaphore_mem>>
      %dma_start3A_314 = arith.constant 0 : i32
      %dma_start3A_315 = tpu.memref_slice %arg6[%add3A_304, %dma_start3A_314] : memref<512x64xf32, #tpu.memory_space<vmem>> -> memref<1x64xf32, #tpu.memory_space<vmem>>
      %dma_start3A_316 = tpu.memref_squeeze %dma_start3A_315 : memref<1x64xf32, #tpu.memory_space<vmem>> -> memref<64xf32, #tpu.memory_space<vmem>>
      %dma_start3A_317 = arith.constant 0 : i32
      %dma_start3A_318 = tpu.memref_slice %arg3[%squeeze3A_298, %squeeze3A_300, %dma_start3A_317] : memref<125000x8x64xf32, #tpu.memory_space<hbm>> -> memref<1x1x64xf32, #tpu.memory_space<hbm>>
      %dma_start3A_319 = tpu.memref_squeeze %dma_start3A_318 : memref<1x1x64xf32, #tpu.memory_space<hbm>> -> memref<64xf32, #tpu.memory_space<hbm>>
      tpu.enqueue_dma source(%dma_start3A_319 : memref<64xf32, #tpu.memory_space<hbm>>) target(%dma_start3A_316 : memref<64xf32, #tpu.memory_space<vmem>>) target_semaphore(%dma_start3A_313 : memref<!tpu.dma_semaphore, #tpu.memory_space<semaphore_mem>>)
      %slice3A_320 = vector.extract_strided_slice %shift_right_logical3A_181 {offsets = [6], sizes = [1], strides = [1]} : vector<16xi32> to vector<1xi32>
      %squeeze3A_321 = vector.extract %slice3A_320[0] : i32 from vector<1xi32>
      %slice3A_322 = vector.extract_strided_slice %and3A_183 {offsets = [6], sizes = [1], strides = [1]} : vector<16xi32> to vector<1xi32>
      %squeeze3A_323 = vector.extract %slice3A_322[0] : i32 from vector<1xi32>
      %mul3A_324 = arith.constant 16 : i32
      %mul3A_325 = arith.muli %scan3A_176, %mul3A_324 : i32
      %add3A_326 = arith.constant 6 : i32
      %add3A_327 = arith.addi %mul3A_325, %add3A_326 : i32
      %dma_start3A_328 = arith.constant 3 : i32
      %dma_start3A_329 = arith.constant 0 : i32
      %dma_start3A_330 = tpu.memref_slice %arg6[%add3A_327, %dma_start3A_329] : memref<512x64xf32, #tpu.memory_space<vmem>> -> memref<1x64xf32, #tpu.memory_space<vmem>>
      %dma_start3A_331 = tpu.memref_squeeze %dma_start3A_330 : memref<1x64xf32, #tpu.memory_space<vmem>> -> memref<64xf32, #tpu.memory_space<vmem>>
      %dma_start3A_332 = arith.constant 0 : i32
      %dma_start3A_333 = tpu.memref_slice %arg3[%squeeze3A_321, %squeeze3A_323, %dma_start3A_332] : memref<125000x8x64xf32, #tpu.memory_space<hbm>> -> memref<1x1x64xf32, #tpu.memory_space<hbm>>
      %dma_start3A_334 = tpu.memref_squeeze %dma_start3A_333 : memref<1x1x64xf32, #tpu.memory_space<hbm>> -> memref<64xf32, #tpu.memory_space<hbm>>
      %dma_start3A_335 = tpu.memref_slice %arg7[%dma_start3A_328] : memref<4x!tpu.dma_semaphore, #tpu.memory_space<semaphore_mem>> -> memref<1x!tpu.dma_semaphore, #tpu.memory_space<semaphore_mem>>
      %dma_start3A_336 = tpu.memref_squeeze %dma_start3A_335 : memref<1x!tpu.dma_semaphore, #tpu.memory_space<semaphore_mem>> -> memref<!tpu.dma_semaphore, #tpu.memory_space<semaphore_mem>>
      %dma_start3A_337 = arith.constant 0 : i32
      %dma_start3A_338 = tpu.memref_slice %arg6[%add3A_327, %dma_start3A_337] : memref<512x64xf32, #tpu.memory_space<vmem>> -> memref<1x64xf32, #tpu.memory_space<vmem>>
      %dma_start3A_339 = tpu.memref_squeeze %dma_start3A_338 : memref<1x64xf32, #tpu.memory_space<vmem>> -> memref<64xf32, #tpu.memory_space<vmem>>
      %dma_start3A_340 = arith.constant 0 : i32
      %dma_start3A_341 = tpu.memref_slice %arg3[%squeeze3A_321, %squeeze3A_323, %dma_start3A_340] : memref<125000x8x64xf32, #tpu.memory_space<hbm>> -> memref<1x1x64xf32, #tpu.memory_space<hbm>>
      %dma_start3A_342 = tpu.memref_squeeze %dma_start3A_341 : memref<1x1x64xf32, #tpu.memory_space<hbm>> -> memref<64xf32, #tpu.memory_space<hbm>>
      tpu.enqueue_dma source(%dma_start3A_342 : memref<64xf32, #tpu.memory_space<hbm>>) target(%dma_start3A_339 : memref<64xf32, #tpu.memory_space<vmem>>) target_semaphore(%dma_start3A_336 : memref<!tpu.dma_semaphore, #tpu.memory_space<semaphore_mem>>)
      %slice3A_343 = vector.extract_strided_slice %shift_right_logical3A_181 {offsets = [7], sizes = [1], strides = [1]} : vector<16xi32> to vector<1xi32>
      %squeeze3A_344 = vector.extract %slice3A_343[0] : i32 from vector<1xi32>
      %slice3A_345 = vector.extract_strided_slice %and3A_183 {offsets = [7], sizes = [1], strides = [1]} : vector<16xi32> to vector<1xi32>
      %squeeze3A_346 = vector.extract %slice3A_345[0] : i32 from vector<1xi32>
      %mul3A_347 = arith.constant 16 : i32
      %mul3A_348 = arith.muli %scan3A_176, %mul3A_347 : i32
      %add3A_349 = arith.constant 7 : i32
      %add3A_350 = arith.addi %mul3A_348, %add3A_349 : i32
      %dma_start3A_351 = arith.constant 3 : i32
      %dma_start3A_352 = arith.constant 0 : i32
      %dma_start3A_353 = tpu.memref_slice %arg6[%add3A_350, %dma_start3A_352] : memref<512x64xf32, #tpu.memory_space<vmem>> -> memref<1x64xf32, #tpu.memory_space<vmem>>
      %dma_start3A_354 = tpu.memref_squeeze %dma_start3A_353 : memref<1x64xf32, #tpu.memory_space<vmem>> -> memref<64xf32, #tpu.memory_space<vmem>>
      %dma_start3A_355 = arith.constant 0 : i32
      %dma_start3A_356 = tpu.memref_slice %arg3[%squeeze3A_344, %squeeze3A_346, %dma_start3A_355] : memref<125000x8x64xf32, #tpu.memory_space<hbm>> -> memref<1x1x64xf32, #tpu.memory_space<hbm>>
      %dma_start3A_357 = tpu.memref_squeeze %dma_start3A_356 : memref<1x1x64xf32, #tpu.memory_space<hbm>> -> memref<64xf32, #tpu.memory_space<hbm>>
      %dma_start3A_358 = tpu.memref_slice %arg7[%dma_start3A_351] : memref<4x!tpu.dma_semaphore, #tpu.memory_space<semaphore_mem>> -> memref<1x!tpu.dma_semaphore, #tpu.memory_space<semaphore_mem>>
      %dma_start3A_359 = tpu.memref_squeeze %dma_start3A_358 : memref<1x!tpu.dma_semaphore, #tpu.memory_space<semaphore_mem>> -> memref<!tpu.dma_semaphore, #tpu.memory_space<semaphore_mem>>
      %dma_start3A_360 = arith.constant 0 : i32
      %dma_start3A_361 = tpu.memref_slice %arg6[%add3A_350, %dma_start3A_360] : memref<512x64xf32, #tpu.memory_space<vmem>> -> memref<1x64xf32, #tpu.memory_space<vmem>>
      %dma_start3A_362 = tpu.memref_squeeze %dma_start3A_361 : memref<1x64xf32, #tpu.memory_space<vmem>> -> memref<64xf32, #tpu.memory_space<vmem>>
      %dma_start3A_363 = arith.constant 0 : i32
      %dma_start3A_364 = tpu.memref_slice %arg3[%squeeze3A_344, %squeeze3A_346, %dma_start3A_363] : memref<125000x8x64xf32, #tpu.memory_space<hbm>> -> memref<1x1x64xf32, #tpu.memory_space<hbm>>
      %dma_start3A_365 = tpu.memref_squeeze %dma_start3A_364 : memref<1x1x64xf32, #tpu.memory_space<hbm>> -> memref<64xf32, #tpu.memory_space<hbm>>
      tpu.enqueue_dma source(%dma_start3A_365 : memref<64xf32, #tpu.memory_space<hbm>>) target(%dma_start3A_362 : memref<64xf32, #tpu.memory_space<vmem>>) target_semaphore(%dma_start3A_359 : memref<!tpu.dma_semaphore, #tpu.memory_space<semaphore_mem>>)
      %slice3A_366 = vector.extract_strided_slice %shift_right_logical3A_181 {offsets = [8], sizes = [1], strides = [1]} : vector<16xi32> to vector<1xi32>
      %squeeze3A_367 = vector.extract %slice3A_366[0] : i32 from vector<1xi32>
      %slice3A_368 = vector.extract_strided_slice %and3A_183 {offsets = [8], sizes = [1], strides = [1]} : vector<16xi32> to vector<1xi32>
      %squeeze3A_369 = vector.extract %slice3A_368[0] : i32 from vector<1xi32>
      %mul3A_370 = arith.constant 16 : i32
      %mul3A_371 = arith.muli %scan3A_176, %mul3A_370 : i32
      %add3A_372 = arith.constant 8 : i32
      %add3A_373 = arith.addi %mul3A_371, %add3A_372 : i32
      %dma_start3A_374 = arith.constant 3 : i32
      %dma_start3A_375 = arith.constant 0 : i32
      %dma_start3A_376 = tpu.memref_slice %arg6[%add3A_373, %dma_start3A_375] : memref<512x64xf32, #tpu.memory_space<vmem>> -> memref<1x64xf32, #tpu.memory_space<vmem>>
      %dma_start3A_377 = tpu.memref_squeeze %dma_start3A_376 : memref<1x64xf32, #tpu.memory_space<vmem>> -> memref<64xf32, #tpu.memory_space<vmem>>
      %dma_start3A_378 = arith.constant 0 : i32
      %dma_start3A_379 = tpu.memref_slice %arg3[%squeeze3A_367, %squeeze3A_369, %dma_start3A_378] : memref<125000x8x64xf32, #tpu.memory_space<hbm>> -> memref<1x1x64xf32, #tpu.memory_space<hbm>>
      %dma_start3A_380 = tpu.memref_squeeze %dma_start3A_379 : memref<1x1x64xf32, #tpu.memory_space<hbm>> -> memref<64xf32, #tpu.memory_space<hbm>>
      %dma_start3A_381 = tpu.memref_slice %arg7[%dma_start3A_374] : memref<4x!tpu.dma_semaphore, #tpu.memory_space<semaphore_mem>> -> memref<1x!tpu.dma_semaphore, #tpu.memory_space<semaphore_mem>>
      %dma_start3A_382 = tpu.memref_squeeze %dma_start3A_381 : memref<1x!tpu.dma_semaphore, #tpu.memory_space<semaphore_mem>> -> memref<!tpu.dma_semaphore, #tpu.memory_space<semaphore_mem>>
      %dma_start3A_383 = arith.constant 0 : i32
      %dma_start3A_384 = tpu.memref_slice %arg6[%add3A_373, %dma_start3A_383] : memref<512x64xf32, #tpu.memory_space<vmem>> -> memref<1x64xf32, #tpu.memory_space<vmem>>
      %dma_start3A_385 = tpu.memref_squeeze %dma_start3A_384 : memref<1x64xf32, #tpu.memory_space<vmem>> -> memref<64xf32, #tpu.memory_space<vmem>>
      %dma_start3A_386 = arith.constant 0 : i32
      %dma_start3A_387 = tpu.memref_slice %arg3[%squeeze3A_367, %squeeze3A_369, %dma_start3A_386] : memref<125000x8x64xf32, #tpu.memory_space<hbm>> -> memref<1x1x64xf32, #tpu.memory_space<hbm>>
      %dma_start3A_388 = tpu.memref_squeeze %dma_start3A_387 : memref<1x1x64xf32, #tpu.memory_space<hbm>> -> memref<64xf32, #tpu.memory_space<hbm>>
      tpu.enqueue_dma source(%dma_start3A_388 : memref<64xf32, #tpu.memory_space<hbm>>) target(%dma_start3A_385 : memref<64xf32, #tpu.memory_space<vmem>>) target_semaphore(%dma_start3A_382 : memref<!tpu.dma_semaphore, #tpu.memory_space<semaphore_mem>>)
      %slice3A_389 = vector.extract_strided_slice %shift_right_logical3A_181 {offsets = [9], sizes = [1], strides = [1]} : vector<16xi32> to vector<1xi32>
      %squeeze3A_390 = vector.extract %slice3A_389[0] : i32 from vector<1xi32>
      %slice3A_391 = vector.extract_strided_slice %and3A_183 {offsets = [9], sizes = [1], strides = [1]} : vector<16xi32> to vector<1xi32>
      %squeeze3A_392 = vector.extract %slice3A_391[0] : i32 from vector<1xi32>
      %mul3A_393 = arith.constant 16 : i32
      %mul3A_394 = arith.muli %scan3A_176, %mul3A_393 : i32
      %add3A_395 = arith.constant 9 : i32
      %add3A_396 = arith.addi %mul3A_394, %add3A_395 : i32
      %dma_start3A_397 = arith.constant 3 : i32
      %dma_start3A_398 = arith.constant 0 : i32
      %dma_start3A_399 = tpu.memref_slice %arg6[%add3A_396, %dma_start3A_398] : memref<512x64xf32, #tpu.memory_space<vmem>> -> memref<1x64xf32, #tpu.memory_space<vmem>>
      %dma_start3A_400 = tpu.memref_squeeze %dma_start3A_399 : memref<1x64xf32, #tpu.memory_space<vmem>> -> memref<64xf32, #tpu.memory_space<vmem>>
      %dma_start3A_401 = arith.constant 0 : i32
      %dma_start3A_402 = tpu.memref_slice %arg3[%squeeze3A_390, %squeeze3A_392, %dma_start3A_401] : memref<125000x8x64xf32, #tpu.memory_space<hbm>> -> memref<1x1x64xf32, #tpu.memory_space<hbm>>
      %dma_start3A_403 = tpu.memref_squeeze %dma_start3A_402 : memref<1x1x64xf32, #tpu.memory_space<hbm>> -> memref<64xf32, #tpu.memory_space<hbm>>
      %dma_start3A_404 = tpu.memref_slice %arg7[%dma_start3A_397] : memref<4x!tpu.dma_semaphore, #tpu.memory_space<semaphore_mem>> -> memref<1x!tpu.dma_semaphore, #tpu.memory_space<semaphore_mem>>
      %dma_start3A_405 = tpu.memref_squeeze %dma_start3A_404 : memref<1x!tpu.dma_semaphore, #tpu.memory_space<semaphore_mem>> -> memref<!tpu.dma_semaphore, #tpu.memory_space<semaphore_mem>>
      %dma_start3A_406 = arith.constant 0 : i32
      %dma_start3A_407 = tpu.memref_slice %arg6[%add3A_396, %dma_start3A_406] : memref<512x64xf32, #tpu.memory_space<vmem>> -> memref<1x64xf32, #tpu.memory_space<vmem>>
      %dma_start3A_408 = tpu.memref_squeeze %dma_start3A_407 : memref<1x64xf32, #tpu.memory_space<vmem>> -> memref<64xf32, #tpu.memory_space<vmem>>
      %dma_start3A_409 = arith.constant 0 : i32
      %dma_start3A_410 = tpu.memref_slice %arg3[%squeeze3A_390, %squeeze3A_392, %dma_start3A_409] : memref<125000x8x64xf32, #tpu.memory_space<hbm>> -> memref<1x1x64xf32, #tpu.memory_space<hbm>>
      %dma_start3A_411 = tpu.memref_squeeze %dma_start3A_410 : memref<1x1x64xf32, #tpu.memory_space<hbm>> -> memref<64xf32, #tpu.memory_space<hbm>>
      tpu.enqueue_dma source(%dma_start3A_411 : memref<64xf32, #tpu.memory_space<hbm>>) target(%dma_start3A_408 : memref<64xf32, #tpu.memory_space<vmem>>) target_semaphore(%dma_start3A_405 : memref<!tpu.dma_semaphore, #tpu.memory_space<semaphore_mem>>)
      %slice3A_412 = vector.extract_strided_slice %shift_right_logical3A_181 {offsets = [10], sizes = [1], strides = [1]} : vector<16xi32> to vector<1xi32>
      %squeeze3A_413 = vector.extract %slice3A_412[0] : i32 from vector<1xi32>
      %slice3A_414 = vector.extract_strided_slice %and3A_183 {offsets = [10], sizes = [1], strides = [1]} : vector<16xi32> to vector<1xi32>
      %squeeze3A_415 = vector.extract %slice3A_414[0] : i32 from vector<1xi32>
      %mul3A_416 = arith.constant 16 : i32
      %mul3A_417 = arith.muli %scan3A_176, %mul3A_416 : i32
      %add3A_418 = arith.constant 10 : i32
      %add3A_419 = arith.addi %mul3A_417, %add3A_418 : i32
      %dma_start3A_420 = arith.constant 3 : i32
      %dma_start3A_421 = arith.constant 0 : i32
      %dma_start3A_422 = tpu.memref_slice %arg6[%add3A_419, %dma_start3A_421] : memref<512x64xf32, #tpu.memory_space<vmem>> -> memref<1x64xf32, #tpu.memory_space<vmem>>
      %dma_start3A_423 = tpu.memref_squeeze %dma_start3A_422 : memref<1x64xf32, #tpu.memory_space<vmem>> -> memref<64xf32, #tpu.memory_space<vmem>>
      %dma_start3A_424 = arith.constant 0 : i32
      %dma_start3A_425 = tpu.memref_slice %arg3[%squeeze3A_413, %squeeze3A_415, %dma_start3A_424] : memref<125000x8x64xf32, #tpu.memory_space<hbm>> -> memref<1x1x64xf32, #tpu.memory_space<hbm>>
      %dma_start3A_426 = tpu.memref_squeeze %dma_start3A_425 : memref<1x1x64xf32, #tpu.memory_space<hbm>> -> memref<64xf32, #tpu.memory_space<hbm>>
      %dma_start3A_427 = tpu.memref_slice %arg7[%dma_start3A_420] : memref<4x!tpu.dma_semaphore, #tpu.memory_space<semaphore_mem>> -> memref<1x!tpu.dma_semaphore, #tpu.memory_space<semaphore_mem>>
      %dma_start3A_428 = tpu.memref_squeeze %dma_start3A_427 : memref<1x!tpu.dma_semaphore, #tpu.memory_space<semaphore_mem>> -> memref<!tpu.dma_semaphore, #tpu.memory_space<semaphore_mem>>
      %dma_start3A_429 = arith.constant 0 : i32
      %dma_start3A_430 = tpu.memref_slice %arg6[%add3A_419, %dma_start3A_429] : memref<512x64xf32, #tpu.memory_space<vmem>> -> memref<1x64xf32, #tpu.memory_space<vmem>>
      %dma_start3A_431 = tpu.memref_squeeze %dma_start3A_430 : memref<1x64xf32, #tpu.memory_space<vmem>> -> memref<64xf32, #tpu.memory_space<vmem>>
      %dma_start3A_432 = arith.constant 0 : i32
      %dma_start3A_433 = tpu.memref_slice %arg3[%squeeze3A_413, %squeeze3A_415, %dma_start3A_432] : memref<125000x8x64xf32, #tpu.memory_space<hbm>> -> memref<1x1x64xf32, #tpu.memory_space<hbm>>
      %dma_start3A_434 = tpu.memref_squeeze %dma_start3A_433 : memref<1x1x64xf32, #tpu.memory_space<hbm>> -> memref<64xf32, #tpu.memory_space<hbm>>
      tpu.enqueue_dma source(%dma_start3A_434 : memref<64xf32, #tpu.memory_space<hbm>>) target(%dma_start3A_431 : memref<64xf32, #tpu.memory_space<vmem>>) target_semaphore(%dma_start3A_428 : memref<!tpu.dma_semaphore, #tpu.memory_space<semaphore_mem>>)
      %slice3A_435 = vector.extract_strided_slice %shift_right_logical3A_181 {offsets = [11], sizes = [1], strides = [1]} : vector<16xi32> to vector<1xi32>
      %squeeze3A_436 = vector.extract %slice3A_435[0] : i32 from vector<1xi32>
      %slice3A_437 = vector.extract_strided_slice %and3A_183 {offsets = [11], sizes = [1], strides = [1]} : vector<16xi32> to vector<1xi32>
      %squeeze3A_438 = vector.extract %slice3A_437[0] : i32 from vector<1xi32>
      %mul3A_439 = arith.constant 16 : i32
      %mul3A_440 = arith.muli %scan3A_176, %mul3A_439 : i32
      %add3A_441 = arith.constant 11 : i32
      %add3A_442 = arith.addi %mul3A_440, %add3A_441 : i32
      %dma_start3A_443 = arith.constant 3 : i32
      %dma_start3A_444 = arith.constant 0 : i32
      %dma_start3A_445 = tpu.memref_slice %arg6[%add3A_442, %dma_start3A_444] : memref<512x64xf32, #tpu.memory_space<vmem>> -> memref<1x64xf32, #tpu.memory_space<vmem>>
      %dma_start3A_446 = tpu.memref_squeeze %dma_start3A_445 : memref<1x64xf32, #tpu.memory_space<vmem>> -> memref<64xf32, #tpu.memory_space<vmem>>
      %dma_start3A_447 = arith.constant 0 : i32
      %dma_start3A_448 = tpu.memref_slice %arg3[%squeeze3A_436, %squeeze3A_438, %dma_start3A_447] : memref<125000x8x64xf32, #tpu.memory_space<hbm>> -> memref<1x1x64xf32, #tpu.memory_space<hbm>>
      %dma_start3A_449 = tpu.memref_squeeze %dma_start3A_448 : memref<1x1x64xf32, #tpu.memory_space<hbm>> -> memref<64xf32, #tpu.memory_space<hbm>>
      %dma_start3A_450 = tpu.memref_slice %arg7[%dma_start3A_443] : memref<4x!tpu.dma_semaphore, #tpu.memory_space<semaphore_mem>> -> memref<1x!tpu.dma_semaphore, #tpu.memory_space<semaphore_mem>>
      %dma_start3A_451 = tpu.memref_squeeze %dma_start3A_450 : memref<1x!tpu.dma_semaphore, #tpu.memory_space<semaphore_mem>> -> memref<!tpu.dma_semaphore, #tpu.memory_space<semaphore_mem>>
      %dma_start3A_452 = arith.constant 0 : i32
      %dma_start3A_453 = tpu.memref_slice %arg6[%add3A_442, %dma_start3A_452] : memref<512x64xf32, #tpu.memory_space<vmem>> -> memref<1x64xf32, #tpu.memory_space<vmem>>
      %dma_start3A_454 = tpu.memref_squeeze %dma_start3A_453 : memref<1x64xf32, #tpu.memory_space<vmem>> -> memref<64xf32, #tpu.memory_space<vmem>>
      %dma_start3A_455 = arith.constant 0 : i32
      %dma_start3A_456 = tpu.memref_slice %arg3[%squeeze3A_436, %squeeze3A_438, %dma_start3A_455] : memref<125000x8x64xf32, #tpu.memory_space<hbm>> -> memref<1x1x64xf32, #tpu.memory_space<hbm>>
      %dma_start3A_457 = tpu.memref_squeeze %dma_start3A_456 : memref<1x1x64xf32, #tpu.memory_space<hbm>> -> memref<64xf32, #tpu.memory_space<hbm>>
      tpu.enqueue_dma source(%dma_start3A_457 : memref<64xf32, #tpu.memory_space<hbm>>) target(%dma_start3A_454 : memref<64xf32, #tpu.memory_space<vmem>>) target_semaphore(%dma_start3A_451 : memref<!tpu.dma_semaphore, #tpu.memory_space<semaphore_mem>>)
      %slice3A_458 = vector.extract_strided_slice %shift_right_logical3A_181 {offsets = [12], sizes = [1], strides = [1]} : vector<16xi32> to vector<1xi32>
      %squeeze3A_459 = vector.extract %slice3A_458[0] : i32 from vector<1xi32>
      %slice3A_460 = vector.extract_strided_slice %and3A_183 {offsets = [12], sizes = [1], strides = [1]} : vector<16xi32> to vector<1xi32>
      %squeeze3A_461 = vector.extract %slice3A_460[0] : i32 from vector<1xi32>
      %mul3A_462 = arith.constant 16 : i32
      %mul3A_463 = arith.muli %scan3A_176, %mul3A_462 : i32
      %add3A_464 = arith.constant 12 : i32
      %add3A_465 = arith.addi %mul3A_463, %add3A_464 : i32
      %dma_start3A_466 = arith.constant 3 : i32
      %dma_start3A_467 = arith.constant 0 : i32
      %dma_start3A_468 = tpu.memref_slice %arg6[%add3A_465, %dma_start3A_467] : memref<512x64xf32, #tpu.memory_space<vmem>> -> memref<1x64xf32, #tpu.memory_space<vmem>>
      %dma_start3A_469 = tpu.memref_squeeze %dma_start3A_468 : memref<1x64xf32, #tpu.memory_space<vmem>> -> memref<64xf32, #tpu.memory_space<vmem>>
      %dma_start3A_470 = arith.constant 0 : i32
      %dma_start3A_471 = tpu.memref_slice %arg3[%squeeze3A_459, %squeeze3A_461, %dma_start3A_470] : memref<125000x8x64xf32, #tpu.memory_space<hbm>> -> memref<1x1x64xf32, #tpu.memory_space<hbm>>
      %dma_start3A_472 = tpu.memref_squeeze %dma_start3A_471 : memref<1x1x64xf32, #tpu.memory_space<hbm>> -> memref<64xf32, #tpu.memory_space<hbm>>
      %dma_start3A_473 = tpu.memref_slice %arg7[%dma_start3A_466] : memref<4x!tpu.dma_semaphore, #tpu.memory_space<semaphore_mem>> -> memref<1x!tpu.dma_semaphore, #tpu.memory_space<semaphore_mem>>
      %dma_start3A_474 = tpu.memref_squeeze %dma_start3A_473 : memref<1x!tpu.dma_semaphore, #tpu.memory_space<semaphore_mem>> -> memref<!tpu.dma_semaphore, #tpu.memory_space<semaphore_mem>>
      %dma_start3A_475 = arith.constant 0 : i32
      %dma_start3A_476 = tpu.memref_slice %arg6[%add3A_465, %dma_start3A_475] : memref<512x64xf32, #tpu.memory_space<vmem>> -> memref<1x64xf32, #tpu.memory_space<vmem>>
      %dma_start3A_477 = tpu.memref_squeeze %dma_start3A_476 : memref<1x64xf32, #tpu.memory_space<vmem>> -> memref<64xf32, #tpu.memory_space<vmem>>
      %dma_start3A_478 = arith.constant 0 : i32
      %dma_start3A_479 = tpu.memref_slice %arg3[%squeeze3A_459, %squeeze3A_461, %dma_start3A_478] : memref<125000x8x64xf32, #tpu.memory_space<hbm>> -> memref<1x1x64xf32, #tpu.memory_space<hbm>>
      %dma_start3A_480 = tpu.memref_squeeze %dma_start3A_479 : memref<1x1x64xf32, #tpu.memory_space<hbm>> -> memref<64xf32, #tpu.memory_space<hbm>>
      tpu.enqueue_dma source(%dma_start3A_480 : memref<64xf32, #tpu.memory_space<hbm>>) target(%dma_start3A_477 : memref<64xf32, #tpu.memory_space<vmem>>) target_semaphore(%dma_start3A_474 : memref<!tpu.dma_semaphore, #tpu.memory_space<semaphore_mem>>)
      %slice3A_481 = vector.extract_strided_slice %shift_right_logical3A_181 {offsets = [13], sizes = [1], strides = [1]} : vector<16xi32> to vector<1xi32>
      %squeeze3A_482 = vector.extract %slice3A_481[0] : i32 from vector<1xi32>
      %slice3A_483 = vector.extract_strided_slice %and3A_183 {offsets = [13], sizes = [1], strides = [1]} : vector<16xi32> to vector<1xi32>
      %squeeze3A_484 = vector.extract %slice3A_483[0] : i32 from vector<1xi32>
      %mul3A_485 = arith.constant 16 : i32
      %mul3A_486 = arith.muli %scan3A_176, %mul3A_485 : i32
      %add3A_487 = arith.constant 13 : i32
      %add3A_488 = arith.addi %mul3A_486, %add3A_487 : i32
      %dma_start3A_489 = arith.constant 3 : i32
      %dma_start3A_490 = arith.constant 0 : i32
      %dma_start3A_491 = tpu.memref_slice %arg6[%add3A_488, %dma_start3A_490] : memref<512x64xf32, #tpu.memory_space<vmem>> -> memref<1x64xf32, #tpu.memory_space<vmem>>
      %dma_start3A_492 = tpu.memref_squeeze %dma_start3A_491 : memref<1x64xf32, #tpu.memory_space<vmem>> -> memref<64xf32, #tpu.memory_space<vmem>>
      %dma_start3A_493 = arith.constant 0 : i32
      %dma_start3A_494 = tpu.memref_slice %arg3[%squeeze3A_482, %squeeze3A_484, %dma_start3A_493] : memref<125000x8x64xf32, #tpu.memory_space<hbm>> -> memref<1x1x64xf32, #tpu.memory_space<hbm>>
      %dma_start3A_495 = tpu.memref_squeeze %dma_start3A_494 : memref<1x1x64xf32, #tpu.memory_space<hbm>> -> memref<64xf32, #tpu.memory_space<hbm>>
      %dma_start3A_496 = tpu.memref_slice %arg7[%dma_start3A_489] : memref<4x!tpu.dma_semaphore, #tpu.memory_space<semaphore_mem>> -> memref<1x!tpu.dma_semaphore, #tpu.memory_space<semaphore_mem>>
      %dma_start3A_497 = tpu.memref_squeeze %dma_start3A_496 : memref<1x!tpu.dma_semaphore, #tpu.memory_space<semaphore_mem>> -> memref<!tpu.dma_semaphore, #tpu.memory_space<semaphore_mem>>
      %dma_start3A_498 = arith.constant 0 : i32
      %dma_start3A_499 = tpu.memref_slice %arg6[%add3A_488, %dma_start3A_498] : memref<512x64xf32, #tpu.memory_space<vmem>> -> memref<1x64xf32, #tpu.memory_space<vmem>>
      %dma_start3A_500 = tpu.memref_squeeze %dma_start3A_499 : memref<1x64xf32, #tpu.memory_space<vmem>> -> memref<64xf32, #tpu.memory_space<vmem>>
      %dma_start3A_501 = arith.constant 0 : i32
      %dma_start3A_502 = tpu.memref_slice %arg3[%squeeze3A_482, %squeeze3A_484, %dma_start3A_501] : memref<125000x8x64xf32, #tpu.memory_space<hbm>> -> memref<1x1x64xf32, #tpu.memory_space<hbm>>
      %dma_start3A_503 = tpu.memref_squeeze %dma_start3A_502 : memref<1x1x64xf32, #tpu.memory_space<hbm>> -> memref<64xf32, #tpu.memory_space<hbm>>
      tpu.enqueue_dma source(%dma_start3A_503 : memref<64xf32, #tpu.memory_space<hbm>>) target(%dma_start3A_500 : memref<64xf32, #tpu.memory_space<vmem>>) target_semaphore(%dma_start3A_497 : memref<!tpu.dma_semaphore, #tpu.memory_space<semaphore_mem>>)
      %slice3A_504 = vector.extract_strided_slice %shift_right_logical3A_181 {offsets = [14], sizes = [1], strides = [1]} : vector<16xi32> to vector<1xi32>
      %squeeze3A_505 = vector.extract %slice3A_504[0] : i32 from vector<1xi32>
      %slice3A_506 = vector.extract_strided_slice %and3A_183 {offsets = [14], sizes = [1], strides = [1]} : vector<16xi32> to vector<1xi32>
      %squeeze3A_507 = vector.extract %slice3A_506[0] : i32 from vector<1xi32>
      %mul3A_508 = arith.constant 16 : i32
      %mul3A_509 = arith.muli %scan3A_176, %mul3A_508 : i32
      %add3A_510 = arith.constant 14 : i32
      %add3A_511 = arith.addi %mul3A_509, %add3A_510 : i32
      %dma_start3A_512 = arith.constant 3 : i32
      %dma_start3A_513 = arith.constant 0 : i32
      %dma_start3A_514 = tpu.memref_slice %arg6[%add3A_511, %dma_start3A_513] : memref<512x64xf32, #tpu.memory_space<vmem>> -> memref<1x64xf32, #tpu.memory_space<vmem>>
      %dma_start3A_515 = tpu.memref_squeeze %dma_start3A_514 : memref<1x64xf32, #tpu.memory_space<vmem>> -> memref<64xf32, #tpu.memory_space<vmem>>
      %dma_start3A_516 = arith.constant 0 : i32
      %dma_start3A_517 = tpu.memref_slice %arg3[%squeeze3A_505, %squeeze3A_507, %dma_start3A_516] : memref<125000x8x64xf32, #tpu.memory_space<hbm>> -> memref<1x1x64xf32, #tpu.memory_space<hbm>>
      %dma_start3A_518 = tpu.memref_squeeze %dma_start3A_517 : memref<1x1x64xf32, #tpu.memory_space<hbm>> -> memref<64xf32, #tpu.memory_space<hbm>>
      %dma_start3A_519 = tpu.memref_slice %arg7[%dma_start3A_512] : memref<4x!tpu.dma_semaphore, #tpu.memory_space<semaphore_mem>> -> memref<1x!tpu.dma_semaphore, #tpu.memory_space<semaphore_mem>>
      %dma_start3A_520 = tpu.memref_squeeze %dma_start3A_519 : memref<1x!tpu.dma_semaphore, #tpu.memory_space<semaphore_mem>> -> memref<!tpu.dma_semaphore, #tpu.memory_space<semaphore_mem>>
      %dma_start3A_521 = arith.constant 0 : i32
      %dma_start3A_522 = tpu.memref_slice %arg6[%add3A_511, %dma_start3A_521] : memref<512x64xf32, #tpu.memory_space<vmem>> -> memref<1x64xf32, #tpu.memory_space<vmem>>
      %dma_start3A_523 = tpu.memref_squeeze %dma_start3A_522 : memref<1x64xf32, #tpu.memory_space<vmem>> -> memref<64xf32, #tpu.memory_space<vmem>>
      %dma_start3A_524 = arith.constant 0 : i32
      %dma_start3A_525 = tpu.memref_slice %arg3[%squeeze3A_505, %squeeze3A_507, %dma_start3A_524] : memref<125000x8x64xf32, #tpu.memory_space<hbm>> -> memref<1x1x64xf32, #tpu.memory_space<hbm>>
      %dma_start3A_526 = tpu.memref_squeeze %dma_start3A_525 : memref<1x1x64xf32, #tpu.memory_space<hbm>> -> memref<64xf32, #tpu.memory_space<hbm>>
      tpu.enqueue_dma source(%dma_start3A_526 : memref<64xf32, #tpu.memory_space<hbm>>) target(%dma_start3A_523 : memref<64xf32, #tpu.memory_space<vmem>>) target_semaphore(%dma_start3A_520 : memref<!tpu.dma_semaphore, #tpu.memory_space<semaphore_mem>>)
      %slice3A_527 = vector.extract_strided_slice %shift_right_logical3A_181 {offsets = [15], sizes = [1], strides = [1]} : vector<16xi32> to vector<1xi32>
      %squeeze3A_528 = vector.extract %slice3A_527[0] : i32 from vector<1xi32>
      %slice3A_529 = vector.extract_strided_slice %and3A_183 {offsets = [15], sizes = [1], strides = [1]} : vector<16xi32> to vector<1xi32>
      %squeeze3A_530 = vector.extract %slice3A_529[0] : i32 from vector<1xi32>
      %mul3A_531 = arith.constant 16 : i32
      %mul3A_532 = arith.muli %scan3A_176, %mul3A_531 : i32
      %add3A_533 = arith.constant 15 : i32
      %add3A_534 = arith.addi %mul3A_532, %add3A_533 : i32
      %dma_start3A_535 = arith.constant 3 : i32
      %dma_start3A_536 = arith.constant 0 : i32
      %dma_start3A_537 = tpu.memref_slice %arg6[%add3A_534, %dma_start3A_536] : memref<512x64xf32, #tpu.memory_space<vmem>> -> memref<1x64xf32, #tpu.memory_space<vmem>>
      %dma_start3A_538 = tpu.memref_squeeze %dma_start3A_537 : memref<1x64xf32, #tpu.memory_space<vmem>> -> memref<64xf32, #tpu.memory_space<vmem>>
      %dma_start3A_539 = arith.constant 0 : i32
      %dma_start3A_540 = tpu.memref_slice %arg3[%squeeze3A_528, %squeeze3A_530, %dma_start3A_539] : memref<125000x8x64xf32, #tpu.memory_space<hbm>> -> memref<1x1x64xf32, #tpu.memory_space<hbm>>
      %dma_start3A_541 = tpu.memref_squeeze %dma_start3A_540 : memref<1x1x64xf32, #tpu.memory_space<hbm>> -> memref<64xf32, #tpu.memory_space<hbm>>
      %dma_start3A_542 = tpu.memref_slice %arg7[%dma_start3A_535] : memref<4x!tpu.dma_semaphore, #tpu.memory_space<semaphore_mem>> -> memref<1x!tpu.dma_semaphore, #tpu.memory_space<semaphore_mem>>
      %dma_start3A_543 = tpu.memref_squeeze %dma_start3A_542 : memref<1x!tpu.dma_semaphore, #tpu.memory_space<semaphore_mem>> -> memref<!tpu.dma_semaphore, #tpu.memory_space<semaphore_mem>>
      %dma_start3A_544 = arith.constant 0 : i32
      %dma_start3A_545 = tpu.memref_slice %arg6[%add3A_534, %dma_start3A_544] : memref<512x64xf32, #tpu.memory_space<vmem>> -> memref<1x64xf32, #tpu.memory_space<vmem>>
      %dma_start3A_546 = tpu.memref_squeeze %dma_start3A_545 : memref<1x64xf32, #tpu.memory_space<vmem>> -> memref<64xf32, #tpu.memory_space<vmem>>
      %dma_start3A_547 = arith.constant 0 : i32
      %dma_start3A_548 = tpu.memref_slice %arg3[%squeeze3A_528, %squeeze3A_530, %dma_start3A_547] : memref<125000x8x64xf32, #tpu.memory_space<hbm>> -> memref<1x1x64xf32, #tpu.memory_space<hbm>>
      %dma_start3A_549 = tpu.memref_squeeze %dma_start3A_548 : memref<1x1x64xf32, #tpu.memory_space<hbm>> -> memref<64xf32, #tpu.memory_space<hbm>>
      tpu.enqueue_dma source(%dma_start3A_549 : memref<64xf32, #tpu.memory_space<hbm>>) target(%dma_start3A_546 : memref<64xf32, #tpu.memory_space<vmem>>) target_semaphore(%dma_start3A_543 : memref<!tpu.dma_semaphore, #tpu.memory_space<semaphore_mem>>)
    }
    %scan3A_21 = arith.constant 8 : i32
    %dma_wait3A = arith.constant 0 : i32
    %dma_wait3A_22 = arith.constant 0 : i32
    %dma_wait3A_23 = arith.constant 0 : i32
    %dma_wait3A_24 = tpu.memref_slice %arg6[%dma_wait3A_22, %dma_wait3A_23] : memref<512x64xf32, #tpu.memory_space<vmem>> -> memref<128x64xf32, #tpu.memory_space<vmem>>
    %dma_wait3A_25 = arith.constant 0 : i32
    %dma_wait3A_26 = arith.constant 0 : i32
    %dma_wait3A_27 = tpu.memref_slice %arg4[%dma_wait3A_25, %dma_wait3A_26] : memref<16384x64xf32, #tpu.memory_space<hbm>> -> memref<128x64xf32, #tpu.memory_space<hbm>>
    %dma_wait3A_28 = tpu.memref_slice %arg7[%dma_wait3A] : memref<4x!tpu.dma_semaphore, #tpu.memory_space<semaphore_mem>> -> memref<1x!tpu.dma_semaphore, #tpu.memory_space<semaphore_mem>>
    %dma_wait3A_29 = tpu.memref_squeeze %dma_wait3A_28 : memref<1x!tpu.dma_semaphore, #tpu.memory_space<semaphore_mem>> -> memref<!tpu.dma_semaphore, #tpu.memory_space<semaphore_mem>>
    %dma_wait3A_30 = arith.constant 0 : i32
    %dma_wait3A_31 = arith.constant 0 : i32
    %dma_wait3A_32 = tpu.memref_slice %arg6[%dma_wait3A_30, %dma_wait3A_31] : memref<512x64xf32, #tpu.memory_space<vmem>> -> memref<128x64xf32, #tpu.memory_space<vmem>>
    %dma_wait3A_33 = arith.constant 0 : i32
    %dma_wait3A_34 = arith.constant 0 : i32
    %dma_wait3A_35 = tpu.memref_slice %arg4[%dma_wait3A_33, %dma_wait3A_34] : memref<16384x64xf32, #tpu.memory_space<hbm>> -> memref<128x64xf32, #tpu.memory_space<hbm>>
    tpu.wait_dma2 semaphore(%dma_wait3A_29 : memref<!tpu.dma_semaphore, #tpu.memory_space<semaphore_mem>>) src(%dma_wait3A_35 : memref<128x64xf32, #tpu.memory_space<hbm>>) dst(%dma_wait3A_32 : memref<128x64xf32, #tpu.memory_space<vmem>>)
    %add3A_36 = arith.constant 0 : i32
    %add3A_37 = arith.addi %mul3A_2, %add3A_36 : i32
    %dma_start3A = arith.constant 0 : i32
    %dma_start3A_38 = arith.constant 0 : i32
    %dma_start3A_39 = tpu.memref_slice %arg6[%dma_start3A, %dma_start3A_38] : memref<512x64xf32, #tpu.memory_space<vmem>> -> memref<128x64xf32, #tpu.memory_space<vmem>>
    %dma_start3A_40 = arith.constant 0 : i32
    %dma_start3A_41 = tpu.memref_slice %arg4[%add3A_37, %dma_start3A_40] : memref<16384x64xf32, #tpu.memory_space<hbm>> -> memref<128x64xf32, #tpu.memory_space<hbm>>
    %dma_start3A_42 = arith.constant 0 : i32
    %dma_start3A_43 = tpu.memref_slice %arg4[%add3A_37, %dma_start3A_42] : memref<16384x64xf32, #tpu.memory_space<hbm>> -> memref<128x64xf32, #tpu.memory_space<hbm>>
    %dma_start3A_44 = arith.constant 0 : i32
    %dma_start3A_45 = arith.constant 0 : i32
    %dma_start3A_46 = tpu.memref_slice %arg6[%dma_start3A_44, %dma_start3A_45] : memref<512x64xf32, #tpu.memory_space<vmem>> -> memref<128x64xf32, #tpu.memory_space<vmem>>
    tpu.enqueue_dma source(%dma_start3A_46 : memref<128x64xf32, #tpu.memory_space<vmem>>) target(%dma_start3A_43 : memref<128x64xf32, #tpu.memory_space<hbm>>) target_semaphore(%arg8 : memref<!tpu.dma_semaphore, #tpu.memory_space<semaphore_mem>>)
    %dma_wait3A_47 = arith.constant 1 : i32
    %dma_wait3A_48 = arith.constant 128 : i32
    %dma_wait3A_49 = arith.constant 0 : i32
    %dma_wait3A_50 = tpu.memref_slice %arg6[%dma_wait3A_48, %dma_wait3A_49] : memref<512x64xf32, #tpu.memory_space<vmem>> -> memref<128x64xf32, #tpu.memory_space<vmem>>
    %dma_wait3A_51 = arith.constant 0 : i32
    %dma_wait3A_52 = arith.constant 0 : i32
    %dma_wait3A_53 = tpu.memref_slice %arg4[%dma_wait3A_51, %dma_wait3A_52] : memref<16384x64xf32, #tpu.memory_space<hbm>> -> memref<128x64xf32, #tpu.memory_space<hbm>>
    %dma_wait3A_54 = tpu.memref_slice %arg7[%dma_wait3A_47] : memref<4x!tpu.dma_semaphore, #tpu.memory_space<semaphore_mem>> -> memref<1x!tpu.dma_semaphore, #tpu.memory_space<semaphore_mem>>
    %dma_wait3A_55 = tpu.memref_squeeze %dma_wait3A_54 : memref<1x!tpu.dma_semaphore, #tpu.memory_space<semaphore_mem>> -> memref<!tpu.dma_semaphore, #tpu.memory_space<semaphore_mem>>
    %dma_wait3A_56 = arith.constant 128 : i32
    %dma_wait3A_57 = arith.constant 0 : i32
    %dma_wait3A_58 = tpu.memref_slice %arg6[%dma_wait3A_56, %dma_wait3A_57] : memref<512x64xf32, #tpu.memory_space<vmem>> -> memref<128x64xf32, #tpu.memory_space<vmem>>
    %dma_wait3A_59 = arith.constant 0 : i32
    %dma_wait3A_60 = arith.constant 0 : i32
    %dma_wait3A_61 = tpu.memref_slice %arg4[%dma_wait3A_59, %dma_wait3A_60] : memref<16384x64xf32, #tpu.memory_space<hbm>> -> memref<128x64xf32, #tpu.memory_space<hbm>>
    tpu.wait_dma2 semaphore(%dma_wait3A_55 : memref<!tpu.dma_semaphore, #tpu.memory_space<semaphore_mem>>) src(%dma_wait3A_61 : memref<128x64xf32, #tpu.memory_space<hbm>>) dst(%dma_wait3A_58 : memref<128x64xf32, #tpu.memory_space<vmem>>)
    %add3A_62 = arith.constant 128 : i32
    %add3A_63 = arith.addi %mul3A_2, %add3A_62 : i32
    %dma_start3A_64 = arith.constant 128 : i32
    %dma_start3A_65 = arith.constant 0 : i32
    %dma_start3A_66 = tpu.memref_slice %arg6[%dma_start3A_64, %dma_start3A_65] : memref<512x64xf32, #tpu.memory_space<vmem>> -> memref<128x64xf32, #tpu.memory_space<vmem>>
    %dma_start3A_67 = arith.constant 0 : i32
    %dma_start3A_68 = tpu.memref_slice %arg4[%add3A_63, %dma_start3A_67] : memref<16384x64xf32, #tpu.memory_space<hbm>> -> memref<128x64xf32, #tpu.memory_space<hbm>>
    %dma_start3A_69 = arith.constant 0 : i32
    %dma_start3A_70 = tpu.memref_slice %arg4[%add3A_63, %dma_start3A_69] : memref<16384x64xf32, #tpu.memory_space<hbm>> -> memref<128x64xf32, #tpu.memory_space<hbm>>
    %dma_start3A_71 = arith.constant 128 : i32
    %dma_start3A_72 = arith.constant 0 : i32
    %dma_start3A_73 = tpu.memref_slice %arg6[%dma_start3A_71, %dma_start3A_72] : memref<512x64xf32, #tpu.memory_space<vmem>> -> memref<128x64xf32, #tpu.memory_space<vmem>>
    tpu.enqueue_dma source(%dma_start3A_73 : memref<128x64xf32, #tpu.memory_space<vmem>>) target(%dma_start3A_70 : memref<128x64xf32, #tpu.memory_space<hbm>>) target_semaphore(%arg8 : memref<!tpu.dma_semaphore, #tpu.memory_space<semaphore_mem>>)
    %dma_wait3A_74 = arith.constant 2 : i32
    %dma_wait3A_75 = arith.constant 256 : i32
    %dma_wait3A_76 = arith.constant 0 : i32
    %dma_wait3A_77 = tpu.memref_slice %arg6[%dma_wait3A_75, %dma_wait3A_76] : memref<512x64xf32, #tpu.memory_space<vmem>> -> memref<128x64xf32, #tpu.memory_space<vmem>>
    %dma_wait3A_78 = arith.constant 0 : i32
    %dma_wait3A_79 = arith.constant 0 : i32
    %dma_wait3A_80 = tpu.memref_slice %arg4[%dma_wait3A_78, %dma_wait3A_79] : memref<16384x64xf32, #tpu.memory_space<hbm>> -> memref<128x64xf32, #tpu.memory_space<hbm>>
    %dma_wait3A_81 = tpu.memref_slice %arg7[%dma_wait3A_74] : memref<4x!tpu.dma_semaphore, #tpu.memory_space<semaphore_mem>> -> memref<1x!tpu.dma_semaphore, #tpu.memory_space<semaphore_mem>>
    %dma_wait3A_82 = tpu.memref_squeeze %dma_wait3A_81 : memref<1x!tpu.dma_semaphore, #tpu.memory_space<semaphore_mem>> -> memref<!tpu.dma_semaphore, #tpu.memory_space<semaphore_mem>>
    %dma_wait3A_83 = arith.constant 256 : i32
    %dma_wait3A_84 = arith.constant 0 : i32
    %dma_wait3A_85 = tpu.memref_slice %arg6[%dma_wait3A_83, %dma_wait3A_84] : memref<512x64xf32, #tpu.memory_space<vmem>> -> memref<128x64xf32, #tpu.memory_space<vmem>>
    %dma_wait3A_86 = arith.constant 0 : i32
    %dma_wait3A_87 = arith.constant 0 : i32
    %dma_wait3A_88 = tpu.memref_slice %arg4[%dma_wait3A_86, %dma_wait3A_87] : memref<16384x64xf32, #tpu.memory_space<hbm>> -> memref<128x64xf32, #tpu.memory_space<hbm>>
    tpu.wait_dma2 semaphore(%dma_wait3A_82 : memref<!tpu.dma_semaphore, #tpu.memory_space<semaphore_mem>>) src(%dma_wait3A_88 : memref<128x64xf32, #tpu.memory_space<hbm>>) dst(%dma_wait3A_85 : memref<128x64xf32, #tpu.memory_space<vmem>>)
    %add3A_89 = arith.constant 256 : i32
    %add3A_90 = arith.addi %mul3A_2, %add3A_89 : i32
    %dma_start3A_91 = arith.constant 256 : i32
    %dma_start3A_92 = arith.constant 0 : i32
    %dma_start3A_93 = tpu.memref_slice %arg6[%dma_start3A_91, %dma_start3A_92] : memref<512x64xf32, #tpu.memory_space<vmem>> -> memref<128x64xf32, #tpu.memory_space<vmem>>
    %dma_start3A_94 = arith.constant 0 : i32
    %dma_start3A_95 = tpu.memref_slice %arg4[%add3A_90, %dma_start3A_94] : memref<16384x64xf32, #tpu.memory_space<hbm>> -> memref<128x64xf32, #tpu.memory_space<hbm>>
    %dma_start3A_96 = arith.constant 0 : i32
    %dma_start3A_97 = tpu.memref_slice %arg4[%add3A_90, %dma_start3A_96] : memref<16384x64xf32, #tpu.memory_space<hbm>> -> memref<128x64xf32, #tpu.memory_space<hbm>>
    %dma_start3A_98 = arith.constant 256 : i32
    %dma_start3A_99 = arith.constant 0 : i32
    %dma_start3A_100 = tpu.memref_slice %arg6[%dma_start3A_98, %dma_start3A_99] : memref<512x64xf32, #tpu.memory_space<vmem>> -> memref<128x64xf32, #tpu.memory_space<vmem>>
    tpu.enqueue_dma source(%dma_start3A_100 : memref<128x64xf32, #tpu.memory_space<vmem>>) target(%dma_start3A_97 : memref<128x64xf32, #tpu.memory_space<hbm>>) target_semaphore(%arg8 : memref<!tpu.dma_semaphore, #tpu.memory_space<semaphore_mem>>)
    %dma_wait3A_101 = arith.constant 3 : i32
    %dma_wait3A_102 = arith.constant 384 : i32
    %dma_wait3A_103 = arith.constant 0 : i32
    %dma_wait3A_104 = tpu.memref_slice %arg6[%dma_wait3A_102, %dma_wait3A_103] : memref<512x64xf32, #tpu.memory_space<vmem>> -> memref<128x64xf32, #tpu.memory_space<vmem>>
    %dma_wait3A_105 = arith.constant 0 : i32
    %dma_wait3A_106 = arith.constant 0 : i32
    %dma_wait3A_107 = tpu.memref_slice %arg4[%dma_wait3A_105, %dma_wait3A_106] : memref<16384x64xf32, #tpu.memory_space<hbm>> -> memref<128x64xf32, #tpu.memory_space<hbm>>
    %dma_wait3A_108 = tpu.memref_slice %arg7[%dma_wait3A_101] : memref<4x!tpu.dma_semaphore, #tpu.memory_space<semaphore_mem>> -> memref<1x!tpu.dma_semaphore, #tpu.memory_space<semaphore_mem>>
    %dma_wait3A_109 = tpu.memref_squeeze %dma_wait3A_108 : memref<1x!tpu.dma_semaphore, #tpu.memory_space<semaphore_mem>> -> memref<!tpu.dma_semaphore, #tpu.memory_space<semaphore_mem>>
    %dma_wait3A_110 = arith.constant 384 : i32
    %dma_wait3A_111 = arith.constant 0 : i32
    %dma_wait3A_112 = tpu.memref_slice %arg6[%dma_wait3A_110, %dma_wait3A_111] : memref<512x64xf32, #tpu.memory_space<vmem>> -> memref<128x64xf32, #tpu.memory_space<vmem>>
    %dma_wait3A_113 = arith.constant 0 : i32
    %dma_wait3A_114 = arith.constant 0 : i32
    %dma_wait3A_115 = tpu.memref_slice %arg4[%dma_wait3A_113, %dma_wait3A_114] : memref<16384x64xf32, #tpu.memory_space<hbm>> -> memref<128x64xf32, #tpu.memory_space<hbm>>
    tpu.wait_dma2 semaphore(%dma_wait3A_109 : memref<!tpu.dma_semaphore, #tpu.memory_space<semaphore_mem>>) src(%dma_wait3A_115 : memref<128x64xf32, #tpu.memory_space<hbm>>) dst(%dma_wait3A_112 : memref<128x64xf32, #tpu.memory_space<vmem>>)
    %add3A_116 = arith.constant 384 : i32
    %add3A_117 = arith.addi %mul3A_2, %add3A_116 : i32
    %dma_start3A_118 = arith.constant 384 : i32
    %dma_start3A_119 = arith.constant 0 : i32
    %dma_start3A_120 = tpu.memref_slice %arg6[%dma_start3A_118, %dma_start3A_119] : memref<512x64xf32, #tpu.memory_space<vmem>> -> memref<128x64xf32, #tpu.memory_space<vmem>>
    %dma_start3A_121 = arith.constant 0 : i32
    %dma_start3A_122 = tpu.memref_slice %arg4[%add3A_117, %dma_start3A_121] : memref<16384x64xf32, #tpu.memory_space<hbm>> -> memref<128x64xf32, #tpu.memory_space<hbm>>
    %dma_start3A_123 = arith.constant 0 : i32
    %dma_start3A_124 = tpu.memref_slice %arg4[%add3A_117, %dma_start3A_123] : memref<16384x64xf32, #tpu.memory_space<hbm>> -> memref<128x64xf32, #tpu.memory_space<hbm>>
    %dma_start3A_125 = arith.constant 384 : i32
    %dma_start3A_126 = arith.constant 0 : i32
    %dma_start3A_127 = tpu.memref_slice %arg6[%dma_start3A_125, %dma_start3A_126] : memref<512x64xf32, #tpu.memory_space<vmem>> -> memref<128x64xf32, #tpu.memory_space<vmem>>
    tpu.enqueue_dma source(%dma_start3A_127 : memref<128x64xf32, #tpu.memory_space<vmem>>) target(%dma_start3A_124 : memref<128x64xf32, #tpu.memory_space<hbm>>) target_semaphore(%arg8 : memref<!tpu.dma_semaphore, #tpu.memory_space<semaphore_mem>>)
    %dma_wait3A_128 = arith.constant 0 : i32
    %dma_wait3A_129 = arith.constant 0 : i32
    %dma_wait3A_130 = tpu.memref_slice %arg6[%dma_wait3A_128, %dma_wait3A_129] : memref<512x64xf32, #tpu.memory_space<vmem>> -> memref<128x64xf32, #tpu.memory_space<vmem>>
    %dma_wait3A_131 = arith.constant 0 : i32
    %dma_wait3A_132 = arith.constant 0 : i32
    %dma_wait3A_133 = tpu.memref_slice %arg4[%dma_wait3A_131, %dma_wait3A_132] : memref<16384x64xf32, #tpu.memory_space<hbm>> -> memref<128x64xf32, #tpu.memory_space<hbm>>
    %dma_wait3A_134 = arith.constant 0 : i32
    %dma_wait3A_135 = arith.constant 0 : i32
    %dma_wait3A_136 = tpu.memref_slice %arg6[%dma_wait3A_134, %dma_wait3A_135] : memref<512x64xf32, #tpu.memory_space<vmem>> -> memref<128x64xf32, #tpu.memory_space<vmem>>
    %dma_wait3A_137 = arith.constant 0 : i32
    %dma_wait3A_138 = arith.constant 0 : i32
    %dma_wait3A_139 = tpu.memref_slice %arg4[%dma_wait3A_137, %dma_wait3A_138] : memref<16384x64xf32, #tpu.memory_space<hbm>> -> memref<128x64xf32, #tpu.memory_space<hbm>>
    tpu.wait_dma2 semaphore(%arg8 : memref<!tpu.dma_semaphore, #tpu.memory_space<semaphore_mem>>) src(%dma_wait3A_139 : memref<128x64xf32, #tpu.memory_space<hbm>>) dst(%dma_wait3A_136 : memref<128x64xf32, #tpu.memory_space<vmem>>)
    %dma_wait3A_140 = arith.constant 0 : i32
    %dma_wait3A_141 = arith.constant 0 : i32
    %dma_wait3A_142 = tpu.memref_slice %arg6[%dma_wait3A_140, %dma_wait3A_141] : memref<512x64xf32, #tpu.memory_space<vmem>> -> memref<128x64xf32, #tpu.memory_space<vmem>>
    %dma_wait3A_143 = arith.constant 0 : i32
    %dma_wait3A_144 = arith.constant 0 : i32
    %dma_wait3A_145 = tpu.memref_slice %arg4[%dma_wait3A_143, %dma_wait3A_144] : memref<16384x64xf32, #tpu.memory_space<hbm>> -> memref<128x64xf32, #tpu.memory_space<hbm>>
    %dma_wait3A_146 = arith.constant 0 : i32
    %dma_wait3A_147 = arith.constant 0 : i32
    %dma_wait3A_148 = tpu.memref_slice %arg6[%dma_wait3A_146, %dma_wait3A_147] : memref<512x64xf32, #tpu.memory_space<vmem>> -> memref<128x64xf32, #tpu.memory_space<vmem>>
    %dma_wait3A_149 = arith.constant 0 : i32
    %dma_wait3A_150 = arith.constant 0 : i32
    %dma_wait3A_151 = tpu.memref_slice %arg4[%dma_wait3A_149, %dma_wait3A_150] : memref<16384x64xf32, #tpu.memory_space<hbm>> -> memref<128x64xf32, #tpu.memory_space<hbm>>
    tpu.wait_dma2 semaphore(%arg8 : memref<!tpu.dma_semaphore, #tpu.memory_space<semaphore_mem>>) src(%dma_wait3A_151 : memref<128x64xf32, #tpu.memory_space<hbm>>) dst(%dma_wait3A_148 : memref<128x64xf32, #tpu.memory_space<vmem>>)
    %dma_wait3A_152 = arith.constant 0 : i32
    %dma_wait3A_153 = arith.constant 0 : i32
    %dma_wait3A_154 = tpu.memref_slice %arg6[%dma_wait3A_152, %dma_wait3A_153] : memref<512x64xf32, #tpu.memory_space<vmem>> -> memref<128x64xf32, #tpu.memory_space<vmem>>
    %dma_wait3A_155 = arith.constant 0 : i32
    %dma_wait3A_156 = arith.constant 0 : i32
    %dma_wait3A_157 = tpu.memref_slice %arg4[%dma_wait3A_155, %dma_wait3A_156] : memref<16384x64xf32, #tpu.memory_space<hbm>> -> memref<128x64xf32, #tpu.memory_space<hbm>>
    %dma_wait3A_158 = arith.constant 0 : i32
    %dma_wait3A_159 = arith.constant 0 : i32
    %dma_wait3A_160 = tpu.memref_slice %arg6[%dma_wait3A_158, %dma_wait3A_159] : memref<512x64xf32, #tpu.memory_space<vmem>> -> memref<128x64xf32, #tpu.memory_space<vmem>>
    %dma_wait3A_161 = arith.constant 0 : i32
    %dma_wait3A_162 = arith.constant 0 : i32
    %dma_wait3A_163 = tpu.memref_slice %arg4[%dma_wait3A_161, %dma_wait3A_162] : memref<16384x64xf32, #tpu.memory_space<hbm>> -> memref<128x64xf32, #tpu.memory_space<hbm>>
    tpu.wait_dma2 semaphore(%arg8 : memref<!tpu.dma_semaphore, #tpu.memory_space<semaphore_mem>>) src(%dma_wait3A_163 : memref<128x64xf32, #tpu.memory_space<hbm>>) dst(%dma_wait3A_160 : memref<128x64xf32, #tpu.memory_space<vmem>>)
    %dma_wait3A_164 = arith.constant 0 : i32
    %dma_wait3A_165 = arith.constant 0 : i32
    %dma_wait3A_166 = tpu.memref_slice %arg6[%dma_wait3A_164, %dma_wait3A_165] : memref<512x64xf32, #tpu.memory_space<vmem>> -> memref<128x64xf32, #tpu.memory_space<vmem>>
    %dma_wait3A_167 = arith.constant 0 : i32
    %dma_wait3A_168 = arith.constant 0 : i32
    %dma_wait3A_169 = tpu.memref_slice %arg4[%dma_wait3A_167, %dma_wait3A_168] : memref<16384x64xf32, #tpu.memory_space<hbm>> -> memref<128x64xf32, #tpu.memory_space<hbm>>
    %dma_wait3A_170 = arith.constant 0 : i32
    %dma_wait3A_171 = arith.constant 0 : i32
    %dma_wait3A_172 = tpu.memref_slice %arg6[%dma_wait3A_170, %dma_wait3A_171] : memref<512x64xf32, #tpu.memory_space<vmem>> -> memref<128x64xf32, #tpu.memory_space<vmem>>
    %dma_wait3A_173 = arith.constant 0 : i32
    %dma_wait3A_174 = arith.constant 0 : i32
    %dma_wait3A_175 = tpu.memref_slice %arg4[%dma_wait3A_173, %dma_wait3A_174] : memref<16384x64xf32, #tpu.memory_space<hbm>> -> memref<128x64xf32, #tpu.memory_space<hbm>>
    tpu.wait_dma2 semaphore(%arg8 : memref<!tpu.dma_semaphore, #tpu.memory_space<semaphore_mem>>) src(%dma_wait3A_175 : memref<128x64xf32, #tpu.memory_space<hbm>>) dst(%dma_wait3A_172 : memref<128x64xf32, #tpu.memory_space<vmem>>)
    return
  }
}

</mosaic_0001>

<sc_bundles>
// kernel: kernel.3.cloned.1.call-start
scs
__scs_entry_jumppad:
0x0: {  	(pc) =	sbr.rel $0x88, $3  }
0x1: {  	(tag) =	ssettag $0x0;
	lr =	simm.s32 $0x1  }
0x2: {  	[smem:$0x3F9F] =	sst lr;
	_ =	strace $0xD0000000  }
0x3: {  	_ = 	snop  }
0x4: {  	_ = 	snop  }
0x5: {  	_ = 	snop  }
0x6: {  	_ = 	snop  }
0x7: {  	_ = 	snop  }
__scs_overlays_trampoline_lowered:
0x8: {  	[smem:$0x3FAE] =	sst s0  }
0x9: {  	[smem:$0x3FAF] =	sst s1  }
0xa: {  	[smem:$0x3FB0] =	sst s2  }
0xb: {  	[smem:$0x3FB1] =	sst s3  }
0xc: {  	[smem:$0x3FB2] =	sst s4  }
0xd: {  	[smem:$0x3FB3] =	sst s5  }
0xe: {  	[smem:$0x3FB4] =	sst s6  }
0xf: {  	[smem:$0x3FB5] =	sst s7  }
0x10: {  	[smem:$0x3FB6] =	sst s8  }
0x11: {  	[smem:$0x3FB7] =	sst s9;
	s0 =	simm.s32 @!p0 $0x0  }
0x12: {  	s1 =	sld [smem:$0x3F9D];
	s0 =	simm.s32 @p0 $0x1  }
0x13: {  	[smem:$0x3FB8] =	sst s0;
	s0 =	simm.s32 @!p1 $0x0  }
0x14: {  	s2 =	sld [smem:$0x3F9C];
	s0 =	simm.s32 @p1 $0x1  }
0x15: {  	[smem:$0x3FB9] =	sst s0;
	s0 =	simm.s32 @!p2 $0x0  }
0x16: {  	s3 =	sld [smem:$0x3FDB];
	s0 =	simm.s32 @p2 $0x1  }
0x17: {  	s4 =	simm.s32 $0x1BF5;
	[smem:$0x3FBB] =	sst s0  }
0x18: {  	s0 =	sld [smem:$0x3F9E];
	_ =	swait.ge [sflag:s4], $0x0  }
0x19: {  	s7 =	sld [smem:$0x3F9F]  }
0x1a: {  	s8 =	sadd.s32 $0xFFFFE003, lr  }
0x1b: {  	s9 =	sadd.s32 $0xFFFFFEF7, lr;
	s5 =	simm.s32 $0xFFFFFFFF;
	p2 =	slt.u32 s8, $0xFFFFF086  }
0x1c: {  	p1 =	slt.u32 s9, $0xF7A;
	s5 =	simm.s32 @!p2 $0x0  }
0x1d: {  	s5 =	simm.s32 @p1 $0x1;
	p0 =	seq.s32 s7, s2  }
0x1e: {  	s7 =	smul.u32 @!p0 $0xF7A, s2;
	p2 =	seq.s32 @!p0 s5, $0x0  }
0x1f: {  	s9 =	smul.u32 $0xF7A, s1;
	s8 =	simm.s32 @!p0 $0x1BF5;
	p2 =	por !p2, p0  }
0x20: {  	[sflag:s8] =	ssyncset.s32 @!p0 $0xFFFFF086;
	s6 =	sadd.s32 @!p0 s3, s7;
	s7 =	simm.s32 @!p0 $0x108  }
0x21: {  	s3 =	sadd.s32 s3, s9;
	s6 =	sadd.s32 @!p0 $0x88, s6;
	s7 =	simm.s32 @p2 $0x1082  }
0x22: {  	[simem:s7], [sflag:s8] =	dma.local @!p0 [hbm:s6], $0xF7A  }
0x23: {  	s9 =	sor.u32 $0xD0000000, s2;
	s6 =	simm.s32 $0x108;
	_ =	swait.ge @!p0 [sflag:s8], $0x0  }
0x24: {  	s3 =	sadd.s32 $0x88, s3;
	s6 =	simm.s32 @!p1 $0x1082;
	[sflag:s4] =	ssyncset.s32 $0xFFFFF086  }
0x25: {  	[simem:s6], [sflag:s4] =	dma.local [hbm:s3], $0xF7A  }
0x26: {  	[smem:$0x3F9F] =	sst s1;
	(tag) =	ssettag s2;
	_ =	strace s9  }
0x27: {  	s1 =	sld [smem:$0x3FAF]  }
0x28: {  	s2 =	sld [smem:$0x3FB0]  }
0x29: {  	s4 =	sld [smem:$0x3FB2]  }
0x2a: {  	p0 =	seq.s32 s5, $0x0;
	s5 =	sld [smem:$0x3FB3]  }
0x2b: {  	s6 =	sld [smem:$0x3FB4]  }
0x2c: {  	s7 =	sld [smem:$0x3FB5]  }
0x2d: {  	s3 =	simm.s32 $0x108;
	s8 =	sld [smem:$0x3FB6]  }
0x2e: {  	s3 =	simm.s32 @!p0 $0x1082;
	s9 =	sld [smem:$0x3FB7]  }
0x2f: {  	lr =	sadd.s32 s0, s3;
	s0 =	sld [smem:$0x3FAE]  }
0x30: {  	s3 =	sld [smem:$0x3FB1]  }
0x31: {  	[smem:$0x3FBA] =	sst s10  }
0x32: {  	s10 =	sld [smem:$0x3FB8];
	_ =	sdelay $0x3  }
0x33: {  	p0 =	seq.s32 s10, $0x1;
	s10 =	sld [smem:$0x3FBA];
	_ =	sdelay $0x3  }
0x34: {  	[smem:$0x3FBA] =	sst s10  }
0x35: {  	s10 =	sld [smem:$0x3FB9];
	_ =	sdelay $0x3  }
0x36: {  	p1 =	seq.s32 s10, $0x1;
	s10 =	sld [smem:$0x3FBA];
	_ =	sdelay $0x3  }
0x37: {  	[smem:$0x3FBA] =	sst s10  }
0x38: {  	s10 =	sld [smem:$0x3FBB]  }
0x39: {  	_ = 	snop;
	(pc) =	sbr.ind lr, $3  }
0x3a: {  	_ = 	snop  }
0x3b: {  	_ = 	snop  }
0x3c: {  	p2 =	seq.s32 s10, $0x1;
	s10 =	sld [smem:$0x3FBA]  }
0x3d: {  	_ =	shalt  }
0x3e: {  	_ =	shalt  }
0x3f: {  	_ =	shalt  }
0x40: {  	_ =	shalt  }
0x41: {  	_ =	shalt  }
0x42: {  	_ =	shalt  }
0x43: {  	_ =	shalt  }
0x44: {  	_ =	shalt  }
0x45: {  	_ =	shalt  }
0x46: {  	_ =	shalt  }
0x47: {  	_ =	shalt  }
0x48: {  	_ =	shalt  }
0x49: {  	_ =	shalt  }
0x4a: {  	_ =	shalt  }
0x4b: {  	_ =	shalt  }
0x4c: {  	_ =	shalt  }
0x4d: {  	_ =	shalt  }
0x4e: {  	_ =	shalt  }
0x4f: {  	_ =	shalt  }
0x50: {  	_ =	shalt  }
0x51: {  	_ =	shalt  }
0x52: {  	_ =	shalt  }
0x53: {  	_ =	shalt  }
0x54: {  	_ =	shalt  }
0x55: {  	_ =	shalt  }
0x56: {  	_ =	shalt  }
0x57: {  	_ =	shalt  }
0x58: {  	_ =	shalt  }
0x59: {  	_ =	shalt  }
0x5a: {  	_ =	shalt  }
0x5b: {  	_ =	shalt  }
0x5c: {  	_ =	shalt  }
0x5d: {  	_ =	shalt  }
0x5e: {  	_ =	shalt  }
0x5f: {  	_ =	shalt  }
0x60: {  	_ =	shalt  }
0x61: {  	_ =	shalt  }
0x62: {  	_ =	shalt  }
0x63: {  	_ =	shalt  }
0x64: {  	_ =	shalt  }
0x65: {  	_ =	shalt  }
0x66: {  	_ =	shalt  }
0x67: {  	_ =	shalt  }
0x68: {  	_ =	shalt  }
0x69: {  	_ =	shalt  }
0x6a: {  	_ =	shalt  }
0x6b: {  	_ =	shalt  }
0x6c: {  	_ =	shalt  }
0x6d: {  	_ =	shalt  }
0x6e: {  	_ =	shalt  }
0x6f: {  	_ =	shalt  }
0x70: {  	_ =	shalt  }
0x71: {  	_ =	shalt  }
0x72: {  	_ =	shalt  }
0x73: {  	_ =	shalt  }
0x74: {  	_ =	shalt  }
0x75: {  	_ =	shalt  }
0x76: {  	_ =	shalt  }
0x77: {  	_ =	shalt  }
0x78: {  	_ =	shalt  }
0x79: {  	_ =	shalt  }
0x7a: {  	_ =	shalt  }
0x7b: {  	_ =	shalt  }
0x7c: {  	_ =	shalt  }
0x7d: {  	_ =	shalt  }
0x7e: {  	_ =	shalt  }
0x7f: {  	_ =	shalt  }
0x80: {  	_ =	shalt  }
0x81: {  	_ =	shalt  }
0x82: {  	_ =	shalt  }
0x83: {  	_ =	shalt  }
0x84: {  	_ =	shalt  }
0x85: {  	_ =	shalt  }
0x86: {  	_ =	shalt  }
0x87: {  	_ =	shalt  }
.Lfunc_end0:
.L_simem_size_0:
called_computation_lowered:
.L_overlay_start_0:
0x88: {  	s2 =	sld [smem:$0x3FD9]  }
0x89: {  	s3 =	sld [smem:$0x3FFE];
	_ =	sdelay $0x1  }
0x8a: {  	s1 =	srdreg.scid  }
0x8b: {  	s0 =	sand.u32 $0x1, s1  }
0x8c: {  	s17 =	sshll.u32 s0, $0xA;
	s2 =	sadd.s32 s3, s2  }
0x8d: {  	s2 =	sadd.s32 s2, s17  }
0x8e: {  	[smem:$0x3FC6] =	sst s2  }
0x8f: {  	_ = 	snop  }
0x90: {  	s2 =	sld [smem:$0x3FC9];
	(tm) =	ssettm $0x1  }
0x91: {  	s18 =	sld [smem:$0x3FFB];
	_ =	sdelay $0x3  }
0x92: {  	_ =	strace s18  }
0x93: {  	s3 =	sld [smem:$0x3FFC];
	_ =	sdelay $0x3  }
0x94: {  	_ =	strace s3  }
0x95: {  	s3 =	sld [smem:$0x3FFD];
	_ =	sdelay $0x3  }
0x96: {  	_ =	strace s3  }
0x97: {  	_ =	strace $0x8FFFFFFF  }
0x98: {  	s19 =	sld [smem:$0x3FDB];
	_ =	sdelay $0x1  }
0x99: {  	s4 =	simm.s32 $_scs_section_size  }
0x9a: {  	s5 =	simm.s32 $_size__tile_overlayer_lowered;
	s6 =	simm.s32 $_tile_overlayer_lowered  }
0x9b: {  	s22 =	simm.s32 $0x1BFF;
	s21 =	sshll.u32 s6, $0x1;
	s3 =	sadd.s32 s4, s19  }
0x9c: {  	s7 =	simm.s32 $0x0;
	s20 =	sshll.u32 s5, $0x1;
	s5 =	sadd.s32 s21, s3  }
0x9d: {  	[timem:s7], [sflag:s22] =	dma.local [hbm:s5], s20  }
0x9e: {  	_ =	swait.ge [sflag:s22], s20  }
0x9f: {  	s4 =	ssub.s32 $0x0, s20;
	[sflag:s22] =	ssyncset.done $0x0  }
0xa0: {  	[sflag:s22] =	ssyncadd.s32 s4;
	_ =	sdelay $0x1  }
0xa1: {  	s23 =	simm.s32 $0x1B8B  }
0xa2: {  	_ =	swait.ge [sflag:s23], $0x1  }
0xa3: {  	[sflag:s23] =	ssyncset.done $0x0  }
0xa4: {  	s25 =	simm.s32 $0x1B8E;
	s24 =	sld [smem:$0x3FFE];
	[sflag:s23] =	ssyncadd.s32 $0xFFFFFFFF  }
0xa5: {  	s26 =	simm.s32 $execute0_lowered;
	[smem:$0x3FD2] =	sst s25  }
0xa6: {  	s5 =	sshll.u32 s26, $0x1;
	_ =	strace $0x80000046;
	[dreg:$0x1] =	wrdreg $0xFFFFFFFF  }
0xa7: {  	s28 =	simm.s32 $_size_execute0_lowered;
	s3 =	sadd.s32 s3, s5;
	[dreg:$0x0] =	wrdreg $0x0  }
0xa8: {  	s5 =	sshll.u32 s28, $0x1;
	[dreg:$0x2] =	wrdreg s3  }
0xa9: {  	[dreg:$0x3] =	wrdreg s5  }
0xaa: {  	[dreg:$0x4] =	wrdreg $0xC0  }
0xab: {  	_ =	task [dreg:s7], $0x5FFFF  }
0xac: {  	[dreg:$0x1] =	wrdreg $0xFFFFFFFF  }
0xad: {  	[dreg:$0x0] =	wrdreg $0x60  }
0xae: {  	[dreg:$0x2] =	wrdreg s2  }
0xaf: {  	[dreg:$0x3] =	wrdreg s24  }
0xb0: {  	[dreg:$0x4] =	wrdreg $0x9  }
0xb1: {  	_ =	task.clear_ibuf [dreg:s7], $0x5FFFF;
	_ =	strace $0x90000046  }
0xb2: {  	s29 =	simm.s32 $0x9;
	_ =	strace $0x80000048  }
0xb3: {  	_ =	swait.ge [sflag:s29], $0x1  }
0xb4: {  	[sflag:s29] =	ssyncadd.s32 $0xFFFFFFFF  }
0xb5: {  	_ =	strace $0x90000048  }
0xb6: {  	_ =	sfence  }
0xb7: {  	s30 =	sld [smem:$0x0];
	_ =	sdelay $0x2  }
0xb8: {  	s31 =	sshll.u32 s1, $0xD;
	s1 =	sshrl.u32 s1, $0x2  }
0xb9: {  	s3 =	sand.u32 $0x4000, s31;
	s1 =	sadd.s32 s1, s30  }
0xba: {  	s0 =	sor.u32 s3, s0;
	s1 =	sshll.u32 s1, $0x11  }
0xbb: {  	s0 =	sor.u32 s1, s0  }
0xbc: {  	s0 =	sadd.s32 $0x8F2B, s0  }
0xbd: {  	[sflag:s0] =	ssyncadd.remote.s32 $0x1  }
0xbe: {  	_ =	sfence.sel $0xFFFF  }
0xbf: {  	[dreg:$0x0] =	wrdreg $0xFFFFFFFF;
	(pc) =	sbr.abs _section_cstart, $3  }
0xc0: {  	[dreg:$0x1] =	wrdreg $0xFFFFFFFF  }
0xc1: {  	_ =	task.clear_ibuf [dreg:s7], $0x2FFFF;
	_ =	strace $0x9FFFFFFF  }
0xc2: {  	(tm) =	ssettm $0x7FFFFFFF  }
0xc3: {  	_ =	shalt  }
tec
execute0_lowered:
.L_overlay_start_1:
0x0: {  	(tag) =	ssettag $0x1  }
0x1: {  	s4 =	rddreg [dreg:$0x0]  }
0x2: {  	s5 =	rddreg [dreg:$0x1]  }
0x3: {  	s0 =	rddreg [dreg:$0x2]  }
0x4: {  	s3 =	srdreg.scid;
	s2 =	simm.s32 $0x0;
	s1 =	stileid.u32  }
0x5: {  	s10 =	simm.s32 $0x6;
	s11 =	simm.s32 $0x1;
	s12 =	simm.s32 $0x200  }
0x6: {  	s13 =	simm.s32 $0x2;
	s14 =	simm.s32 $0x4200;
	s15 =	simm.s32 $0x3  }
0x7: {  	s16 =	simm.s32 $0x8200;
	s17 =	simm.s32 $0x4;
	s18 =	simm.s32 $0xC200  }
0x8: {  	s19 =	simm.s32 $0x5;
	s20 =	simm.s32 $0x0;
	s6 =	sand.u32 $0x1, s3  }
0x9: {  	[smem:$0x7FF] =	sst s2;
	s30 =	sshll.u32 s1, $0xA;
	s7 =	sshll.u32 s6, $0x9  }
0xa: {  	s3 =	sadd.s32 $0x400, s5;
	s6 =	ssub.s32 $0x2, s6;
	s7 =	sor.u32 s7, s30  }
0xb: {  	_ =	strace $0x80000047;
	s31 =	sshrl.u32 s6, $0x1;
	s8 =	sshll.u32 s7, $0x4  }
0xc: {  	s7 =	sshrl.u32 s7, $0x3;
	s9 =	ssub.s32 s6, s31;
	s8 =	sadd.s32 s8, s5  }
0xd: {  	s4 =	sadd.s32 s4, s7;
	s9 =	smax.u32 s9, $0x1;
	s5 =	sadd.s32 $0xF42800, s8  }
0xe: {  	s6 =	sadd.s32 $0xF43000, s8;
	s7 =	sadd.s32 $0xF43800, s8;
	s8 =	sadd.s32 $0xF44000, s8  }
.LBB2_1:
0xf: {  	[tilespmem:s2], [sflag:$0x6] =	stream.linear.gather [hbm4b:s4+s2], $0x200, $0x38;
	[tilespmem:$0x10200] =	vst v63  }
0x10: {  	_ =	swait.ge [sflag:s10], $0x200  }
0x11: {  	[sflag:s10] =	ssyncset.done $0x0  }
0x12: {  	s22 =	simm.s32 $0x0;
	s23 =	simm.s32 $0x0;
	[sflag:s10] =	ssyncadd.s32 $0xFFFFFE00  }
.LBB2_2:
0x13: {  	v0 =	vld [tilespmem:s22+$0x0];
	_ =	sdelay $0x4  }
0x14: {  	v1 =	vshrl.u32 v0, $0x3  }
0x15: {  	v0 =	vand.u32 $0x7, v0;
	v1 =	vshll.u32 v1, $0xA  }
0x16: {  	v0 =	vshll.u32 v0, $0x7;
	(v2sf) =	vpush v1, $0x0  }
0x17: {  	(v2sf) =	vpush v0, $0x0;
	_ =	sdelay $0x2  }
0x18: {  	(v2sf) =	vpush v1, $0x1  }
0x19: {  	(v2sf) =	vpush v0, $0x1;
	_ =	sdelay $0x2  }
0x1a: {  	(v2sf) =	vpush v1, $0x2  }
0x1b: {  	(v2sf) =	vpush v0, $0x2;
	_ =	sdelay $0x5  }
0x1c: {  	s21 =	spop (v2sf);
	(v2sf) =	vpush v1, $0x3  }
0x1d: {  	s24 =	spop (v2sf);
	(v2sf) =	vpush v0, $0x3;
	_ =	sdelay $0x2  }
0x1e: {  	s21 =	sor.u32 s24, s21;
	s29 =	spop (v2sf);
	(v2sf) =	vpush v1, $0x4  }
0x1f: {  	s24 =	sshra.s32 s23, $0x2;
	s21 =	sshrl.u32 s21, $0x3;
	s30 =	spop (v2sf);
	(v2sf) =	vpush v0, $0x4  }
0x20: {  	s25 =	sadd.s32 $0x200, s24;
	s26 =	sadd.s32 s3, s21;
	s21 =	simm.s32 $0x0  }
0x21: {  	[tilespmem:s25], [sflag:$0x1] =	stream.linear.gather [hbm4b:s26+s21], $0x80, $0x38;
	[tilespmem:$0x10200] =	vst v63  }
0x22: {  	s26 =	spop (v2sf);
	(v2sf) =	vpush v1, $0x5  }
0x23: {  	s28 =	spop (v2sf);
	(v2sf) =	vpush v0, $0x5;
	_ =	sdelay $0x1  }
0x24: {  	s25 =	sor.u32 s30, s29  }
0x25: {  	s25 =	sshrl.u32 s25, $0x3  }
0x26: {  	s31 =	sadd.s32 $0x280, s24;
	s25 =	sadd.s32 s3, s25  }
0x27: {  	[tilespmem:s31], [sflag:$0x1] =	stream.linear.gather [hbm4b:s25+s21], $0x80, $0x38;
	[tilespmem:$0x10200] =	vst v63  }
0x28: {  	s25 =	sor.u32 s28, s26;
	s30 =	spop (v2sf);
	(v2sf) =	vpush v1, $0x6  }
0x29: {  	s25 =	sshrl.u32 s25, $0x3;
	s31 =	spop (v2sf);
	(v2sf) =	vpush v0, $0x6  }
0x2a: {  	s29 =	sadd.s32 $0x300, s24;
	s25 =	sadd.s32 s3, s25  }
0x2b: {  	[tilespmem:s29], [sflag:$0x1] =	stream.linear.gather [hbm4b:s25+s21], $0x80, $0x38;
	[tilespmem:$0x10200] =	vst v63  }
0x2c: {  	s25 =	sor.u32 s31, s30;
	s29 =	spop (v2sf);
	(v2sf) =	vpush v1, $0x7  }
0x2d: {  	s25 =	sshrl.u32 s25, $0x3;
	s30 =	spop (v2sf);
	(v2sf) =	vpush v0, $0x7  }
0x2e: {  	s28 =	sadd.s32 $0x380, s24;
	s25 =	sadd.s32 s3, s25  }
0x2f: {  	[tilespmem:s28], [sflag:$0x1] =	stream.linear.gather [hbm4b:s25+s21], $0x80, $0x38;
	[tilespmem:$0x10200] =	vst v63  }
0x30: {  	s26 =	spop (v2sf);
	(v2sf) =	vpush v1, $0x8  }
0x31: {  	s28 =	spop (v2sf);
	(v2sf) =	vpush v0, $0x8;
	_ =	sdelay $0x1  }
0x32: {  	s25 =	sor.u32 s30, s29  }
0x33: {  	s25 =	sshrl.u32 s25, $0x3  }
0x34: {  	s31 =	sadd.s32 $0x400, s24;
	s25 =	sadd.s32 s3, s25  }
0x35: {  	[tilespmem:s31], [sflag:$0x1] =	stream.linear.gather [hbm4b:s25+s21], $0x80, $0x38;
	[tilespmem:$0x10200] =	vst v63  }
0x36: {  	s25 =	sor.u32 s28, s26;
	s30 =	spop (v2sf);
	(v2sf) =	vpush v1, $0x9  }
0x37: {  	s25 =	sshrl.u32 s25, $0x3;
	s31 =	spop (v2sf);
	(v2sf) =	vpush v0, $0x9  }
0x38: {  	s29 =	sadd.s32 $0x480, s24;
	s25 =	sadd.s32 s3, s25  }
0x39: {  	[tilespmem:s29], [sflag:$0x1] =	stream.linear.gather [hbm4b:s25+s21], $0x80, $0x38;
	[tilespmem:$0x10200] =	vst v63  }
0x3a: {  	s25 =	sor.u32 s31, s30;
	s29 =	spop (v2sf);
	(v2sf) =	vpush v1, $0xA  }
0x3b: {  	s25 =	sshrl.u32 s25, $0x3;
	s30 =	spop (v2sf);
	(v2sf) =	vpush v0, $0xA  }
0x3c: {  	s28 =	sadd.s32 $0x500, s24;
	s25 =	sadd.s32 s3, s25  }
0x3d: {  	[tilespmem:s28], [sflag:$0x1] =	stream.linear.gather [hbm4b:s25+s21], $0x80, $0x38;
	[tilespmem:$0x10200] =	vst v63  }
0x3e: {  	s26 =	spop (v2sf);
	(v2sf) =	vpush v1, $0xB  }
0x3f: {  	s28 =	spop (v2sf);
	(v2sf) =	vpush v0, $0xB;
	_ =	sdelay $0x1  }
0x40: {  	s25 =	sor.u32 s30, s29  }
0x41: {  	s25 =	sshrl.u32 s25, $0x3  }
0x42: {  	s31 =	sadd.s32 $0x580, s24;
	s25 =	sadd.s32 s3, s25  }
0x43: {  	[tilespmem:s31], [sflag:$0x1] =	stream.linear.gather [hbm4b:s25+s21], $0x80, $0x38;
	[tilespmem:$0x10200] =	vst v63  }
0x44: {  	s25 =	sor.u32 s28, s26;
	s30 =	spop (v2sf);
	(v2sf) =	vpush v1, $0xC  }
0x45: {  	s25 =	sshrl.u32 s25, $0x3;
	s31 =	spop (v2sf);
	(v2sf) =	vpush v0, $0xC  }
0x46: {  	s29 =	sadd.s32 $0x600, s24;
	s25 =	sadd.s32 s3, s25  }
0x47: {  	[tilespmem:s29], [sflag:$0x1] =	stream.linear.gather [hbm4b:s25+s21], $0x80, $0x38;
	[tilespmem:$0x10200] =	vst v63  }
0x48: {  	s25 =	sor.u32 s31, s30;
	s29 =	spop (v2sf);
	(v2sf) =	vpush v1, $0xD  }
0x49: {  	s25 =	sshrl.u32 s25, $0x3;
	s30 =	spop (v2sf);
	(v2sf) =	vpush v0, $0xD  }
0x4a: {  	s28 =	sadd.s32 $0x680, s24;
	s25 =	sadd.s32 s3, s25  }
0x4b: {  	[tilespmem:s28], [sflag:$0x1] =	stream.linear.gather [hbm4b:s25+s21], $0x80, $0x38;
	[tilespmem:$0x10200] =	vst v63  }
0x4c: {  	s26 =	spop (v2sf);
	(v2sf) =	vpush v1, $0xE  }
0x4d: {  	s28 =	spop (v2sf);
	(v2sf) =	vpush v0, $0xE  }
0x4e: {  	s25 =	sor.u32 s30, s29  }
0x4f: {  	s25 =	sshrl.u32 s25, $0x3  }
0x50: {  	s31 =	sadd.s32 $0x700, s24;
	s25 =	sadd.s32 s3, s25  }
0x51: {  	[tilespmem:s31], [sflag:$0x1] =	stream.linear.gather [hbm4b:s25+s21], $0x80, $0x38;
	[tilespmem:$0x10200] =	vst v63  }
0x52: {  	s25 =	sor.u32 s28, s26  }
0x53: {  	s25 =	sshrl.u32 s25, $0x3;
	s30 =	spop (v2sf);
	(v2sf) =	vpush v1, $0xF  }
0x54: {  	s29 =	sadd.s32 $0x780, s24;
	s25 =	sadd.s32 s3, s25;
	s31 =	spop (v2sf);
	(v2sf) =	vpush v0, $0xF  }
0x55: {  	[tilespmem:s29], [sflag:$0x1] =	stream.linear.gather [hbm4b:s25+s21], $0x80, $0x38;
	[tilespmem:$0x10200] =	vst v63  }
0x56: {  	s25 =	sor.u32 s31, s30  }
0x57: {  	s29 =	spop (v2sf);
	s25 =	sshrl.u32 s25, $0x3  }
0x58: {  	s28 =	sadd.s32 $0x800, s24;
	s30 =	spop (v2sf);
	s25 =	sadd.s32 s3, s25  }
0x59: {  	[tilespmem:s28], [sflag:$0x1] =	stream.linear.gather [hbm4b:s25+s21], $0x80, $0x38;
	[tilespmem:$0x10200] =	vst v63  }
0x5a: {  	s25 =	sor.u32 s30, s29  }
0x5b: {  	s26 =	spop (v2sf);
	s25 =	sshrl.u32 s25, $0x3  }
0x5c: {  	s31 =	sadd.s32 $0x880, s24;
	s28 =	spop (v2sf);
	s25 =	sadd.s32 s3, s25  }
0x5d: {  	[tilespmem:s31], [sflag:$0x1] =	stream.linear.gather [hbm4b:s25+s21], $0x80, $0x38;
	[tilespmem:$0x10200] =	vst v63  }
0x5e: {  	s25 =	sor.u32 s28, s26  }
0x5f: {  	s25 =	sshrl.u32 s25, $0x3  }
0x60: {  	s29 =	sadd.s32 $0x900, s24;
	s25 =	sadd.s32 s3, s25  }
0x61: {  	[tilespmem:s29], [sflag:$0x1] =	stream.linear.gather [hbm4b:s25+s21], $0x80, $0x38;
	[tilespmem:$0x10200] =	vst v63  }
0x62: {  	p0 =	sne.s32 s23, $0xE000;
	s30 =	spop (v2sf)  }
.Ltmp0:
0x63: {  	s31 =	spop (v2sf);
	(pc) =	sbr.rel @p0 .LBB2_2-.Ltmp0, $4  }
0x64: {  	s25 =	sor.u32 s31, s30  }
0x65: {  	s22 =	sadd.s32 $0x10, s22;
	s25 =	sshrl.u32 s25, $0x3  }
0x66: {  	s23 =	sadd.s32 $0x2000, s23;
	s24 =	sadd.s32 $0x980, s24;
	s25 =	sadd.s32 s3, s25  }
0x67: {  	[tilespmem:s24], [sflag:$0x1] =	stream.linear.gather [hbm4b:s25+s21], $0x80, $0x38;
	[tilespmem:$0x10200] =	vst v63  }
0x68: {  	s22 =	simm.s32 $0x80;
	s23 =	simm.s32 $0x0  }
.LBB2_4:
0x69: {  	v0 =	vld [tilespmem:s22+$0x0];
	_ =	sdelay $0x4  }
0x6a: {  	v1 =	vshrl.u32 v0, $0x3  }
0x6b: {  	v0 =	vand.u32 $0x7, v0;
	v1 =	vshll.u32 v1, $0xA  }
0x6c: {  	v0 =	vshll.u32 v0, $0x7;
	(v2sf) =	vpush v1, $0x0  }
0x6d: {  	(v2sf) =	vpush v0, $0x0;
	_ =	sdelay $0x2  }
0x6e: {  	(v2sf) =	vpush v1, $0x1  }
0x6f: {  	(v2sf) =	vpush v0, $0x1;
	_ =	sdelay $0x2  }
0x70: {  	(v2sf) =	vpush v1, $0x2  }
0x71: {  	(v2sf) =	vpush v0, $0x2;
	_ =	sdelay $0x5  }
0x72: {  	s24 =	spop (v2sf);
	(v2sf) =	vpush v1, $0x3  }
0x73: {  	s25 =	spop (v2sf);
	(v2sf) =	vpush v0, $0x3;
	_ =	sdelay $0x2  }
0x74: {  	s25 =	sor.u32 s25, s24;
	s29 =	spop (v2sf);
	(v2sf) =	vpush v1, $0x4  }
0x75: {  	s24 =	sshra.s32 s23, $0x2;
	s25 =	sshrl.u32 s25, $0x3;
	s30 =	spop (v2sf);
	(v2sf) =	vpush v0, $0x4  }
0x76: {  	s26 =	sadd.s32 $0x4200, s24;
	s25 =	sadd.s32 s3, s25  }
0x77: {  	[tilespmem:s26], [sflag:$0x2] =	stream.linear.gather [hbm4b:s25+s21], $0x80, $0x38;
	[tilespmem:$0x10200] =	vst v63  }
0x78: {  	s26 =	spop (v2sf);
	(v2sf) =	vpush v1, $0x5  }
0x79: {  	s28 =	spop (v2sf);
	(v2sf) =	vpush v0, $0x5;
	_ =	sdelay $0x1  }
0x7a: {  	s25 =	sor.u32 s30, s29  }
0x7b: {  	s25 =	sshrl.u32 s25, $0x3  }
0x7c: {  	s31 =	sadd.s32 $0x4280, s24;
	s25 =	sadd.s32 s3, s25  }
0x7d: {  	[tilespmem:s31], [sflag:$0x2] =	stream.linear.gather [hbm4b:s25+s21], $0x80, $0x38;
	[tilespmem:$0x10200] =	vst v63  }
0x7e: {  	s25 =	sor.u32 s28, s26;
	s30 =	spop (v2sf);
	(v2sf) =	vpush v1, $0x6  }
0x7f: {  	s25 =	sshrl.u32 s25, $0x3;
	s31 =	spop (v2sf);
	(v2sf) =	vpush v0, $0x6  }
0x80: {  	s29 =	sadd.s32 $0x4300, s24;
	s25 =	sadd.s32 s3, s25  }
0x81: {  	[tilespmem:s29], [sflag:$0x2] =	stream.linear.gather [hbm4b:s25+s21], $0x80, $0x38;
	[tilespmem:$0x10200] =	vst v63  }
0x82: {  	s25 =	sor.u32 s31, s30;
	s29 =	spop (v2sf);
	(v2sf) =	vpush v1, $0x7  }
0x83: {  	s25 =	sshrl.u32 s25, $0x3;
	s30 =	spop (v2sf);
	(v2sf) =	vpush v0, $0x7  }
0x84: {  	s28 =	sadd.s32 $0x4380, s24;
	s25 =	sadd.s32 s3, s25  }
0x85: {  	[tilespmem:s28], [sflag:$0x2] =	stream.linear.gather [hbm4b:s25+s21], $0x80, $0x38;
	[tilespmem:$0x10200] =	vst v63  }
0x86: {  	s26 =	spop (v2sf);
	(v2sf) =	vpush v1, $0x8  }
0x87: {  	s28 =	spop (v2sf);
	(v2sf) =	vpush v0, $0x8;
	_ =	sdelay $0x1  }
0x88: {  	s25 =	sor.u32 s30, s29  }
0x89: {  	s25 =	sshrl.u32 s25, $0x3  }
0x8a: {  	s31 =	sadd.s32 $0x4400, s24;
	s25 =	sadd.s32 s3, s25  }
0x8b: {  	[tilespmem:s31], [sflag:$0x2] =	stream.linear.gather [hbm4b:s25+s21], $0x80, $0x38;
	[tilespmem:$0x10200] =	vst v63  }
0x8c: {  	s25 =	sor.u32 s28, s26;
	s30 =	spop (v2sf);
	(v2sf) =	vpush v1, $0x9  }
0x8d: {  	s25 =	sshrl.u32 s25, $0x3;
	s31 =	spop (v2sf);
	(v2sf) =	vpush v0, $0x9  }
0x8e: {  	s29 =	sadd.s32 $0x4480, s24;
	s25 =	sadd.s32 s3, s25  }
0x8f: {  	[tilespmem:s29], [sflag:$0x2] =	stream.linear.gather [hbm4b:s25+s21], $0x80, $0x38;
	[tilespmem:$0x10200] =	vst v63  }
0x90: {  	s25 =	sor.u32 s31, s30;
	s29 =	spop (v2sf);
	(v2sf) =	vpush v1, $0xA  }
0x91: {  	s25 =	sshrl.u32 s25, $0x3;
	s30 =	spop (v2sf);
	(v2sf) =	vpush v0, $0xA  }
0x92: {  	s28 =	sadd.s32 $0x4500, s24;
	s25 =	sadd.s32 s3, s25  }
0x93: {  	[tilespmem:s28], [sflag:$0x2] =	stream.linear.gather [hbm4b:s25+s21], $0x80, $0x38;
	[tilespmem:$0x10200] =	vst v63  }
0x94: {  	s26 =	spop (v2sf);
	(v2sf) =	vpush v1, $0xB  }
0x95: {  	s28 =	spop (v2sf);
	(v2sf) =	vpush v0, $0xB;
	_ =	sdelay $0x1  }
0x96: {  	s25 =	sor.u32 s30, s29  }
0x97: {  	s25 =	sshrl.u32 s25, $0x3  }
0x98: {  	s31 =	sadd.s32 $0x4580, s24;
	s25 =	sadd.s32 s3, s25  }
0x99: {  	[tilespmem:s31], [sflag:$0x2] =	stream.linear.gather [hbm4b:s25+s21], $0x80, $0x38;
	[tilespmem:$0x10200] =	vst v63  }
0x9a: {  	s25 =	sor.u32 s28, s26;
	s30 =	spop (v2sf);
	(v2sf) =	vpush v1, $0xC  }
0x9b: {  	s25 =	sshrl.u32 s25, $0x3;
	s31 =	spop (v2sf);
	(v2sf) =	vpush v0, $0xC  }
0x9c: {  	s29 =	sadd.s32 $0x4600, s24;
	s25 =	sadd.s32 s3, s25  }
0x9d: {  	[tilespmem:s29], [sflag:$0x2] =	stream.linear.gather [hbm4b:s25+s21], $0x80, $0x38;
	[tilespmem:$0x10200] =	vst v63  }
0x9e: {  	s25 =	sor.u32 s31, s30;
	s29 =	spop (v2sf);
	(v2sf) =	vpush v1, $0xD  }
0x9f: {  	s25 =	sshrl.u32 s25, $0x3;
	s30 =	spop (v2sf);
	(v2sf) =	vpush v0, $0xD  }
0xa0: {  	s28 =	sadd.s32 $0x4680, s24;
	s25 =	sadd.s32 s3, s25  }
0xa1: {  	[tilespmem:s28], [sflag:$0x2] =	stream.linear.gather [hbm4b:s25+s21], $0x80, $0x38;
	[tilespmem:$0x10200] =	vst v63  }
0xa2: {  	s26 =	spop (v2sf);
	(v2sf) =	vpush v1, $0xE  }
0xa3: {  	s28 =	spop (v2sf);
	(v2sf) =	vpush v0, $0xE  }
0xa4: {  	s25 =	sor.u32 s30, s29  }
0xa5: {  	s25 =	sshrl.u32 s25, $0x3  }
0xa6: {  	s31 =	sadd.s32 $0x4700, s24;
	s25 =	sadd.s32 s3, s25  }
0xa7: {  	[tilespmem:s31], [sflag:$0x2] =	stream.linear.gather [hbm4b:s25+s21], $0x80, $0x38;
	[tilespmem:$0x10200] =	vst v63  }
0xa8: {  	s25 =	sor.u32 s28, s26  }
0xa9: {  	s25 =	sshrl.u32 s25, $0x3;
	s30 =	spop (v2sf);
	(v2sf) =	vpush v1, $0xF  }
0xaa: {  	s29 =	sadd.s32 $0x4780, s24;
	s25 =	sadd.s32 s3, s25;
	s31 =	spop (v2sf);
	(v2sf) =	vpush v0, $0xF  }
0xab: {  	[tilespmem:s29], [sflag:$0x2] =	stream.linear.gather [hbm4b:s25+s21], $0x80, $0x38;
	[tilespmem:$0x10200] =	vst v63  }
0xac: {  	s25 =	sor.u32 s31, s30  }
0xad: {  	s29 =	spop (v2sf);
	s25 =	sshrl.u32 s25, $0x3  }
0xae: {  	s28 =	sadd.s32 $0x4800, s24;
	s30 =	spop (v2sf);
	s25 =	sadd.s32 s3, s25  }
0xaf: {  	[tilespmem:s28], [sflag:$0x2] =	stream.linear.gather [hbm4b:s25+s21], $0x80, $0x38;
	[tilespmem:$0x10200] =	vst v63  }
0xb0: {  	s25 =	sor.u32 s30, s29  }
0xb1: {  	s26 =	spop (v2sf);
	s25 =	sshrl.u32 s25, $0x3  }
0xb2: {  	s31 =	sadd.s32 $0x4880, s24;
	s28 =	spop (v2sf);
	s25 =	sadd.s32 s3, s25  }
0xb3: {  	[tilespmem:s31], [sflag:$0x2] =	stream.linear.gather [hbm4b:s25+s21], $0x80, $0x38;
	[tilespmem:$0x10200] =	vst v63  }
0xb4: {  	s25 =	sor.u32 s28, s26  }
0xb5: {  	s25 =	sshrl.u32 s25, $0x3  }
0xb6: {  	s29 =	sadd.s32 $0x4900, s24;
	s25 =	sadd.s32 s3, s25  }
0xb7: {  	[tilespmem:s29], [sflag:$0x2] =	stream.linear.gather [hbm4b:s25+s21], $0x80, $0x38;
	[tilespmem:$0x10200] =	vst v63  }
0xb8: {  	p0 =	sne.s32 s23, $0xE000;
	s30 =	spop (v2sf)  }
.Ltmp1:
0xb9: {  	s31 =	spop (v2sf);
	(pc) =	sbr.rel @p0 .LBB2_4-.Ltmp1, $4  }
0xba: {  	s25 =	sor.u32 s31, s30  }
0xbb: {  	s22 =	sadd.s32 $0x10, s22;
	s25 =	sshrl.u32 s25, $0x3  }
0xbc: {  	s23 =	sadd.s32 $0x2000, s23;
	s24 =	sadd.s32 $0x4980, s24;
	s25 =	sadd.s32 s3, s25  }
0xbd: {  	[tilespmem:s24], [sflag:$0x2] =	stream.linear.gather [hbm4b:s25+s21], $0x80, $0x38;
	[tilespmem:$0x10200] =	vst v63  }
0xbe: {  	s23 =	simm.s32 $0x100  }
.LBB2_6:
0xbf: {  	v0 =	vld [tilespmem:s23+$0x0];
	_ =	sdelay $0x4  }
0xc0: {  	v1 =	vshrl.u32 v0, $0x3  }
0xc1: {  	v0 =	vand.u32 $0x7, v0;
	v1 =	vshll.u32 v1, $0xA  }
0xc2: {  	v0 =	vshll.u32 v0, $0x7;
	(v2sf) =	vpush v1, $0x0  }
0xc3: {  	(v2sf) =	vpush v0, $0x0;
	_ =	sdelay $0x2  }
0xc4: {  	(v2sf) =	vpush v1, $0x1  }
0xc5: {  	(v2sf) =	vpush v0, $0x1;
	_ =	sdelay $0x2  }
0xc6: {  	(v2sf) =	vpush v1, $0x2  }
0xc7: {  	(v2sf) =	vpush v0, $0x2;
	_ =	sdelay $0x5  }
0xc8: {  	s22 =	spop (v2sf);
	(v2sf) =	vpush v1, $0x3  }
0xc9: {  	s24 =	spop (v2sf);
	(v2sf) =	vpush v0, $0x3;
	_ =	sdelay $0x2  }
0xca: {  	s22 =	sor.u32 s24, s22;
	s29 =	spop (v2sf);
	(v2sf) =	vpush v1, $0x4  }
0xcb: {  	s24 =	sshra.s32 s21, $0x2;
	s22 =	sshrl.u32 s22, $0x3;
	s30 =	spop (v2sf);
	(v2sf) =	vpush v0, $0x4  }
0xcc: {  	s25 =	sadd.s32 $0x8200, s24;
	s26 =	sadd.s32 s3, s22;
	s22 =	simm.s32 $0x0  }
0xcd: {  	[tilespmem:s25], [sflag:$0x3] =	stream.linear.gather [hbm4b:s26+s22], $0x80, $0x38;
	[tilespmem:$0x10200] =	vst v63  }
0xce: {  	s26 =	spop (v2sf);
	(v2sf) =	vpush v1, $0x5  }
0xcf: {  	s28 =	spop (v2sf);
	(v2sf) =	vpush v0, $0x5;
	_ =	sdelay $0x1  }
0xd0: {  	s25 =	sor.u32 s30, s29  }
0xd1: {  	s25 =	sshrl.u32 s25, $0x3  }
0xd2: {  	s31 =	sadd.s32 $0x8280, s24;
	s25 =	sadd.s32 s3, s25  }
0xd3: {  	[tilespmem:s31], [sflag:$0x3] =	stream.linear.gather [hbm4b:s25+s22], $0x80, $0x38;
	[tilespmem:$0x10200] =	vst v63  }
0xd4: {  	s25 =	sor.u32 s28, s26;
	s30 =	spop (v2sf);
	(v2sf) =	vpush v1, $0x6  }
0xd5: {  	s25 =	sshrl.u32 s25, $0x3;
	s31 =	spop (v2sf);
	(v2sf) =	vpush v0, $0x6  }
0xd6: {  	s29 =	sadd.s32 $0x8300, s24;
	s25 =	sadd.s32 s3, s25  }
0xd7: {  	[tilespmem:s29], [sflag:$0x3] =	stream.linear.gather [hbm4b:s25+s22], $0x80, $0x38;
	[tilespmem:$0x10200] =	vst v63  }
0xd8: {  	s25 =	sor.u32 s31, s30;
	s29 =	spop (v2sf);
	(v2sf) =	vpush v1, $0x7  }
0xd9: {  	s25 =	sshrl.u32 s25, $0x3;
	s30 =	spop (v2sf);
	(v2sf) =	vpush v0, $0x7  }
0xda: {  	s28 =	sadd.s32 $0x8380, s24;
	s25 =	sadd.s32 s3, s25  }
0xdb: {  	[tilespmem:s28], [sflag:$0x3] =	stream.linear.gather [hbm4b:s25+s22], $0x80, $0x38;
	[tilespmem:$0x10200] =	vst v63  }
0xdc: {  	s26 =	spop (v2sf);
	(v2sf) =	vpush v1, $0x8  }
0xdd: {  	s28 =	spop (v2sf);
	(v2sf) =	vpush v0, $0x8;
	_ =	sdelay $0x1  }
0xde: {  	s25 =	sor.u32 s30, s29  }
0xdf: {  	s25 =	sshrl.u32 s25, $0x3  }
0xe0: {  	s31 =	sadd.s32 $0x8400, s24;
	s25 =	sadd.s32 s3, s25  }
0xe1: {  	[tilespmem:s31], [sflag:$0x3] =	stream.linear.gather [hbm4b:s25+s22], $0x80, $0x38;
	[tilespmem:$0x10200] =	vst v63  }
0xe2: {  	s25 =	sor.u32 s28, s26;
	s30 =	spop (v2sf);
	(v2sf) =	vpush v1, $0x9  }
0xe3: {  	s25 =	sshrl.u32 s25, $0x3;
	s31 =	spop (v2sf);
	(v2sf) =	vpush v0, $0x9  }
0xe4: {  	s29 =	sadd.s32 $0x8480, s24;
	s25 =	sadd.s32 s3, s25  }
0xe5: {  	[tilespmem:s29], [sflag:$0x3] =	stream.linear.gather [hbm4b:s25+s22], $0x80, $0x38;
	[tilespmem:$0x10200] =	vst v63  }
0xe6: {  	s25 =	sor.u32 s31, s30;
	s29 =	spop (v2sf);
	(v2sf) =	vpush v1, $0xA  }
0xe7: {  	s25 =	sshrl.u32 s25, $0x3;
	s30 =	spop (v2sf);
	(v2sf) =	vpush v0, $0xA  }
0xe8: {  	s28 =	sadd.s32 $0x8500, s24;
	s25 =	sadd.s32 s3, s25  }
0xe9: {  	[tilespmem:s28], [sflag:$0x3] =	stream.linear.gather [hbm4b:s25+s22], $0x80, $0x38;
	[tilespmem:$0x10200] =	vst v63  }
0xea: {  	s26 =	spop (v2sf);
	(v2sf) =	vpush v1, $0xB  }
0xeb: {  	s28 =	spop (v2sf);
	(v2sf) =	vpush v0, $0xB;
	_ =	sdelay $0x1  }
0xec: {  	s25 =	sor.u32 s30, s29  }
0xed: {  	s25 =	sshrl.u32 s25, $0x3  }
0xee: {  	s31 =	sadd.s32 $0x8580, s24;
	s25 =	sadd.s32 s3, s25  }
0xef: {  	[tilespmem:s31], [sflag:$0x3] =	stream.linear.gather [hbm4b:s25+s22], $0x80, $0x38;
	[tilespmem:$0x10200] =	vst v63  }
0xf0: {  	s25 =	sor.u32 s28, s26;
	s30 =	spop (v2sf);
	(v2sf) =	vpush v1, $0xC  }
0xf1: {  	s25 =	sshrl.u32 s25, $0x3;
	s31 =	spop (v2sf);
	(v2sf) =	vpush v0, $0xC  }
0xf2: {  	s29 =	sadd.s32 $0x8600, s24;
	s25 =	sadd.s32 s3, s25  }
0xf3: {  	[tilespmem:s29], [sflag:$0x3] =	stream.linear.gather [hbm4b:s25+s22], $0x80, $0x38;
	[tilespmem:$0x10200] =	vst v63  }
0xf4: {  	s25 =	sor.u32 s31, s30;
	s29 =	spop (v2sf);
	(v2sf) =	vpush v1, $0xD  }
0xf5: {  	s25 =	sshrl.u32 s25, $0x3;
	s30 =	spop (v2sf);
	(v2sf) =	vpush v0, $0xD  }
0xf6: {  	s28 =	sadd.s32 $0x8680, s24;
	s25 =	sadd.s32 s3, s25  }
0xf7: {  	[tilespmem:s28], [sflag:$0x3] =	stream.linear.gather [hbm4b:s25+s22], $0x80, $0x38;
	[tilespmem:$0x10200] =	vst v63  }
0xf8: {  	s26 =	spop (v2sf);
	(v2sf) =	vpush v1, $0xE  }
0xf9: {  	s28 =	spop (v2sf);
	(v2sf) =	vpush v0, $0xE  }
0xfa: {  	s25 =	sor.u32 s30, s29  }
0xfb: {  	s25 =	sshrl.u32 s25, $0x3  }
0xfc: {  	s31 =	sadd.s32 $0x8700, s24;
	s25 =	sadd.s32 s3, s25  }
0xfd: {  	[tilespmem:s31], [sflag:$0x3] =	stream.linear.gather [hbm4b:s25+s22], $0x80, $0x38;
	[tilespmem:$0x10200] =	vst v63  }
0xfe: {  	s25 =	sor.u32 s28, s26  }
0xff: {  	s25 =	sshrl.u32 s25, $0x3;
	s30 =	spop (v2sf);
	(v2sf) =	vpush v1, $0xF  }
0x100: {  	s29 =	sadd.s32 $0x8780, s24;
	s25 =	sadd.s32 s3, s25;
	s31 =	spop (v2sf);
	(v2sf) =	vpush v0, $0xF  }
0x101: {  	[tilespmem:s29], [sflag:$0x3] =	stream.linear.gather [hbm4b:s25+s22], $0x80, $0x38;
	[tilespmem:$0x10200] =	vst v63  }
0x102: {  	s25 =	sor.u32 s31, s30  }
0x103: {  	s29 =	spop (v2sf);
	s25 =	sshrl.u32 s25, $0x3  }
0x104: {  	s28 =	sadd.s32 $0x8800, s24;
	s30 =	spop (v2sf);
	s25 =	sadd.s32 s3, s25  }
0x105: {  	[tilespmem:s28], [sflag:$0x3] =	stream.linear.gather [hbm4b:s25+s22], $0x80, $0x38;
	[tilespmem:$0x10200] =	vst v63  }
0x106: {  	s25 =	sor.u32 s30, s29  }
0x107: {  	s26 =	spop (v2sf);
	s25 =	sshrl.u32 s25, $0x3  }
0x108: {  	s31 =	sadd.s32 $0x8880, s24;
	s28 =	spop (v2sf);
	s25 =	sadd.s32 s3, s25  }
0x109: {  	[tilespmem:s31], [sflag:$0x3] =	stream.linear.gather [hbm4b:s25+s22], $0x80, $0x38;
	[tilespmem:$0x10200] =	vst v63  }
0x10a: {  	s25 =	sor.u32 s28, s26  }
0x10b: {  	s25 =	sshrl.u32 s25, $0x3  }
0x10c: {  	s29 =	sadd.s32 $0x8900, s24;
	s25 =	sadd.s32 s3, s25  }
0x10d: {  	[tilespmem:s29], [sflag:$0x3] =	stream.linear.gather [hbm4b:s25+s22], $0x80, $0x38;
	[tilespmem:$0x10200] =	vst v63  }
0x10e: {  	p0 =	sne.s32 s21, $0xE000;
	s30 =	spop (v2sf)  }
.Ltmp2:
0x10f: {  	s31 =	spop (v2sf);
	(pc) =	sbr.rel @p0 .LBB2_6-.Ltmp2, $4  }
0x110: {  	s25 =	sor.u32 s31, s30  }
0x111: {  	s23 =	sadd.s32 $0x10, s23;
	s25 =	sshrl.u32 s25, $0x3  }
0x112: {  	s21 =	sadd.s32 $0x2000, s21;
	s24 =	sadd.s32 $0x8980, s24;
	s25 =	sadd.s32 s3, s25  }
0x113: {  	[tilespmem:s24], [sflag:$0x3] =	stream.linear.gather [hbm4b:s25+s22], $0x80, $0x38;
	[tilespmem:$0x10200] =	vst v63  }
0x114: {  	s21 =	simm.s32 $0x180  }
.LBB2_8:
0x115: {  	v0 =	vld [tilespmem:s21+$0x0];
	_ =	sdelay $0x4  }
0x116: {  	v1 =	vshrl.u32 v0, $0x3  }
0x117: {  	v0 =	vand.u32 $0x7, v0;
	v1 =	vshll.u32 v1, $0xA  }
0x118: {  	v0 =	vshll.u32 v0, $0x7;
	(v2sf) =	vpush v1, $0x0  }
0x119: {  	(v2sf) =	vpush v0, $0x0;
	_ =	sdelay $0x2  }
0x11a: {  	(v2sf) =	vpush v1, $0x1  }
0x11b: {  	(v2sf) =	vpush v0, $0x1;
	_ =	sdelay $0x2  }
0x11c: {  	(v2sf) =	vpush v1, $0x2  }
0x11d: {  	(v2sf) =	vpush v0, $0x2;
	_ =	sdelay $0x5  }
0x11e: {  	s23 =	spop (v2sf);
	(v2sf) =	vpush v1, $0x3  }
0x11f: {  	s24 =	spop (v2sf);
	(v2sf) =	vpush v0, $0x3;
	_ =	sdelay $0x2  }
0x120: {  	s24 =	sor.u32 s24, s23;
	s29 =	spop (v2sf);
	(v2sf) =	vpush v1, $0x4  }
0x121: {  	s23 =	sshra.s32 s22, $0x2;
	s24 =	sshrl.u32 s24, $0x3;
	s30 =	spop (v2sf);
	(v2sf) =	vpush v0, $0x4  }
0x122: {  	s25 =	sadd.s32 $0xC200, s23;
	s24 =	sadd.s32 s3, s24  }
0x123: {  	[tilespmem:s25], [sflag:$0x4] =	stream.linear.gather [hbm4b:s24+s2], $0x80, $0x38;
	[tilespmem:$0x10200] =	vst v63  }
0x124: {  	s25 =	spop (v2sf);
	(v2sf) =	vpush v1, $0x5  }
0x125: {  	s26 =	spop (v2sf);
	(v2sf) =	vpush v0, $0x5;
	_ =	sdelay $0x5  }
0x126: {  	s24 =	sor.u32 s30, s29;
	s29 =	spop (v2sf);
	(v2sf) =	vpush v1, $0x6  }
0x127: {  	s24 =	sshrl.u32 s24, $0x3;
	s30 =	spop (v2sf);
	(v2sf) =	vpush v0, $0x6  }
0x128: {  	s31 =	sadd.s32 $0xC280, s23;
	s24 =	sadd.s32 s3, s24  }
0x129: {  	[tilespmem:s31], [sflag:$0x4] =	stream.linear.gather [hbm4b:s24+s2], $0x80, $0x38;
	[tilespmem:$0x10200] =	vst v63  }
0x12a: {  	s24 =	sor.u32 s26, s25;
	s25 =	spop (v2sf);
	(v2sf) =	vpush v1, $0x7  }
0x12b: {  	s24 =	sshrl.u32 s24, $0x3;
	s26 =	spop (v2sf);
	(v2sf) =	vpush v0, $0x7  }
0x12c: {  	s28 =	sadd.s32 $0xC300, s23;
	s24 =	sadd.s32 s3, s24  }
0x12d: {  	[tilespmem:s28], [sflag:$0x4] =	stream.linear.gather [hbm4b:s24+s2], $0x80, $0x38;
	[tilespmem:$0x10200] =	vst v63  }
0x12e: {  	s24 =	sor.u32 s30, s29;
	s29 =	spop (v2sf);
	(v2sf) =	vpush v1, $0x8  }
0x12f: {  	s30 =	spop (v2sf);
	(v2sf) =	vpush v0, $0x8;
	_ =	sdelay $0x1  }
0x130: {  	s24 =	sshrl.u32 s24, $0x3  }
0x131: {  	s31 =	sadd.s32 $0xC380, s23;
	s24 =	sadd.s32 s3, s24  }
0x132: {  	[tilespmem:s31], [sflag:$0x4] =	stream.linear.gather [hbm4b:s24+s2], $0x80, $0x38;
	[tilespmem:$0x10200] =	vst v63  }
0x133: {  	s24 =	sor.u32 s26, s25  }
0x134: {  	s24 =	sshrl.u32 s24, $0x3;
	s25 =	spop (v2sf);
	(v2sf) =	vpush v1, $0x9  }
0x135: {  	s28 =	sadd.s32 $0xC400, s23;
	s24 =	sadd.s32 s3, s24;
	s26 =	spop (v2sf);
	(v2sf) =	vpush v0, $0x9  }
0x136: {  	[tilespmem:s28], [sflag:$0x4] =	stream.linear.gather [hbm4b:s24+s2], $0x80, $0x38;
	[tilespmem:$0x10200] =	vst v63  }
0x137: {  	s24 =	sor.u32 s30, s29  }
0x138: {  	s24 =	sshrl.u32 s24, $0x3;
	s29 =	spop (v2sf);
	(v2sf) =	vpush v1, $0xA  }
0x139: {  	s31 =	sadd.s32 $0xC480, s23;
	s24 =	sadd.s32 s3, s24;
	s30 =	spop (v2sf);
	(v2sf) =	vpush v0, $0xA  }
0x13a: {  	[tilespmem:s31], [sflag:$0x4] =	stream.linear.gather [hbm4b:s24+s2], $0x80, $0x38;
	[tilespmem:$0x10200] =	vst v63  }
0x13b: {  	s24 =	sor.u32 s26, s25  }
0x13c: {  	s24 =	sshrl.u32 s24, $0x3;
	s25 =	spop (v2sf);
	(v2sf) =	vpush v1, $0xB  }
0x13d: {  	s28 =	sadd.s32 $0xC500, s23;
	s24 =	sadd.s32 s3, s24;
	s26 =	spop (v2sf);
	(v2sf) =	vpush v0, $0xB  }
0x13e: {  	[tilespmem:s28], [sflag:$0x4] =	stream.linear.gather [hbm4b:s24+s2], $0x80, $0x38;
	[tilespmem:$0x10200] =	vst v63  }
0x13f: {  	s24 =	sor.u32 s30, s29  }
0x140: {  	s24 =	sshrl.u32 s24, $0x3  }
0x141: {  	s31 =	sadd.s32 $0xC580, s23;
	s24 =	sadd.s32 s3, s24  }
0x142: {  	[tilespmem:s31], [sflag:$0x4] =	stream.linear.gather [hbm4b:s24+s2], $0x80, $0x38;
	[tilespmem:$0x10200] =	vst v63  }
0x143: {  	s24 =	sor.u32 s26, s25;
	s29 =	spop (v2sf);
	(v2sf) =	vpush v1, $0xC  }
0x144: {  	s24 =	sshrl.u32 s24, $0x3;
	s30 =	spop (v2sf);
	(v2sf) =	vpush v0, $0xC  }
0x145: {  	s28 =	sadd.s32 $0xC600, s23;
	s24 =	sadd.s32 s3, s24  }
0x146: {  	[tilespmem:s28], [sflag:$0x4] =	stream.linear.gather [hbm4b:s24+s2], $0x80, $0x38;
	[tilespmem:$0x10200] =	vst v63  }
0x147: {  	s24 =	sor.u32 s30, s29;
	s25 =	spop (v2sf);
	(v2sf) =	vpush v1, $0xD  }
0x148: {  	s24 =	sshrl.u32 s24, $0x3;
	s26 =	spop (v2sf);
	(v2sf) =	vpush v0, $0xD  }
0x149: {  	s31 =	sadd.s32 $0xC680, s23;
	s24 =	sadd.s32 s3, s24  }
0x14a: {  	[tilespmem:s31], [sflag:$0x4] =	stream.linear.gather [hbm4b:s24+s2], $0x80, $0x38;
	[tilespmem:$0x10200] =	vst v63  }
0x14b: {  	s29 =	spop (v2sf);
	(v2sf) =	vpush v1, $0xE  }
0x14c: {  	s30 =	spop (v2sf);
	(v2sf) =	vpush v0, $0xE  }
0x14d: {  	s24 =	sor.u32 s26, s25  }
0x14e: {  	s24 =	sshrl.u32 s24, $0x3  }
0x14f: {  	s28 =	sadd.s32 $0xC700, s23;
	s24 =	sadd.s32 s3, s24  }
0x150: {  	[tilespmem:s28], [sflag:$0x4] =	stream.linear.gather [hbm4b:s24+s2], $0x80, $0x38;
	[tilespmem:$0x10200] =	vst v63  }
0x151: {  	s24 =	sor.u32 s30, s29  }
0x152: {  	s24 =	sshrl.u32 s24, $0x3;
	s25 =	spop (v2sf);
	(v2sf) =	vpush v1, $0xF  }
0x153: {  	s31 =	sadd.s32 $0xC780, s23;
	s24 =	sadd.s32 s3, s24;
	s26 =	spop (v2sf);
	(v2sf) =	vpush v0, $0xF  }
0x154: {  	[tilespmem:s31], [sflag:$0x4] =	stream.linear.gather [hbm4b:s24+s2], $0x80, $0x38;
	[tilespmem:$0x10200] =	vst v63  }
0x155: {  	s24 =	sor.u32 s26, s25  }
0x156: {  	s29 =	spop (v2sf);
	s24 =	sshrl.u32 s24, $0x3  }
0x157: {  	s28 =	sadd.s32 $0xC800, s23;
	s30 =	spop (v2sf);
	s24 =	sadd.s32 s3, s24  }
0x158: {  	[tilespmem:s28], [sflag:$0x4] =	stream.linear.gather [hbm4b:s24+s2], $0x80, $0x38;
	[tilespmem:$0x10200] =	vst v63  }
0x159: {  	s24 =	sor.u32 s30, s29  }
0x15a: {  	s26 =	spop (v2sf);
	s24 =	sshrl.u32 s24, $0x3  }
0x15b: {  	s31 =	sadd.s32 $0xC880, s23;
	s28 =	spop (v2sf);
	s24 =	sadd.s32 s3, s24  }
0x15c: {  	[tilespmem:s31], [sflag:$0x4] =	stream.linear.gather [hbm4b:s24+s2], $0x80, $0x38;
	[tilespmem:$0x10200] =	vst v63  }
0x15d: {  	s24 =	sor.u32 s28, s26  }
0x15e: {  	s24 =	sshrl.u32 s24, $0x3  }
0x15f: {  	s29 =	sadd.s32 $0xC900, s23;
	s24 =	sadd.s32 s3, s24  }
0x160: {  	[tilespmem:s29], [sflag:$0x4] =	stream.linear.gather [hbm4b:s24+s2], $0x80, $0x38;
	[tilespmem:$0x10200] =	vst v63  }
0x161: {  	p0 =	sne.s32 s22, $0xE000;
	s30 =	spop (v2sf)  }
.Ltmp3:
0x162: {  	s31 =	spop (v2sf);
	(pc) =	sbr.rel @p0 .LBB2_8-.Ltmp3, $4  }
0x163: {  	s24 =	sor.u32 s31, s30  }
0x164: {  	s21 =	sadd.s32 $0x10, s21;
	s24 =	sshrl.u32 s24, $0x3  }
0x165: {  	s22 =	sadd.s32 $0x2000, s22;
	s23 =	sadd.s32 $0xC980, s23;
	s24 =	sadd.s32 s3, s24  }
0x166: {  	[tilespmem:s23], [sflag:$0x4] =	stream.linear.gather [hbm4b:s24+s2], $0x80, $0x38;
	[tilespmem:$0x10200] =	vst v63  }
0x167: {  	_ =	swait.ge [sflag:s11], $0x4000  }
0x168: {  	[sflag:s11] =	ssyncset.done $0x0  }
0x169: {  	[sflag:s11] =	ssyncadd.s32 $0xFFFFC000  }
0x16a: {  	[hbm4b:s5+s2] =	stream.linear.scatter [tilespmem:s12], [sflag:$0x5], $0x4000, $0x38;
	[tilespmem:$0x10200] =	vst v63  }
0x16b: {  	_ =	swait.ge [sflag:s13], $0x4000  }
0x16c: {  	[sflag:s13] =	ssyncset.done $0x0  }
0x16d: {  	[sflag:s13] =	ssyncadd.s32 $0xFFFFC000  }
0x16e: {  	[hbm4b:s6+s2] =	stream.linear.scatter [tilespmem:s14], [sflag:$0x5], $0x4000, $0x38;
	[tilespmem:$0x10200] =	vst v63  }
0x16f: {  	_ =	swait.ge [sflag:s15], $0x4000  }
0x170: {  	[sflag:s15] =	ssyncset.done $0x0  }
0x171: {  	[sflag:s15] =	ssyncadd.s32 $0xFFFFC000  }
0x172: {  	[hbm4b:s7+s2] =	stream.linear.scatter [tilespmem:s16], [sflag:$0x5], $0x4000, $0x38;
	[tilespmem:$0x10200] =	vst v63  }
0x173: {  	_ =	swait.ge [sflag:s17], $0x4000  }
0x174: {  	[sflag:s17] =	ssyncset.done $0x0  }
0x175: {  	[sflag:s17] =	ssyncadd.s32 $0xFFFFC000  }
0x176: {  	[hbm4b:s8+s2] =	stream.linear.scatter [tilespmem:s18], [sflag:$0x5], $0x4000, $0x38;
	[tilespmem:$0x10200] =	vst v63  }
0x177: {  	_ =	swait.ge [sflag:s19], $0x4000  }
0x178: {  	[sflag:s19] =	ssyncset.done $0x0  }
0x179: {  	[sflag:s19] =	ssyncadd.s32 $0xFFFFC000  }
0x17a: {  	_ =	swait.ge [sflag:s19], $0x4000  }
0x17b: {  	[sflag:s19] =	ssyncset.done $0x0  }
0x17c: {  	s20 =	sadd.s32 $0x1, s20;
	[sflag:s19] =	ssyncadd.s32 $0xFFFFC000  }
0x17d: {  	p0 =	sne.s32 s20, s9;
	_ =	swait.ge [sflag:s19], $0x4000  }
.Ltmp4:
0x17e: {  	[sflag:s19] =	ssyncset.done $0x0;
	(pc) =	sbr.rel @p0 .LBB2_1-.Ltmp4, $4  }
0x17f: {  	[sflag:s19] =	ssyncadd.s32 $0xFFFFC000  }
0x180: {  	_ =	swait.ge [sflag:s19], $0x4000  }
0x181: {  	[sflag:s19] =	ssyncset.done $0x0  }
0x182: {  	[sflag:s19] =	ssyncadd.s32 $0xFFFFC000  }
0x183: {  	_ =	sfence.sel $0x180000  }
0x184: {  	[bflag:$0x0] =	sbarrier.arrive $0xFFFF  }
0x185: {  	p0 =	sne.s32 s1, $0x0;
	_ =	strace $0x90000047  }
0x186: {  	s0 =	sadd.s32 @!p0 $0x100000, s0;
	[bflag:$0x2] =	sbarrier.arrive $0xFFFF  }
0x187: {  	[sflag:s0] =	ssyncadd.tile.s32 @!p0 $0x1;
	_ =	shalt  }
.Lfunc_end2:
_tile_overlayer_lowered:
.L_overlay_start_2:
0x188: {  	(tag) =	ssettag $0x2  }
0x189: {  	s0 =	rddreg [dreg:$0x0];
	s2 =	stileid.u32  }
0x18a: {  	s1 =	rddreg [dreg:$0x1];
	p0 =	sne.s32 s2, $0x0  }
0x18b: {  	s3 =	rddreg [dreg:$0x2];
	[bflag:$0x3] =	sbarrier.arrive $0xFFFF;
	s2 =	simm.s32 @!p0 $0x1C06  }
0x18c: {  	[timem:s3], [sflag:s2] =	dma.local @!p0 [hbm:s0], s1  }
0x18d: {  	s0 =	simm.s32 @!p0 $0x6  }
0x18e: {  	_ =	swait.ge @!p0 [sflag:s0], s1  }
0x18f: {  	s1 =	ssub.s32 @!p0 $0x0, s1;
	[sflag:s0] =	ssyncset.done @!p0 $0x0  }
0x190: {  	[sflag:s0] =	ssyncadd.s32 @!p0 s1  }
0x191: {  	[bflag:$0x3] =	sbarrier.arrive $0xFFFF  }
0x192: {  	_ =	shalt  }

</sc_bundles>
